<compile_context>
chip_gen: v7x
topology: tpu7x:2x2x1
jax: 0.10.2.dev20260603
libtpu: 0.0.44.dev20260713+nightly
codegen_flags: <defaults>
</compile_context>

<pallas_src>
import functools

import jax
import jax.numpy as jnp
from jax import lax
from jax.experimental import pallas as pl
from jax.experimental.pallas import tpu as pltpu
from jax.experimental.pallas import tpu_sc as plsc

N_NODES = 10000
N_EDGES = 320000
D = 128

NUM_WORKERS = 32
EDGES_PER_WORKER = N_EDGES // NUM_WORKERS
CHUNK = 80
SUPER = 25
NUM_SUPER = EDGES_PER_WORKER // (CHUNK * SUPER)
ROWS_PER_TILE = 632
N_PAD = 16 * ROWS_PER_TILE


def _mm_body(x_ref, w_ref, o_ref):
    o_ref[...] = jnp.dot(x_ref[...], w_ref[...],
                         preferred_element_type=jnp.float32)


def _matmul(x, w):
    blk = 2000
    return pl.pallas_call(
        _mm_body,
        grid=(N_NODES // blk,),
        in_specs=[
            pl.BlockSpec((blk, D), lambda i: (i, 0)),
            pl.BlockSpec((D, D), lambda i: (0, 0)),
        ],
        out_specs=pl.BlockSpec((blk, D), lambda i: (i, 0)),
        out_shape=jax.ShapeDtypeStruct((N_NODES, D), jnp.float32),
    )(x, w)


def _build_spmm():
    mesh = plsc.VectorSubcoreMesh(core_axis_name="c", subcore_axis_name="s")

    @functools.partial(
        pl.kernel,
        mesh=mesh,
        out_type=jax.ShapeDtypeStruct((2, N_PAD, D), jnp.float32),
        scratch_types=[
            pltpu.VMEM((SUPER, CHUNK), jnp.int32),
            pltpu.VMEM((SUPER, CHUNK), jnp.int32),
            pltpu.VMEM((SUPER * CHUNK,), jnp.float32),
            pltpu.VMEM((CHUNK, D), jnp.float32),
            pltpu.VMEM_SHARED((N_PAD, D), jnp.float32),
            pltpu.SemaphoreType.DMA,
        ],
    )
    def spmm(xh_hbm, col_hbm, row_hbm, adj_hbm, zero_hbm, out_hbm,
             col_v, row_v, adj_v, rows_v, acc_s, sem):
        c = lax.axis_index("c")
        s = lax.axis_index("s")
        wid = c * 16 + s

        pltpu.sync_copy(zero_hbm, acc_s.at[pl.ds(s * ROWS_PER_TILE,
                                                 ROWS_PER_TILE)])
        plsc.subcore_barrier()

        def super_body(u, carry):
            pltpu.sync_copy(col_hbm.at[wid, u], col_v)
            pltpu.sync_copy(row_hbm.at[wid, u], row_v)
            pltpu.sync_copy(adj_hbm.at[wid, u], adj_v)

            def chunk_body(j, carry2):
                pltpu.async_copy(xh_hbm.at[col_v.at[j]], rows_v, sem).wait()

                def scale_body(g, carry3):
                    av = adj_v[pl.ds(j * CHUNK + g * 16, 16)]
                    for e16 in range(16):
                        a = av[e16]
                        e = g * 16 + e16
                        for k in range(D // 16):
                            sl = pl.ds(k * 16, 16)
                            rows_v[e, sl] = rows_v[e, sl] * a
                    return carry3

                lax.fori_loop(0, CHUNK // 16, scale_body, 0, unroll=False)

                pltpu.sync_copy(rows_v, acc_s.at[row_v.at[j]], add=True)
                return carry2

            lax.fori_loop(0, SUPER, chunk_body, 0, unroll=False)
            return carry

        lax.fori_loop(0, NUM_SUPER, super_body, 0, unroll=False)
        plsc.subcore_barrier()

        sl = pl.ds(s * ROWS_PER_TILE, ROWS_PER_TILE)
        pltpu.sync_copy(acc_s.at[sl], out_hbm.at[c, sl])

    return spmm


_spmm = _build_spmm()


def _prelu_body(a_ref, p_ref, o_ref):
    a = a_ref[0, 0]
    agg = p_ref[0] + p_ref[1]
    o_ref[...] = jnp.where(agg >= 0.0, agg, a * agg)


def _prelu(parts, prelu_a):
    blk = 2000
    return pl.pallas_call(
        _prelu_body,
        grid=(N_NODES // blk,),
        in_specs=[
            pl.BlockSpec(memory_space=pltpu.SMEM),
            pl.BlockSpec((2, blk, D), lambda i: (0, i, 0)),
        ],
        out_specs=pl.BlockSpec((blk, D), lambda i: (i, 0)),
        out_shape=jax.ShapeDtypeStruct((N_NODES, D), jnp.float32),
    )(prelu_a, parts)


def kernel(x, edge_index, adj_vals, W, prelu_a):
    xh = _matmul(x, W)
    ei = edge_index.astype(jnp.int32)
    row4 = ei[0].reshape(NUM_WORKERS, NUM_SUPER, SUPER, CHUNK)
    col4 = ei[1].reshape(NUM_WORKERS, NUM_SUPER, SUPER, CHUNK)
    adj3 = adj_vals.reshape(NUM_WORKERS, NUM_SUPER, SUPER * CHUNK)
    zero_rows = jnp.zeros((ROWS_PER_TILE, D), jnp.float32)
    parts = _spmm(xh, col4, row4, adj3, zero_rows)
    return _prelu(parts, prelu_a.reshape(1, 1))

# --- scband reference (transcript-rebuilt; emitter-appended) ---
"""Pipeline reference for scband-graph-conv-6648609374671 (READ-ONLY COPY).

The authoritative reference and input builder live on the scoring server;
editing this copy changes nothing except your own understanding.
"""

import jax, jax.numpy as jnp
import numpy as np

N_NODES = 10000
N_EDGES = 320000
D_IN = 128
D_OUT = 128


def setup_inputs(seed: int = 0) -> dict:
    key = jax.random.key(seed)
    kx, ke, kv, kw = (jax.random.fold_in(key, i) for i in range(4))
    x = jax.random.normal(kx, (N_NODES, D_IN), dtype=jnp.float32)
    edge_index = jax.random.randint(ke, (2, N_EDGES), 0, N_NODES, dtype=jnp.int64)
    adj_vals = jax.random.uniform(kv, (N_EDGES,), dtype=jnp.float32)
    # Xavier-style uniform init: stdv = 1/sqrt(output_dim)
    stdv = 1.0 / np.sqrt(D_OUT)
    W = jax.random.uniform(kw, (D_IN, D_OUT), dtype=jnp.float32, minval=-stdv, maxval=stdv)
    # PReLU learnable slope (single parameter, torch default init 0.25)
    prelu_a = jnp.asarray(0.25, dtype=jnp.float32)
    return {"x": x, "edge_index": edge_index, "adj_vals": adj_vals, "W": W, "prelu_a": prelu_a}


def reference(x, edge_index, adj_vals, W, prelu_a):
    # x_hidden = dropout(x @ W); gc_drop=0.0 -> identity
    x_hidden = jnp.dot(x, W)
    # spmm(adj, x_hidden): adj in COO with row=edge_index[0], col=edge_index[1]
    row = edge_index[0]
    col = edge_index[1]
    msgs = jnp.take(x_hidden, col, axis=0) * adj_vals[:, None]
    agg = jax.ops.segment_sum(msgs, row, num_segments=x.shape[0])
    # PReLU activation: max(0, x) + a * min(0, x)
    out = jnp.where(agg >= 0, agg, prelu_a * agg)
    return out

if __name__ == "__main__":
    import jax
    _d = setup_inputs()
    print(jax.jit(kernel)(*tuple(_d.values())))

</pallas_src>

<mosaic_0001>
#map = affine_map<(d0, d1) -> (0, 0)>
#map1 = affine_map<(d0, d1) -> (0, 0, 0, 0)>
#map2 = affine_map<(d0, d1) -> (0, 0, 0)>
module attributes {stable_mosaic.version = 14 : i64} {
  func.func @spmm(%arg0: i32, %arg1: i32, %arg2: memref<10000x128xf32, #tpu.memory_space<hbm>>, %arg3: memref<32x5x25x80xi32, #tpu.memory_space<hbm>>, %arg4: memref<32x5x25x80xi32, #tpu.memory_space<hbm>>, %arg5: memref<32x5x2000xf32, #tpu.memory_space<hbm>>, %arg6: memref<632x128xf32, #tpu.memory_space<hbm>>, %arg7: memref<2x10112x128xf32, #tpu.memory_space<hbm>>, %arg8: memref<25x80xi32, #tpu.memory_space<vmem>>, %arg9: memref<25x80xi32, #tpu.memory_space<vmem>>, %arg10: memref<2000xf32, #tpu.memory_space<vmem>>, %arg11: memref<80x128xf32, #tpu.memory_space<vmem>>, %arg12: memref<10112x128xf32, #tpu.memory_space<vmem_shared>>, %arg13: memref<!tpu.dma_semaphore, #tpu.memory_space<semaphore_mem>>) attributes {dimension_semantics = [#tpu.dimension_semantics<core_parallel>, #tpu.dimension_semantics<subcore_parallel>], iteration_bounds = array<i64: 2, 16>, scalar_prefetch = 0 : i64, scratch_operands = 6 : i64, tpu.core_type = #tpu.core_type<sc_vector_subcore>, window_params = [{transform_indices = #map}, {transform_indices = #map1}, {transform_indices = #map1}, {transform_indices = #map2}, {transform_indices = #map}, {transform_indices = #map2}]} {
    %mul3A = arith.constant 16 : i32
    %mul3A_0 = arith.muli %arg0, %mul3A : i32
    %add3A = arith.addi %mul3A_0, %arg1 : i32
    %mul3A_1 = arith.constant 632 : i32
    %mul3A_2 = arith.muli %arg1, %mul3A_1 : i32
    "tpu.region"() ({
      %run_scoped3A = tpu.sem_alloc : memref<!tpu.dma_semaphore, #tpu.memory_space<semaphore_mem>>
      %dma_start3A = arith.constant 0 : i32
      %dma_start3A_11 = tpu.memref_slice %arg12[%mul3A_2, %dma_start3A] : memref<10112x128xf32, #tpu.memory_space<vmem_shared>> -> memref<632x128xf32, #tpu.memory_space<vmem_shared>>
      tpu.enqueue_dma source(%arg6 : memref<632x128xf32, #tpu.memory_space<hbm>>) target(%dma_start3A_11 : memref<632x128xf32, #tpu.memory_space<vmem_shared>>) target_semaphore(%run_scoped3A : memref<!tpu.dma_semaphore, #tpu.memory_space<semaphore_mem>>)
      %dma_wait3A = arith.constant 0 : i32
      %dma_wait3A_12 = tpu.memref_slice %arg12[%mul3A_2, %dma_wait3A] : memref<10112x128xf32, #tpu.memory_space<vmem_shared>> -> memref<632x128xf32, #tpu.memory_space<vmem_shared>>
      tpu.wait_dma2 semaphore(%run_scoped3A : memref<!tpu.dma_semaphore, #tpu.memory_space<semaphore_mem>>) src(%arg6 : memref<632x128xf32, #tpu.memory_space<hbm>>) dst(%dma_wait3A_12 : memref<632x128xf32, #tpu.memory_space<vmem_shared>>)
      tpu.yield
    }) : () -> ()
    %barrier3A = arith.constant 0 : index
    tpu.barrier barrier_id(%barrier3A)
    %scan3A = arith.constant 0 : i32
    %scan3A_3 = arith.constant 0 : i32
    %scan3A_4 = arith.constant 5 : i32
    %scan3A_5 = arith.addi %scan3A_3, %scan3A_4 : i32
    %scan3A_6 = arith.constant 1 : i32
    scf.for %scan3A_11 = %scan3A_3 to %scan3A_5 step %scan3A_6  : i32 {
      "tpu.region"() ({
        %run_scoped3A = tpu.sem_alloc : memref<!tpu.dma_semaphore, #tpu.memory_space<semaphore_mem>>
        %dma_start3A = arith.constant 0 : i32
        %dma_start3A_18 = arith.constant 0 : i32
        %dma_start3A_19 = tpu.memref_slice %arg3[%add3A, %scan3A_11, %dma_start3A, %dma_start3A_18] : memref<32x5x25x80xi32, #tpu.memory_space<hbm>> -> memref<1x1x25x80xi32, #tpu.memory_space<hbm>>
        %dma_start3A_20 = tpu.memref_squeeze %dma_start3A_19 : memref<1x1x25x80xi32, #tpu.memory_space<hbm>> -> memref<25x80xi32, #tpu.memory_space<hbm>>
        %dma_start3A_21 = arith.constant 0 : i32
        %dma_start3A_22 = arith.constant 0 : i32
        %dma_start3A_23 = tpu.memref_slice %arg3[%add3A, %scan3A_11, %dma_start3A_21, %dma_start3A_22] : memref<32x5x25x80xi32, #tpu.memory_space<hbm>> -> memref<1x1x25x80xi32, #tpu.memory_space<hbm>>
        %dma_start3A_24 = tpu.memref_squeeze %dma_start3A_23 : memref<1x1x25x80xi32, #tpu.memory_space<hbm>> -> memref<25x80xi32, #tpu.memory_space<hbm>>
        tpu.enqueue_dma source(%dma_start3A_24 : memref<25x80xi32, #tpu.memory_space<hbm>>) target(%arg8 : memref<25x80xi32, #tpu.memory_space<vmem>>) target_semaphore(%run_scoped3A : memref<!tpu.dma_semaphore, #tpu.memory_space<semaphore_mem>>)
        %dma_wait3A = arith.constant 0 : i32
        %dma_wait3A_25 = arith.constant 0 : i32
        %dma_wait3A_26 = tpu.memref_slice %arg3[%add3A, %scan3A_11, %dma_wait3A, %dma_wait3A_25] : memref<32x5x25x80xi32, #tpu.memory_space<hbm>> -> memref<1x1x25x80xi32, #tpu.memory_space<hbm>>
        %dma_wait3A_27 = tpu.memref_squeeze %dma_wait3A_26 : memref<1x1x25x80xi32, #tpu.memory_space<hbm>> -> memref<25x80xi32, #tpu.memory_space<hbm>>
        %dma_wait3A_28 = arith.constant 0 : i32
        %dma_wait3A_29 = arith.constant 0 : i32
        %dma_wait3A_30 = tpu.memref_slice %arg3[%add3A, %scan3A_11, %dma_wait3A_28, %dma_wait3A_29] : memref<32x5x25x80xi32, #tpu.memory_space<hbm>> -> memref<1x1x25x80xi32, #tpu.memory_space<hbm>>
        %dma_wait3A_31 = tpu.memref_squeeze %dma_wait3A_30 : memref<1x1x25x80xi32, #tpu.memory_space<hbm>> -> memref<25x80xi32, #tpu.memory_space<hbm>>
        tpu.wait_dma2 semaphore(%run_scoped3A : memref<!tpu.dma_semaphore, #tpu.memory_space<semaphore_mem>>) src(%dma_wait3A_31 : memref<25x80xi32, #tpu.memory_space<hbm>>) dst(%arg8 : memref<25x80xi32, #tpu.memory_space<vmem>>)
        tpu.yield
      }) : () -> ()
      "tpu.region"() ({
        %run_scoped3A = tpu.sem_alloc : memref<!tpu.dma_semaphore, #tpu.memory_space<semaphore_mem>>
        %dma_start3A = arith.constant 0 : i32
        %dma_start3A_18 = arith.constant 0 : i32
        %dma_start3A_19 = tpu.memref_slice %arg4[%add3A, %scan3A_11, %dma_start3A, %dma_start3A_18] : memref<32x5x25x80xi32, #tpu.memory_space<hbm>> -> memref<1x1x25x80xi32, #tpu.memory_space<hbm>>
        %dma_start3A_20 = tpu.memref_squeeze %dma_start3A_19 : memref<1x1x25x80xi32, #tpu.memory_space<hbm>> -> memref<25x80xi32, #tpu.memory_space<hbm>>
        %dma_start3A_21 = arith.constant 0 : i32
        %dma_start3A_22 = arith.constant 0 : i32
        %dma_start3A_23 = tpu.memref_slice %arg4[%add3A, %scan3A_11, %dma_start3A_21, %dma_start3A_22] : memref<32x5x25x80xi32, #tpu.memory_space<hbm>> -> memref<1x1x25x80xi32, #tpu.memory_space<hbm>>
        %dma_start3A_24 = tpu.memref_squeeze %dma_start3A_23 : memref<1x1x25x80xi32, #tpu.memory_space<hbm>> -> memref<25x80xi32, #tpu.memory_space<hbm>>
        tpu.enqueue_dma source(%dma_start3A_24 : memref<25x80xi32, #tpu.memory_space<hbm>>) target(%arg9 : memref<25x80xi32, #tpu.memory_space<vmem>>) target_semaphore(%run_scoped3A : memref<!tpu.dma_semaphore, #tpu.memory_space<semaphore_mem>>)
        %dma_wait3A = arith.constant 0 : i32
        %dma_wait3A_25 = arith.constant 0 : i32
        %dma_wait3A_26 = tpu.memref_slice %arg4[%add3A, %scan3A_11, %dma_wait3A, %dma_wait3A_25] : memref<32x5x25x80xi32, #tpu.memory_space<hbm>> -> memref<1x1x25x80xi32, #tpu.memory_space<hbm>>
        %dma_wait3A_27 = tpu.memref_squeeze %dma_wait3A_26 : memref<1x1x25x80xi32, #tpu.memory_space<hbm>> -> memref<25x80xi32, #tpu.memory_space<hbm>>
        %dma_wait3A_28 = arith.constant 0 : i32
        %dma_wait3A_29 = arith.constant 0 : i32
        %dma_wait3A_30 = tpu.memref_slice %arg4[%add3A, %scan3A_11, %dma_wait3A_28, %dma_wait3A_29] : memref<32x5x25x80xi32, #tpu.memory_space<hbm>> -> memref<1x1x25x80xi32, #tpu.memory_space<hbm>>
        %dma_wait3A_31 = tpu.memref_squeeze %dma_wait3A_30 : memref<1x1x25x80xi32, #tpu.memory_space<hbm>> -> memref<25x80xi32, #tpu.memory_space<hbm>>
        tpu.wait_dma2 semaphore(%run_scoped3A : memref<!tpu.dma_semaphore, #tpu.memory_space<semaphore_mem>>) src(%dma_wait3A_31 : memref<25x80xi32, #tpu.memory_space<hbm>>) dst(%arg9 : memref<25x80xi32, #tpu.memory_space<vmem>>)
        tpu.yield
      }) : () -> ()
      "tpu.region"() ({
        %run_scoped3A = tpu.sem_alloc : memref<!tpu.dma_semaphore, #tpu.memory_space<semaphore_mem>>
        %dma_start3A = arith.constant 0 : i32
        %dma_start3A_18 = tpu.memref_slice %arg5[%add3A, %scan3A_11, %dma_start3A] : memref<32x5x2000xf32, #tpu.memory_space<hbm>> -> memref<1x1x2000xf32, #tpu.memory_space<hbm>>
        %dma_start3A_19 = tpu.memref_squeeze %dma_start3A_18 : memref<1x1x2000xf32, #tpu.memory_space<hbm>> -> memref<2000xf32, #tpu.memory_space<hbm>>
        %dma_start3A_20 = arith.constant 0 : i32
        %dma_start3A_21 = tpu.memref_slice %arg5[%add3A, %scan3A_11, %dma_start3A_20] : memref<32x5x2000xf32, #tpu.memory_space<hbm>> -> memref<1x1x2000xf32, #tpu.memory_space<hbm>>
        %dma_start3A_22 = tpu.memref_squeeze %dma_start3A_21 : memref<1x1x2000xf32, #tpu.memory_space<hbm>> -> memref<2000xf32, #tpu.memory_space<hbm>>
        tpu.enqueue_dma source(%dma_start3A_22 : memref<2000xf32, #tpu.memory_space<hbm>>) target(%arg10 : memref<2000xf32, #tpu.memory_space<vmem>>) target_semaphore(%run_scoped3A : memref<!tpu.dma_semaphore, #tpu.memory_space<semaphore_mem>>)
        %dma_wait3A = arith.constant 0 : i32
        %dma_wait3A_23 = tpu.memref_slice %arg5[%add3A, %scan3A_11, %dma_wait3A] : memref<32x5x2000xf32, #tpu.memory_space<hbm>> -> memref<1x1x2000xf32, #tpu.memory_space<hbm>>
        %dma_wait3A_24 = tpu.memref_squeeze %dma_wait3A_23 : memref<1x1x2000xf32, #tpu.memory_space<hbm>> -> memref<2000xf32, #tpu.memory_space<hbm>>
        %dma_wait3A_25 = arith.constant 0 : i32
        %dma_wait3A_26 = tpu.memref_slice %arg5[%add3A, %scan3A_11, %dma_wait3A_25] : memref<32x5x2000xf32, #tpu.memory_space<hbm>> -> memref<1x1x2000xf32, #tpu.memory_space<hbm>>
        %dma_wait3A_27 = tpu.memref_squeeze %dma_wait3A_26 : memref<1x1x2000xf32, #tpu.memory_space<hbm>> -> memref<2000xf32, #tpu.memory_space<hbm>>
        tpu.wait_dma2 semaphore(%run_scoped3A : memref<!tpu.dma_semaphore, #tpu.memory_space<semaphore_mem>>) src(%dma_wait3A_27 : memref<2000xf32, #tpu.memory_space<hbm>>) dst(%arg10 : memref<2000xf32, #tpu.memory_space<vmem>>)
        tpu.yield
      }) : () -> ()
      %scan3A_12 = arith.constant 0 : i32
      %scan3A_13 = arith.constant 0 : i32
      %scan3A_14 = arith.constant 25 : i32
      %scan3A_15 = arith.addi %scan3A_13, %scan3A_14 : i32
      %scan3A_16 = arith.constant 1 : i32
      scf.for %scan3A_18 = %scan3A_13 to %scan3A_15 step %scan3A_16  : i32 {
        %dma_start3A = arith.constant 0 : i32
        %dma_start3A_19 = tpu.memref_slice %arg8[%scan3A_18, %dma_start3A] : memref<25x80xi32, #tpu.memory_space<vmem>> -> memref<1x80xi32, #tpu.memory_space<vmem>>
        %dma_start3A_20 = tpu.memref_squeeze %dma_start3A_19 : memref<1x80xi32, #tpu.memory_space<vmem>> -> memref<80xi32, #tpu.memory_space<vmem>>
        %dma_start3A_21 = arith.constant 0 : i32
        %dma_start3A_22 = arith.constant 0 : i32
        %dma_start3A_23 = tpu.memref_slice %arg2[%dma_start3A_21, %dma_start3A_22] : memref<10000x128xf32, #tpu.memory_space<hbm>> -> memref<10000x128xf32, #tpu.memory_space<hbm>>
        tpu.enqueue_indirect_dma source(%dma_start3A_23 : memref<10000x128xf32, #tpu.memory_space<hbm>>) target(%arg11 : memref<80x128xf32, #tpu.memory_space<vmem>>) offsets(%dma_start3A_20 : memref<80xi32, #tpu.memory_space<vmem>>) semaphore(%arg13 : memref<!tpu.dma_semaphore, #tpu.memory_space<semaphore_mem>>)
        %dma_wait3A = arith.constant 0 : i32
        %dma_wait3A_24 = tpu.memref_slice %arg8[%scan3A_18, %dma_wait3A] : memref<25x80xi32, #tpu.memory_space<vmem>> -> memref<1x80xi32, #tpu.memory_space<vmem>>
        %dma_wait3A_25 = tpu.memref_squeeze %dma_wait3A_24 : memref<1x80xi32, #tpu.memory_space<vmem>> -> memref<80xi32, #tpu.memory_space<vmem>>
        %dma_wait3A_26 = arith.constant 0 : i32
        %dma_wait3A_27 = arith.constant 0 : i32
        %dma_wait3A_28 = tpu.memref_slice %arg2[%dma_wait3A_26, %dma_wait3A_27] : memref<10000x128xf32, #tpu.memory_space<hbm>> -> memref<10000x128xf32, #tpu.memory_space<hbm>>
        tpu.wait_indirect_dma semaphore(%arg13 : memref<!tpu.dma_semaphore, #tpu.memory_space<semaphore_mem>>) src(%dma_wait3A_28 : memref<10000x128xf32, #tpu.memory_space<hbm>>) dst(%arg11 : memref<80x128xf32, #tpu.memory_space<vmem>>)
        %scan3A_29 = arith.constant 0 : i32
        %scan3A_30 = arith.constant 0 : i32
        %scan3A_31 = arith.constant 5 : i32
        %scan3A_32 = arith.addi %scan3A_30, %scan3A_31 : i32
        %scan3A_33 = arith.constant 1 : i32
        scf.for %scan3A_35 = %scan3A_30 to %scan3A_32 step %scan3A_33  : i32 {
          %mul3A_36 = arith.constant 80 : i32
          %mul3A_37 = arith.muli %scan3A_18, %mul3A_36 : i32
          %mul3A_38 = arith.constant 16 : i32
          %mul3A_39 = arith.muli %scan3A_35, %mul3A_38 : i32
          %add3A_40 = arith.addi %mul3A_37, %mul3A_39 : i32
          %get3A = arith.index_cast %add3A_40 : i32 to index
          %get3A_41 = tpu.vector_load %arg10[%get3A] {strides = array<i32>} : memref<2000xf32, #tpu.memory_space<vmem>>, vector<16xf32>,
          %get3A_42 = vector.shape_cast %get3A_41 : vector<16xf32> to vector<16xf32>
          %slice3A = vector.extract_strided_slice %get3A_42 {offsets = [0], sizes = [1], strides = [1]} : vector<16xf32> to vector<1xf32>
          %squeeze3A = vector.extract %slice3A[0] : f32 from vector<1xf32>
          %mul3A_43 = arith.constant 16 : i32
          %mul3A_44 = arith.muli %scan3A_35, %mul3A_43 : i32
          %add3A_45 = arith.constant 0 : i32
          %add3A_46 = arith.addi %mul3A_44, %add3A_45 : i32
          %get3A_47 = arith.index_cast %add3A_46 : i32 to index
          %get3A_48 = arith.constant 0 : index
          %get3A_49 = tpu.vector_load %arg11[%get3A_47, %get3A_48] {strides = array<i32>} : memref<80x128xf32, #tpu.memory_space<vmem>>, vector<1x16xf32>,
          %get3A_50 = vector.shape_cast %get3A_49 : vector<1x16xf32> to vector<16xf32>
          %mul3A_51 = vector.broadcast %squeeze3A : f32 to vector<16xf32>
          %mul3A_52 = arith.mulf %get3A_50, %mul3A_51 : vector<16xf32>
          %swap3A = arith.index_cast %add3A_46 : i32 to index
          %swap3A_53 = arith.constant 0 : index
          %swap3A_54 = tpu.vector_load %arg11[%swap3A, %swap3A_53] {strides = array<i32>} : memref<80x128xf32, #tpu.memory_space<vmem>>, vector<1x16xf32>,
          %swap3A_55 = vector.shape_cast %swap3A_54 : vector<1x16xf32> to vector<16xf32>
          %swap3A_56 = vector.shape_cast %mul3A_52 : vector<16xf32> to vector<1x16xf32>
          tpu.vector_store %arg11[%swap3A, %swap3A_53], %swap3A_56 {strides = array<i32>} : memref<80x128xf32, #tpu.memory_space<vmem>>, vector<1x16xf32>,
          %get3A_57 = arith.index_cast %add3A_46 : i32 to index
          %get3A_58 = arith.constant 16 : index
          %get3A_59 = tpu.vector_load %arg11[%get3A_57, %get3A_58] {strides = array<i32>} : memref<80x128xf32, #tpu.memory_space<vmem>>, vector<1x16xf32>,
          %get3A_60 = vector.shape_cast %get3A_59 : vector<1x16xf32> to vector<16xf32>
          %mul3A_61 = vector.broadcast %squeeze3A : f32 to vector<16xf32>
          %mul3A_62 = arith.mulf %get3A_60, %mul3A_61 : vector<16xf32>
          %swap3A_63 = arith.index_cast %add3A_46 : i32 to index
          %swap3A_64 = arith.constant 16 : index
          %swap3A_65 = tpu.vector_load %arg11[%swap3A_63, %swap3A_64] {strides = array<i32>} : memref<80x128xf32, #tpu.memory_space<vmem>>, vector<1x16xf32>,
          %swap3A_66 = vector.shape_cast %swap3A_65 : vector<1x16xf32> to vector<16xf32>
          %swap3A_67 = vector.shape_cast %mul3A_62 : vector<16xf32> to vector<1x16xf32>
          tpu.vector_store %arg11[%swap3A_63, %swap3A_64], %swap3A_67 {strides = array<i32>} : memref<80x128xf32, #tpu.memory_space<vmem>>, vector<1x16xf32>,
          %get3A_68 = arith.index_cast %add3A_46 : i32 to index
          %get3A_69 = arith.constant 32 : index
          %get3A_70 = tpu.vector_load %arg11[%get3A_68, %get3A_69] {strides = array<i32>} : memref<80x128xf32, #tpu.memory_space<vmem>>, vector<1x16xf32>,
          %get3A_71 = vector.shape_cast %get3A_70 : vector<1x16xf32> to vector<16xf32>
          %mul3A_72 = vector.broadcast %squeeze3A : f32 to vector<16xf32>
          %mul3A_73 = arith.mulf %get3A_71, %mul3A_72 : vector<16xf32>
          %swap3A_74 = arith.index_cast %add3A_46 : i32 to index
          %swap3A_75 = arith.constant 32 : index
          %swap3A_76 = tpu.vector_load %arg11[%swap3A_74, %swap3A_75] {strides = array<i32>} : memref<80x128xf32, #tpu.memory_space<vmem>>, vector<1x16xf32>,
          %swap3A_77 = vector.shape_cast %swap3A_76 : vector<1x16xf32> to vector<16xf32>
          %swap3A_78 = vector.shape_cast %mul3A_73 : vector<16xf32> to vector<1x16xf32>
          tpu.vector_store %arg11[%swap3A_74, %swap3A_75], %swap3A_78 {strides = array<i32>} : memref<80x128xf32, #tpu.memory_space<vmem>>, vector<1x16xf32>,
          %get3A_79 = arith.index_cast %add3A_46 : i32 to index
          %get3A_80 = arith.constant 48 : index
          %get3A_81 = tpu.vector_load %arg11[%get3A_79, %get3A_80] {strides = array<i32>} : memref<80x128xf32, #tpu.memory_space<vmem>>, vector<1x16xf32>,
          %get3A_82 = vector.shape_cast %get3A_81 : vector<1x16xf32> to vector<16xf32>
          %mul3A_83 = vector.broadcast %squeeze3A : f32 to vector<16xf32>
          %mul3A_84 = arith.mulf %get3A_82, %mul3A_83 : vector<16xf32>
          %swap3A_85 = arith.index_cast %add3A_46 : i32 to index
          %swap3A_86 = arith.constant 48 : index
          %swap3A_87 = tpu.vector_load %arg11[%swap3A_85, %swap3A_86] {strides = array<i32>} : memref<80x128xf32, #tpu.memory_space<vmem>>, vector<1x16xf32>,
          %swap3A_88 = vector.shape_cast %swap3A_87 : vector<1x16xf32> to vector<16xf32>
          %swap3A_89 = vector.shape_cast %mul3A_84 : vector<16xf32> to vector<1x16xf32>
          tpu.vector_store %arg11[%swap3A_85, %swap3A_86], %swap3A_89 {strides = array<i32>} : memref<80x128xf32, #tpu.memory_space<vmem>>, vector<1x16xf32>,
          %get3A_90 = arith.index_cast %add3A_46 : i32 to index
          %get3A_91 = arith.constant 64 : index
          %get3A_92 = tpu.vector_load %arg11[%get3A_90, %get3A_91] {strides = array<i32>} : memref<80x128xf32, #tpu.memory_space<vmem>>, vector<1x16xf32>,
          %get3A_93 = vector.shape_cast %get3A_92 : vector<1x16xf32> to vector<16xf32>
          %mul3A_94 = vector.broadcast %squeeze3A : f32 to vector<16xf32>
          %mul3A_95 = arith.mulf %get3A_93, %mul3A_94 : vector<16xf32>
          %swap3A_96 = arith.index_cast %add3A_46 : i32 to index
          %swap3A_97 = arith.constant 64 : index
          %swap3A_98 = tpu.vector_load %arg11[%swap3A_96, %swap3A_97] {strides = array<i32>} : memref<80x128xf32, #tpu.memory_space<vmem>>, vector<1x16xf32>,
          %swap3A_99 = vector.shape_cast %swap3A_98 : vector<1x16xf32> to vector<16xf32>
          %swap3A_100 = vector.shape_cast %mul3A_95 : vector<16xf32> to vector<1x16xf32>
          tpu.vector_store %arg11[%swap3A_96, %swap3A_97], %swap3A_100 {strides = array<i32>} : memref<80x128xf32, #tpu.memory_space<vmem>>, vector<1x16xf32>,
          %get3A_101 = arith.index_cast %add3A_46 : i32 to index
          %get3A_102 = arith.constant 80 : index
          %get3A_103 = tpu.vector_load %arg11[%get3A_101, %get3A_102] {strides = array<i32>} : memref<80x128xf32, #tpu.memory_space<vmem>>, vector<1x16xf32>,
          %get3A_104 = vector.shape_cast %get3A_103 : vector<1x16xf32> to vector<16xf32>
          %mul3A_105 = vector.broadcast %squeeze3A : f32 to vector<16xf32>
          %mul3A_106 = arith.mulf %get3A_104, %mul3A_105 : vector<16xf32>
          %swap3A_107 = arith.index_cast %add3A_46 : i32 to index
          %swap3A_108 = arith.constant 80 : index
          %swap3A_109 = tpu.vector_load %arg11[%swap3A_107, %swap3A_108] {strides = array<i32>} : memref<80x128xf32, #tpu.memory_space<vmem>>, vector<1x16xf32>,
          %swap3A_110 = vector.shape_cast %swap3A_109 : vector<1x16xf32> to vector<16xf32>
          %swap3A_111 = vector.shape_cast %mul3A_106 : vector<16xf32> to vector<1x16xf32>
          tpu.vector_store %arg11[%swap3A_107, %swap3A_108], %swap3A_111 {strides = array<i32>} : memref<80x128xf32, #tpu.memory_space<vmem>>, vector<1x16xf32>,
          %get3A_112 = arith.index_cast %add3A_46 : i32 to index
          %get3A_113 = arith.constant 96 : index
          %get3A_114 = tpu.vector_load %arg11[%get3A_112, %get3A_113] {strides = array<i32>} : memref<80x128xf32, #tpu.memory_space<vmem>>, vector<1x16xf32>,
          %get3A_115 = vector.shape_cast %get3A_114 : vector<1x16xf32> to vector<16xf32>
          %mul3A_116 = vector.broadcast %squeeze3A : f32 to vector<16xf32>
          %mul3A_117 = arith.mulf %get3A_115, %mul3A_116 : vector<16xf32>
          %swap3A_118 = arith.index_cast %add3A_46 : i32 to index
          %swap3A_119 = arith.constant 96 : index
          %swap3A_120 = tpu.vector_load %arg11[%swap3A_118, %swap3A_119] {strides = array<i32>} : memref<80x128xf32, #tpu.memory_space<vmem>>, vector<1x16xf32>,
          %swap3A_121 = vector.shape_cast %swap3A_120 : vector<1x16xf32> to vector<16xf32>
          %swap3A_122 = vector.shape_cast %mul3A_117 : vector<16xf32> to vector<1x16xf32>
          tpu.vector_store %arg11[%swap3A_118, %swap3A_119], %swap3A_122 {strides = array<i32>} : memref<80x128xf32, #tpu.memory_space<vmem>>, vector<1x16xf32>,
          %get3A_123 = arith.index_cast %add3A_46 : i32 to index
          %get3A_124 = arith.constant 112 : index
          %get3A_125 = tpu.vector_load %arg11[%get3A_123, %get3A_124] {strides = array<i32>} : memref<80x128xf32, #tpu.memory_space<vmem>>, vector<1x16xf32>,
          %get3A_126 = vector.shape_cast %get3A_125 : vector<1x16xf32> to vector<16xf32>
          %mul3A_127 = vector.broadcast %squeeze3A : f32 to vector<16xf32>
          %mul3A_128 = arith.mulf %get3A_126, %mul3A_127 : vector<16xf32>
          %swap3A_129 = arith.index_cast %add3A_46 : i32 to index
          %swap3A_130 = arith.constant 112 : index
          %swap3A_131 = tpu.vector_load %arg11[%swap3A_129, %swap3A_130] {strides = array<i32>} : memref<80x128xf32, #tpu.memory_space<vmem>>, vector<1x16xf32>,
          %swap3A_132 = vector.shape_cast %swap3A_131 : vector<1x16xf32> to vector<16xf32>
          %swap3A_133 = vector.shape_cast %mul3A_128 : vector<16xf32> to vector<1x16xf32>
          tpu.vector_store %arg11[%swap3A_129, %swap3A_130], %swap3A_133 {strides = array<i32>} : memref<80x128xf32, #tpu.memory_space<vmem>>, vector<1x16xf32>,
          %slice3A_134 = vector.extract_strided_slice %get3A_42 {offsets = [1], sizes = [1], strides = [1]} : vector<16xf32> to vector<1xf32>
          %squeeze3A_135 = vector.extract %slice3A_134[0] : f32 from vector<1xf32>
          %mul3A_136 = arith.constant 16 : i32
          %mul3A_137 = arith.muli %scan3A_35, %mul3A_136 : i32
          %add3A_138 = arith.constant 1 : i32
          %add3A_139 = arith.addi %mul3A_137, %add3A_138 : i32
          %get3A_140 = arith.index_cast %add3A_139 : i32 to index
          %get3A_141 = arith.constant 0 : index
          %get3A_142 = tpu.vector_load %arg11[%get3A_140, %get3A_141] {strides = array<i32>} : memref<80x128xf32, #tpu.memory_space<vmem>>, vector<1x16xf32>,
          %get3A_143 = vector.shape_cast %get3A_142 : vector<1x16xf32> to vector<16xf32>
          %mul3A_144 = vector.broadcast %squeeze3A_135 : f32 to vector<16xf32>
          %mul3A_145 = arith.mulf %get3A_143, %mul3A_144 : vector<16xf32>
          %swap3A_146 = arith.index_cast %add3A_139 : i32 to index
          %swap3A_147 = arith.constant 0 : index
          %swap3A_148 = tpu.vector_load %arg11[%swap3A_146, %swap3A_147] {strides = array<i32>} : memref<80x128xf32, #tpu.memory_space<vmem>>, vector<1x16xf32>,
          %swap3A_149 = vector.shape_cast %swap3A_148 : vector<1x16xf32> to vector<16xf32>
          %swap3A_150 = vector.shape_cast %mul3A_145 : vector<16xf32> to vector<1x16xf32>
          tpu.vector_store %arg11[%swap3A_146, %swap3A_147], %swap3A_150 {strides = array<i32>} : memref<80x128xf32, #tpu.memory_space<vmem>>, vector<1x16xf32>,
          %get3A_151 = arith.index_cast %add3A_139 : i32 to index
          %get3A_152 = arith.constant 16 : index
          %get3A_153 = tpu.vector_load %arg11[%get3A_151, %get3A_152] {strides = array<i32>} : memref<80x128xf32, #tpu.memory_space<vmem>>, vector<1x16xf32>,
          %get3A_154 = vector.shape_cast %get3A_153 : vector<1x16xf32> to vector<16xf32>
          %mul3A_155 = vector.broadcast %squeeze3A_135 : f32 to vector<16xf32>
          %mul3A_156 = arith.mulf %get3A_154, %mul3A_155 : vector<16xf32>
          %swap3A_157 = arith.index_cast %add3A_139 : i32 to index
          %swap3A_158 = arith.constant 16 : index
          %swap3A_159 = tpu.vector_load %arg11[%swap3A_157, %swap3A_158] {strides = array<i32>} : memref<80x128xf32, #tpu.memory_space<vmem>>, vector<1x16xf32>,
          %swap3A_160 = vector.shape_cast %swap3A_159 : vector<1x16xf32> to vector<16xf32>
          %swap3A_161 = vector.shape_cast %mul3A_156 : vector<16xf32> to vector<1x16xf32>
          tpu.vector_store %arg11[%swap3A_157, %swap3A_158], %swap3A_161 {strides = array<i32>} : memref<80x128xf32, #tpu.memory_space<vmem>>, vector<1x16xf32>,
          %get3A_162 = arith.index_cast %add3A_139 : i32 to index
          %get3A_163 = arith.constant 32 : index
          %get3A_164 = tpu.vector_load %arg11[%get3A_162, %get3A_163] {strides = array<i32>} : memref<80x128xf32, #tpu.memory_space<vmem>>, vector<1x16xf32>,
          %get3A_165 = vector.shape_cast %get3A_164 : vector<1x16xf32> to vector<16xf32>
          %mul3A_166 = vector.broadcast %squeeze3A_135 : f32 to vector<16xf32>
          %mul3A_167 = arith.mulf %get3A_165, %mul3A_166 : vector<16xf32>
          %swap3A_168 = arith.index_cast %add3A_139 : i32 to index
          %swap3A_169 = arith.constant 32 : index
          %swap3A_170 = tpu.vector_load %arg11[%swap3A_168, %swap3A_169] {strides = array<i32>} : memref<80x128xf32, #tpu.memory_space<vmem>>, vector<1x16xf32>,
          %swap3A_171 = vector.shape_cast %swap3A_170 : vector<1x16xf32> to vector<16xf32>
          %swap3A_172 = vector.shape_cast %mul3A_167 : vector<16xf32> to vector<1x16xf32>
          tpu.vector_store %arg11[%swap3A_168, %swap3A_169], %swap3A_172 {strides = array<i32>} : memref<80x128xf32, #tpu.memory_space<vmem>>, vector<1x16xf32>,
          %get3A_173 = arith.index_cast %add3A_139 : i32 to index
          %get3A_174 = arith.constant 48 : index
          %get3A_175 = tpu.vector_load %arg11[%get3A_173, %get3A_174] {strides = array<i32>} : memref<80x128xf32, #tpu.memory_space<vmem>>, vector<1x16xf32>,
          %get3A_176 = vector.shape_cast %get3A_175 : vector<1x16xf32> to vector<16xf32>
          %mul3A_177 = vector.broadcast %squeeze3A_135 : f32 to vector<16xf32>
          %mul3A_178 = arith.mulf %get3A_176, %mul3A_177 : vector<16xf32>
          %swap3A_179 = arith.index_cast %add3A_139 : i32 to index
          %swap3A_180 = arith.constant 48 : index
          %swap3A_181 = tpu.vector_load %arg11[%swap3A_179, %swap3A_180] {strides = array<i32>} : memref<80x128xf32, #tpu.memory_space<vmem>>, vector<1x16xf32>,
          %swap3A_182 = vector.shape_cast %swap3A_181 : vector<1x16xf32> to vector<16xf32>
          %swap3A_183 = vector.shape_cast %mul3A_178 : vector<16xf32> to vector<1x16xf32>
          tpu.vector_store %arg11[%swap3A_179, %swap3A_180], %swap3A_183 {strides = array<i32>} : memref<80x128xf32, #tpu.memory_space<vmem>>, vector<1x16xf32>,
          %get3A_184 = arith.index_cast %add3A_139 : i32 to index
          %get3A_185 = arith.constant 64 : index
          %get3A_186 = tpu.vector_load %arg11[%get3A_184, %get3A_185] {strides = array<i32>} : memref<80x128xf32, #tpu.memory_space<vmem>>, vector<1x16xf32>,
          %get3A_187 = vector.shape_cast %get3A_186 : vector<1x16xf32> to vector<16xf32>
          %mul3A_188 = vector.broadcast %squeeze3A_135 : f32 to vector<16xf32>
          %mul3A_189 = arith.mulf %get3A_187, %mul3A_188 : vector<16xf32>
          %swap3A_190 = arith.index_cast %add3A_139 : i32 to index
          %swap3A_191 = arith.constant 64 : index
          %swap3A_192 = tpu.vector_load %arg11[%swap3A_190, %swap3A_191] {strides = array<i32>} : memref<80x128xf32, #tpu.memory_space<vmem>>, vector<1x16xf32>,
          %swap3A_193 = vector.shape_cast %swap3A_192 : vector<1x16xf32> to vector<16xf32>
          %swap3A_194 = vector.shape_cast %mul3A_189 : vector<16xf32> to vector<1x16xf32>
          tpu.vector_store %arg11[%swap3A_190, %swap3A_191], %swap3A_194 {strides = array<i32>} : memref<80x128xf32, #tpu.memory_space<vmem>>, vector<1x16xf32>,
          %get3A_195 = arith.index_cast %add3A_139 : i32 to index
          %get3A_196 = arith.constant 80 : index
          %get3A_197 = tpu.vector_load %arg11[%get3A_195, %get3A_196] {strides = array<i32>} : memref<80x128xf32, #tpu.memory_space<vmem>>, vector<1x16xf32>,
          %get3A_198 = vector.shape_cast %get3A_197 : vector<1x16xf32> to vector<16xf32>
          %mul3A_199 = vector.broadcast %squeeze3A_135 : f32 to vector<16xf32>
          %mul3A_200 = arith.mulf %get3A_198, %mul3A_199 : vector<16xf32>
          %swap3A_201 = arith.index_cast %add3A_139 : i32 to index
          %swap3A_202 = arith.constant 80 : index
          %swap3A_203 = tpu.vector_load %arg11[%swap3A_201, %swap3A_202] {strides = array<i32>} : memref<80x128xf32, #tpu.memory_space<vmem>>, vector<1x16xf32>,
          %swap3A_204 = vector.shape_cast %swap3A_203 : vector<1x16xf32> to vector<16xf32>
          %swap3A_205 = vector.shape_cast %mul3A_200 : vector<16xf32> to vector<1x16xf32>
          tpu.vector_store %arg11[%swap3A_201, %swap3A_202], %swap3A_205 {strides = array<i32>} : memref<80x128xf32, #tpu.memory_space<vmem>>, vector<1x16xf32>,
          %get3A_206 = arith.index_cast %add3A_139 : i32 to index
          %get3A_207 = arith.constant 96 : index
          %get3A_208 = tpu.vector_load %arg11[%get3A_206, %get3A_207] {strides = array<i32>} : memref<80x128xf32, #tpu.memory_space<vmem>>, vector<1x16xf32>,
          %get3A_209 = vector.shape_cast %get3A_208 : vector<1x16xf32> to vector<16xf32>
          %mul3A_210 = vector.broadcast %squeeze3A_135 : f32 to vector<16xf32>
          %mul3A_211 = arith.mulf %get3A_209, %mul3A_210 : vector<16xf32>
          %swap3A_212 = arith.index_cast %add3A_139 : i32 to index
          %swap3A_213 = arith.constant 96 : index
          %swap3A_214 = tpu.vector_load %arg11[%swap3A_212, %swap3A_213] {strides = array<i32>} : memref<80x128xf32, #tpu.memory_space<vmem>>, vector<1x16xf32>,
          %swap3A_215 = vector.shape_cast %swap3A_214 : vector<1x16xf32> to vector<16xf32>
          %swap3A_216 = vector.shape_cast %mul3A_211 : vector<16xf32> to vector<1x16xf32>
          tpu.vector_store %arg11[%swap3A_212, %swap3A_213], %swap3A_216 {strides = array<i32>} : memref<80x128xf32, #tpu.memory_space<vmem>>, vector<1x16xf32>,
          %get3A_217 = arith.index_cast %add3A_139 : i32 to index
          %get3A_218 = arith.constant 112 : index
          %get3A_219 = tpu.vector_load %arg11[%get3A_217, %get3A_218] {strides = array<i32>} : memref<80x128xf32, #tpu.memory_space<vmem>>, vector<1x16xf32>,
          %get3A_220 = vector.shape_cast %get3A_219 : vector<1x16xf32> to vector<16xf32>
          %mul3A_221 = vector.broadcast %squeeze3A_135 : f32 to vector<16xf32>
          %mul3A_222 = arith.mulf %get3A_220, %mul3A_221 : vector<16xf32>
          %swap3A_223 = arith.index_cast %add3A_139 : i32 to index
          %swap3A_224 = arith.constant 112 : index
          %swap3A_225 = tpu.vector_load %arg11[%swap3A_223, %swap3A_224] {strides = array<i32>} : memref<80x128xf32, #tpu.memory_space<vmem>>, vector<1x16xf32>,
          %swap3A_226 = vector.shape_cast %swap3A_225 : vector<1x16xf32> to vector<16xf32>
          %swap3A_227 = vector.shape_cast %mul3A_222 : vector<16xf32> to vector<1x16xf32>
          tpu.vector_store %arg11[%swap3A_223, %swap3A_224], %swap3A_227 {strides = array<i32>} : memref<80x128xf32, #tpu.memory_space<vmem>>, vector<1x16xf32>,
          %slice3A_228 = vector.extract_strided_slice %get3A_42 {offsets = [2], sizes = [1], strides = [1]} : vector<16xf32> to vector<1xf32>
          %squeeze3A_229 = vector.extract %slice3A_228[0] : f32 from vector<1xf32>
          %mul3A_230 = arith.constant 16 : i32
          %mul3A_231 = arith.muli %scan3A_35, %mul3A_230 : i32
          %add3A_232 = arith.constant 2 : i32
          %add3A_233 = arith.addi %mul3A_231, %add3A_232 : i32
          %get3A_234 = arith.index_cast %add3A_233 : i32 to index
          %get3A_235 = arith.constant 0 : index
          %get3A_236 = tpu.vector_load %arg11[%get3A_234, %get3A_235] {strides = array<i32>} : memref<80x128xf32, #tpu.memory_space<vmem>>, vector<1x16xf32>,
          %get3A_237 = vector.shape_cast %get3A_236 : vector<1x16xf32> to vector<16xf32>
          %mul3A_238 = vector.broadcast %squeeze3A_229 : f32 to vector<16xf32>
          %mul3A_239 = arith.mulf %get3A_237, %mul3A_238 : vector<16xf32>
          %swap3A_240 = arith.index_cast %add3A_233 : i32 to index
          %swap3A_241 = arith.constant 0 : index
          %swap3A_242 = tpu.vector_load %arg11[%swap3A_240, %swap3A_241] {strides = array<i32>} : memref<80x128xf32, #tpu.memory_space<vmem>>, vector<1x16xf32>,
          %swap3A_243 = vector.shape_cast %swap3A_242 : vector<1x16xf32> to vector<16xf32>
          %swap3A_244 = vector.shape_cast %mul3A_239 : vector<16xf32> to vector<1x16xf32>
          tpu.vector_store %arg11[%swap3A_240, %swap3A_241], %swap3A_244 {strides = array<i32>} : memref<80x128xf32, #tpu.memory_space<vmem>>, vector<1x16xf32>,
          %get3A_245 = arith.index_cast %add3A_233 : i32 to index
          %get3A_246 = arith.constant 16 : index
          %get3A_247 = tpu.vector_load %arg11[%get3A_245, %get3A_246] {strides = array<i32>} : memref<80x128xf32, #tpu.memory_space<vmem>>, vector<1x16xf32>,
          %get3A_248 = vector.shape_cast %get3A_247 : vector<1x16xf32> to vector<16xf32>
          %mul3A_249 = vector.broadcast %squeeze3A_229 : f32 to vector<16xf32>
          %mul3A_250 = arith.mulf %get3A_248, %mul3A_249 : vector<16xf32>
          %swap3A_251 = arith.index_cast %add3A_233 : i32 to index
          %swap3A_252 = arith.constant 16 : index
          %swap3A_253 = tpu.vector_load %arg11[%swap3A_251, %swap3A_252] {strides = array<i32>} : memref<80x128xf32, #tpu.memory_space<vmem>>, vector<1x16xf32>,
          %swap3A_254 = vector.shape_cast %swap3A_253 : vector<1x16xf32> to vector<16xf32>
          %swap3A_255 = vector.shape_cast %mul3A_250 : vector<16xf32> to vector<1x16xf32>
          tpu.vector_store %arg11[%swap3A_251, %swap3A_252], %swap3A_255 {strides = array<i32>} : memref<80x128xf32, #tpu.memory_space<vmem>>, vector<1x16xf32>,
          %get3A_256 = arith.index_cast %add3A_233 : i32 to index
          %get3A_257 = arith.constant 32 : index
          %get3A_258 = tpu.vector_load %arg11[%get3A_256, %get3A_257] {strides = array<i32>} : memref<80x128xf32, #tpu.memory_space<vmem>>, vector<1x16xf32>,
          %get3A_259 = vector.shape_cast %get3A_258 : vector<1x16xf32> to vector<16xf32>
          %mul3A_260 = vector.broadcast %squeeze3A_229 : f32 to vector<16xf32>
          %mul3A_261 = arith.mulf %get3A_259, %mul3A_260 : vector<16xf32>
          %swap3A_262 = arith.index_cast %add3A_233 : i32 to index
          %swap3A_263 = arith.constant 32 : index
          %swap3A_264 = tpu.vector_load %arg11[%swap3A_262, %swap3A_263] {strides = array<i32>} : memref<80x128xf32, #tpu.memory_space<vmem>>, vector<1x16xf32>,
          %swap3A_265 = vector.shape_cast %swap3A_264 : vector<1x16xf32> to vector<16xf32>
          %swap3A_266 = vector.shape_cast %mul3A_261 : vector<16xf32> to vector<1x16xf32>
          tpu.vector_store %arg11[%swap3A_262, %swap3A_263], %swap3A_266 {strides = array<i32>} : memref<80x128xf32, #tpu.memory_space<vmem>>, vector<1x16xf32>,
          %get3A_267 = arith.index_cast %add3A_233 : i32 to index
          %get3A_268 = arith.constant 48 : index
          %get3A_269 = tpu.vector_load %arg11[%get3A_267, %get3A_268] {strides = array<i32>} : memref<80x128xf32, #tpu.memory_space<vmem>>, vector<1x16xf32>,
          %get3A_270 = vector.shape_cast %get3A_269 : vector<1x16xf32> to vector<16xf32>
          %mul3A_271 = vector.broadcast %squeeze3A_229 : f32 to vector<16xf32>
          %mul3A_272 = arith.mulf %get3A_270, %mul3A_271 : vector<16xf32>
          %swap3A_273 = arith.index_cast %add3A_233 : i32 to index
          %swap3A_274 = arith.constant 48 : index
          %swap3A_275 = tpu.vector_load %arg11[%swap3A_273, %swap3A_274] {strides = array<i32>} : memref<80x128xf32, #tpu.memory_space<vmem>>, vector<1x16xf32>,
          %swap3A_276 = vector.shape_cast %swap3A_275 : vector<1x16xf32> to vector<16xf32>
          %swap3A_277 = vector.shape_cast %mul3A_272 : vector<16xf32> to vector<1x16xf32>
          tpu.vector_store %arg11[%swap3A_273, %swap3A_274], %swap3A_277 {strides = array<i32>} : memref<80x128xf32, #tpu.memory_space<vmem>>, vector<1x16xf32>,
          %get3A_278 = arith.index_cast %add3A_233 : i32 to index
          %get3A_279 = arith.constant 64 : index
          %get3A_280 = tpu.vector_load %arg11[%get3A_278, %get3A_279] {strides = array<i32>} : memref<80x128xf32, #tpu.memory_space<vmem>>, vector<1x16xf32>,
          %get3A_281 = vector.shape_cast %get3A_280 : vector<1x16xf32> to vector<16xf32>
          %mul3A_282 = vector.broadcast %squeeze3A_229 : f32 to vector<16xf32>
          %mul3A_283 = arith.mulf %get3A_281, %mul3A_282 : vector<16xf32>
          %swap3A_284 = arith.index_cast %add3A_233 : i32 to index
          %swap3A_285 = arith.constant 64 : index
          %swap3A_286 = tpu.vector_load %arg11[%swap3A_284, %swap3A_285] {strides = array<i32>} : memref<80x128xf32, #tpu.memory_space<vmem>>, vector<1x16xf32>,
          %swap3A_287 = vector.shape_cast %swap3A_286 : vector<1x16xf32> to vector<16xf32>
          %swap3A_288 = vector.shape_cast %mul3A_283 : vector<16xf32> to vector<1x16xf32>
          tpu.vector_store %arg11[%swap3A_284, %swap3A_285], %swap3A_288 {strides = array<i32>} : memref<80x128xf32, #tpu.memory_space<vmem>>, vector<1x16xf32>,
          %get3A_289 = arith.index_cast %add3A_233 : i32 to index
          %get3A_290 = arith.constant 80 : index
          %get3A_291 = tpu.vector_load %arg11[%get3A_289, %get3A_290] {strides = array<i32>} : memref<80x128xf32, #tpu.memory_space<vmem>>, vector<1x16xf32>,
          %get3A_292 = vector.shape_cast %get3A_291 : vector<1x16xf32> to vector<16xf32>
          %mul3A_293 = vector.broadcast %squeeze3A_229 : f32 to vector<16xf32>
          %mul3A_294 = arith.mulf %get3A_292, %mul3A_293 : vector<16xf32>
          %swap3A_295 = arith.index_cast %add3A_233 : i32 to index
          %swap3A_296 = arith.constant 80 : index
          %swap3A_297 = tpu.vector_load %arg11[%swap3A_295, %swap3A_296] {strides = array<i32>} : memref<80x128xf32, #tpu.memory_space<vmem>>, vector<1x16xf32>,
          %swap3A_298 = vector.shape_cast %swap3A_297 : vector<1x16xf32> to vector<16xf32>
          %swap3A_299 = vector.shape_cast %mul3A_294 : vector<16xf32> to vector<1x16xf32>
          tpu.vector_store %arg11[%swap3A_295, %swap3A_296], %swap3A_299 {strides = array<i32>} : memref<80x128xf32, #tpu.memory_space<vmem>>, vector<1x16xf32>,
          %get3A_300 = arith.index_cast %add3A_233 : i32 to index
          %get3A_301 = arith.constant 96 : index
          %get3A_302 = tpu.vector_load %arg11[%get3A_300, %get3A_301] {strides = array<i32>} : memref<80x128xf32, #tpu.memory_space<vmem>>, vector<1x16xf32>,
          %get3A_303 = vector.shape_cast %get3A_302 : vector<1x16xf32> to vector<16xf32>
          %mul3A_304 = vector.broadcast %squeeze3A_229 : f32 to vector<16xf32>
          %mul3A_305 = arith.mulf %get3A_303, %mul3A_304 : vector<16xf32>
          %swap3A_306 = arith.index_cast %add3A_233 : i32 to index
          %swap3A_307 = arith.constant 96 : index
          %swap3A_308 = tpu.vector_load %arg11[%swap3A_306, %swap3A_307] {strides = array<i32>} : memref<80x128xf32, #tpu.memory_space<vmem>>, vector<1x16xf32>,
          %swap3A_309 = vector.shape_cast %swap3A_308 : vector<1x16xf32> to vector<16xf32>
          %swap3A_310 = vector.shape_cast %mul3A_305 : vector<16xf32> to vector<1x16xf32>
          tpu.vector_store %arg11[%swap3A_306, %swap3A_307], %swap3A_310 {strides = array<i32>} : memref<80x128xf32, #tpu.memory_space<vmem>>, vector<1x16xf32>,
          %get3A_311 = arith.index_cast %add3A_233 : i32 to index
          %get3A_312 = arith.constant 112 : index
          %get3A_313 = tpu.vector_load %arg11[%get3A_311, %get3A_312] {strides = array<i32>} : memref<80x128xf32, #tpu.memory_space<vmem>>, vector<1x16xf32>,
          %get3A_314 = vector.shape_cast %get3A_313 : vector<1x16xf32> to vector<16xf32>
          %mul3A_315 = vector.broadcast %squeeze3A_229 : f32 to vector<16xf32>
          %mul3A_316 = arith.mulf %get3A_314, %mul3A_315 : vector<16xf32>
          %swap3A_317 = arith.index_cast %add3A_233 : i32 to index
          %swap3A_318 = arith.constant 112 : index
          %swap3A_319 = tpu.vector_load %arg11[%swap3A_317, %swap3A_318] {strides = array<i32>} : memref<80x128xf32, #tpu.memory_space<vmem>>, vector<1x16xf32>,
          %swap3A_320 = vector.shape_cast %swap3A_319 : vector<1x16xf32> to vector<16xf32>
          %swap3A_321 = vector.shape_cast %mul3A_316 : vector<16xf32> to vector<1x16xf32>
          tpu.vector_store %arg11[%swap3A_317, %swap3A_318], %swap3A_321 {strides = array<i32>} : memref<80x128xf32, #tpu.memory_space<vmem>>, vector<1x16xf32>,
          %slice3A_322 = vector.extract_strided_slice %get3A_42 {offsets = [3], sizes = [1], strides = [1]} : vector<16xf32> to vector<1xf32>
          %squeeze3A_323 = vector.extract %slice3A_322[0] : f32 from vector<1xf32>
          %mul3A_324 = arith.constant 16 : i32
          %mul3A_325 = arith.muli %scan3A_35, %mul3A_324 : i32
          %add3A_326 = arith.constant 3 : i32
          %add3A_327 = arith.addi %mul3A_325, %add3A_326 : i32
          %get3A_328 = arith.index_cast %add3A_327 : i32 to index
          %get3A_329 = arith.constant 0 : index
          %get3A_330 = tpu.vector_load %arg11[%get3A_328, %get3A_329] {strides = array<i32>} : memref<80x128xf32, #tpu.memory_space<vmem>>, vector<1x16xf32>,
          %get3A_331 = vector.shape_cast %get3A_330 : vector<1x16xf32> to vector<16xf32>
          %mul3A_332 = vector.broadcast %squeeze3A_323 : f32 to vector<16xf32>
          %mul3A_333 = arith.mulf %get3A_331, %mul3A_332 : vector<16xf32>
          %swap3A_334 = arith.index_cast %add3A_327 : i32 to index
          %swap3A_335 = arith.constant 0 : index
          %swap3A_336 = tpu.vector_load %arg11[%swap3A_334, %swap3A_335] {strides = array<i32>} : memref<80x128xf32, #tpu.memory_space<vmem>>, vector<1x16xf32>,
          %swap3A_337 = vector.shape_cast %swap3A_336 : vector<1x16xf32> to vector<16xf32>
          %swap3A_338 = vector.shape_cast %mul3A_333 : vector<16xf32> to vector<1x16xf32>
          tpu.vector_store %arg11[%swap3A_334, %swap3A_335], %swap3A_338 {strides = array<i32>} : memref<80x128xf32, #tpu.memory_space<vmem>>, vector<1x16xf32>,
          %get3A_339 = arith.index_cast %add3A_327 : i32 to index
          %get3A_340 = arith.constant 16 : index
          %get3A_341 = tpu.vector_load %arg11[%get3A_339, %get3A_340] {strides = array<i32>} : memref<80x128xf32, #tpu.memory_space<vmem>>, vector<1x16xf32>,
          %get3A_342 = vector.shape_cast %get3A_341 : vector<1x16xf32> to vector<16xf32>
          %mul3A_343 = vector.broadcast %squeeze3A_323 : f32 to vector<16xf32>
          %mul3A_344 = arith.mulf %get3A_342, %mul3A_343 : vector<16xf32>
          %swap3A_345 = arith.index_cast %add3A_327 : i32 to index
          %swap3A_346 = arith.constant 16 : index
          %swap3A_347 = tpu.vector_load %arg11[%swap3A_345, %swap3A_346] {strides = array<i32>} : memref<80x128xf32, #tpu.memory_space<vmem>>, vector<1x16xf32>,
          %swap3A_348 = vector.shape_cast %swap3A_347 : vector<1x16xf32> to vector<16xf32>
          %swap3A_349 = vector.shape_cast %mul3A_344 : vector<16xf32> to vector<1x16xf32>
          tpu.vector_store %arg11[%swap3A_345, %swap3A_346], %swap3A_349 {strides = array<i32>} : memref<80x128xf32, #tpu.memory_space<vmem>>, vector<1x16xf32>,
          %get3A_350 = arith.index_cast %add3A_327 : i32 to index
          %get3A_351 = arith.constant 32 : index
          %get3A_352 = tpu.vector_load %arg11[%get3A_350, %get3A_351] {strides = array<i32>} : memref<80x128xf32, #tpu.memory_space<vmem>>, vector<1x16xf32>,
          %get3A_353 = vector.shape_cast %get3A_352 : vector<1x16xf32> to vector<16xf32>
          %mul3A_354 = vector.broadcast %squeeze3A_323 : f32 to vector<16xf32>
          %mul3A_355 = arith.mulf %get3A_353, %mul3A_354 : vector<16xf32>
          %swap3A_356 = arith.index_cast %add3A_327 : i32 to index
          %swap3A_357 = arith.constant 32 : index
          %swap3A_358 = tpu.vector_load %arg11[%swap3A_356, %swap3A_357] {strides = array<i32>} : memref<80x128xf32, #tpu.memory_space<vmem>>, vector<1x16xf32>,
          %swap3A_359 = vector.shape_cast %swap3A_358 : vector<1x16xf32> to vector<16xf32>
          %swap3A_360 = vector.shape_cast %mul3A_355 : vector<16xf32> to vector<1x16xf32>
          tpu.vector_store %arg11[%swap3A_356, %swap3A_357], %swap3A_360 {strides = array<i32>} : memref<80x128xf32, #tpu.memory_space<vmem>>, vector<1x16xf32>,
          %get3A_361 = arith.index_cast %add3A_327 : i32 to index
          %get3A_362 = arith.constant 48 : index
          %get3A_363 = tpu.vector_load %arg11[%get3A_361, %get3A_362] {strides = array<i32>} : memref<80x128xf32, #tpu.memory_space<vmem>>, vector<1x16xf32>,
          %get3A_364 = vector.shape_cast %get3A_363 : vector<1x16xf32> to vector<16xf32>
          %mul3A_365 = vector.broadcast %squeeze3A_323 : f32 to vector<16xf32>
          %mul3A_366 = arith.mulf %get3A_364, %mul3A_365 : vector<16xf32>
          %swap3A_367 = arith.index_cast %add3A_327 : i32 to index
          %swap3A_368 = arith.constant 48 : index
          %swap3A_369 = tpu.vector_load %arg11[%swap3A_367, %swap3A_368] {strides = array<i32>} : memref<80x128xf32, #tpu.memory_space<vmem>>, vector<1x16xf32>,
          %swap3A_370 = vector.shape_cast %swap3A_369 : vector<1x16xf32> to vector<16xf32>
          %swap3A_371 = vector.shape_cast %mul3A_366 : vector<16xf32> to vector<1x16xf32>
          tpu.vector_store %arg11[%swap3A_367, %swap3A_368], %swap3A_371 {strides = array<i32>} : memref<80x128xf32, #tpu.memory_space<vmem>>, vector<1x16xf32>,
          %get3A_372 = arith.index_cast %add3A_327 : i32 to index
          %get3A_373 = arith.constant 64 : index
          %get3A_374 = tpu.vector_load %arg11[%get3A_372, %get3A_373] {strides = array<i32>} : memref<80x128xf32, #tpu.memory_space<vmem>>, vector<1x16xf32>,
          %get3A_375 = vector.shape_cast %get3A_374 : vector<1x16xf32> to vector<16xf32>
          %mul3A_376 = vector.broadcast %squeeze3A_323 : f32 to vector<16xf32>
          %mul3A_377 = arith.mulf %get3A_375, %mul3A_376 : vector<16xf32>
          %swap3A_378 = arith.index_cast %add3A_327 : i32 to index
          %swap3A_379 = arith.constant 64 : index
          %swap3A_380 = tpu.vector_load %arg11[%swap3A_378, %swap3A_379] {strides = array<i32>} : memref<80x128xf32, #tpu.memory_space<vmem>>, vector<1x16xf32>,
          %swap3A_381 = vector.shape_cast %swap3A_380 : vector<1x16xf32> to vector<16xf32>
          %swap3A_382 = vector.shape_cast %mul3A_377 : vector<16xf32> to vector<1x16xf32>
          tpu.vector_store %arg11[%swap3A_378, %swap3A_379], %swap3A_382 {strides = array<i32>} : memref<80x128xf32, #tpu.memory_space<vmem>>, vector<1x16xf32>,
          %get3A_383 = arith.index_cast %add3A_327 : i32 to index
          %get3A_384 = arith.constant 80 : index
          %get3A_385 = tpu.vector_load %arg11[%get3A_383, %get3A_384] {strides = array<i32>} : memref<80x128xf32, #tpu.memory_space<vmem>>, vector<1x16xf32>,
          %get3A_386 = vector.shape_cast %get3A_385 : vector<1x16xf32> to vector<16xf32>
          %mul3A_387 = vector.broadcast %squeeze3A_323 : f32 to vector<16xf32>
          %mul3A_388 = arith.mulf %get3A_386, %mul3A_387 : vector<16xf32>
          %swap3A_389 = arith.index_cast %add3A_327 : i32 to index
          %swap3A_390 = arith.constant 80 : index
          %swap3A_391 = tpu.vector_load %arg11[%swap3A_389, %swap3A_390] {strides = array<i32>} : memref<80x128xf32, #tpu.memory_space<vmem>>, vector<1x16xf32>,
          %swap3A_392 = vector.shape_cast %swap3A_391 : vector<1x16xf32> to vector<16xf32>
          %swap3A_393 = vector.shape_cast %mul3A_388 : vector<16xf32> to vector<1x16xf32>
          tpu.vector_store %arg11[%swap3A_389, %swap3A_390], %swap3A_393 {strides = array<i32>} : memref<80x128xf32, #tpu.memory_space<vmem>>, vector<1x16xf32>,
          %get3A_394 = arith.index_cast %add3A_327 : i32 to index
          %get3A_395 = arith.constant 96 : index
          %get3A_396 = tpu.vector_load %arg11[%get3A_394, %get3A_395] {strides = array<i32>} : memref<80x128xf32, #tpu.memory_space<vmem>>, vector<1x16xf32>,
          %get3A_397 = vector.shape_cast %get3A_396 : vector<1x16xf32> to vector<16xf32>
          %mul3A_398 = vector.broadcast %squeeze3A_323 : f32 to vector<16xf32>
          %mul3A_399 = arith.mulf %get3A_397, %mul3A_398 : vector<16xf32>
          %swap3A_400 = arith.index_cast %add3A_327 : i32 to index
          %swap3A_401 = arith.constant 96 : index
          %swap3A_402 = tpu.vector_load %arg11[%swap3A_400, %swap3A_401] {strides = array<i32>} : memref<80x128xf32, #tpu.memory_space<vmem>>, vector<1x16xf32>,
          %swap3A_403 = vector.shape_cast %swap3A_402 : vector<1x16xf32> to vector<16xf32>
          %swap3A_404 = vector.shape_cast %mul3A_399 : vector<16xf32> to vector<1x16xf32>
          tpu.vector_store %arg11[%swap3A_400, %swap3A_401], %swap3A_404 {strides = array<i32>} : memref<80x128xf32, #tpu.memory_space<vmem>>, vector<1x16xf32>,
          %get3A_405 = arith.index_cast %add3A_327 : i32 to index
          %get3A_406 = arith.constant 112 : index
          %get3A_407 = tpu.vector_load %arg11[%get3A_405, %get3A_406] {strides = array<i32>} : memref<80x128xf32, #tpu.memory_space<vmem>>, vector<1x16xf32>,
          %get3A_408 = vector.shape_cast %get3A_407 : vector<1x16xf32> to vector<16xf32>
          %mul3A_409 = vector.broadcast %squeeze3A_323 : f32 to vector<16xf32>
          %mul3A_410 = arith.mulf %get3A_408, %mul3A_409 : vector<16xf32>
          %swap3A_411 = arith.index_cast %add3A_327 : i32 to index
          %swap3A_412 = arith.constant 112 : index
          %swap3A_413 = tpu.vector_load %arg11[%swap3A_411, %swap3A_412] {strides = array<i32>} : memref<80x128xf32, #tpu.memory_space<vmem>>, vector<1x16xf32>,
          %swap3A_414 = vector.shape_cast %swap3A_413 : vector<1x16xf32> to vector<16xf32>
          %swap3A_415 = vector.shape_cast %mul3A_410 : vector<16xf32> to vector<1x16xf32>
          tpu.vector_store %arg11[%swap3A_411, %swap3A_412], %swap3A_415 {strides = array<i32>} : memref<80x128xf32, #tpu.memory_space<vmem>>, vector<1x16xf32>,
          %slice3A_416 = vector.extract_strided_slice %get3A_42 {offsets = [4], sizes = [1], strides = [1]} : vector<16xf32> to vector<1xf32>
          %squeeze3A_417 = vector.extract %slice3A_416[0] : f32 from vector<1xf32>
          %mul3A_418 = arith.constant 16 : i32
          %mul3A_419 = arith.muli %scan3A_35, %mul3A_418 : i32
          %add3A_420 = arith.constant 4 : i32
          %add3A_421 = arith.addi %mul3A_419, %add3A_420 : i32
          %get3A_422 = arith.index_cast %add3A_421 : i32 to index
          %get3A_423 = arith.constant 0 : index
          %get3A_424 = tpu.vector_load %arg11[%get3A_422, %get3A_423] {strides = array<i32>} : memref<80x128xf32, #tpu.memory_space<vmem>>, vector<1x16xf32>,
          %get3A_425 = vector.shape_cast %get3A_424 : vector<1x16xf32> to vector<16xf32>
          %mul3A_426 = vector.broadcast %squeeze3A_417 : f32 to vector<16xf32>
          %mul3A_427 = arith.mulf %get3A_425, %mul3A_426 : vector<16xf32>
          %swap3A_428 = arith.index_cast %add3A_421 : i32 to index
          %swap3A_429 = arith.constant 0 : index
          %swap3A_430 = tpu.vector_load %arg11[%swap3A_428, %swap3A_429] {strides = array<i32>} : memref<80x128xf32, #tpu.memory_space<vmem>>, vector<1x16xf32>,
          %swap3A_431 = vector.shape_cast %swap3A_430 : vector<1x16xf32> to vector<16xf32>
          %swap3A_432 = vector.shape_cast %mul3A_427 : vector<16xf32> to vector<1x16xf32>
          tpu.vector_store %arg11[%swap3A_428, %swap3A_429], %swap3A_432 {strides = array<i32>} : memref<80x128xf32, #tpu.memory_space<vmem>>, vector<1x16xf32>,
          %get3A_433 = arith.index_cast %add3A_421 : i32 to index
          %get3A_434 = arith.constant 16 : index
          %get3A_435 = tpu.vector_load %arg11[%get3A_433, %get3A_434] {strides = array<i32>} : memref<80x128xf32, #tpu.memory_space<vmem>>, vector<1x16xf32>,
          %get3A_436 = vector.shape_cast %get3A_435 : vector<1x16xf32> to vector<16xf32>
          %mul3A_437 = vector.broadcast %squeeze3A_417 : f32 to vector<16xf32>
          %mul3A_438 = arith.mulf %get3A_436, %mul3A_437 : vector<16xf32>
          %swap3A_439 = arith.index_cast %add3A_421 : i32 to index
          %swap3A_440 = arith.constant 16 : index
          %swap3A_441 = tpu.vector_load %arg11[%swap3A_439, %swap3A_440] {strides = array<i32>} : memref<80x128xf32, #tpu.memory_space<vmem>>, vector<1x16xf32>,
          %swap3A_442 = vector.shape_cast %swap3A_441 : vector<1x16xf32> to vector<16xf32>
          %swap3A_443 = vector.shape_cast %mul3A_438 : vector<16xf32> to vector<1x16xf32>
          tpu.vector_store %arg11[%swap3A_439, %swap3A_440], %swap3A_443 {strides = array<i32>} : memref<80x128xf32, #tpu.memory_space<vmem>>, vector<1x16xf32>,
          %get3A_444 = arith.index_cast %add3A_421 : i32 to index
          %get3A_445 = arith.constant 32 : index
          %get3A_446 = tpu.vector_load %arg11[%get3A_444, %get3A_445] {strides = array<i32>} : memref<80x128xf32, #tpu.memory_space<vmem>>, vector<1x16xf32>,
          %get3A_447 = vector.shape_cast %get3A_446 : vector<1x16xf32> to vector<16xf32>
          %mul3A_448 = vector.broadcast %squeeze3A_417 : f32 to vector<16xf32>
          %mul3A_449 = arith.mulf %get3A_447, %mul3A_448 : vector<16xf32>
          %swap3A_450 = arith.index_cast %add3A_421 : i32 to index
          %swap3A_451 = arith.constant 32 : index
          %swap3A_452 = tpu.vector_load %arg11[%swap3A_450, %swap3A_451] {strides = array<i32>} : memref<80x128xf32, #tpu.memory_space<vmem>>, vector<1x16xf32>,
          %swap3A_453 = vector.shape_cast %swap3A_452 : vector<1x16xf32> to vector<16xf32>
          %swap3A_454 = vector.shape_cast %mul3A_449 : vector<16xf32> to vector<1x16xf32>
          tpu.vector_store %arg11[%swap3A_450, %swap3A_451], %swap3A_454 {strides = array<i32>} : memref<80x128xf32, #tpu.memory_space<vmem>>, vector<1x16xf32>,
          %get3A_455 = arith.index_cast %add3A_421 : i32 to index
          %get3A_456 = arith.constant 48 : index
          %get3A_457 = tpu.vector_load %arg11[%get3A_455, %get3A_456] {strides = array<i32>} : memref<80x128xf32, #tpu.memory_space<vmem>>, vector<1x16xf32>,
          %get3A_458 = vector.shape_cast %get3A_457 : vector<1x16xf32> to vector<16xf32>
          %mul3A_459 = vector.broadcast %squeeze3A_417 : f32 to vector<16xf32>
          %mul3A_460 = arith.mulf %get3A_458, %mul3A_459 : vector<16xf32>
          %swap3A_461 = arith.index_cast %add3A_421 : i32 to index
          %swap3A_462 = arith.constant 48 : index
          %swap3A_463 = tpu.vector_load %arg11[%swap3A_461, %swap3A_462] {strides = array<i32>} : memref<80x128xf32, #tpu.memory_space<vmem>>, vector<1x16xf32>,
          %swap3A_464 = vector.shape_cast %swap3A_463 : vector<1x16xf32> to vector<16xf32>
          %swap3A_465 = vector.shape_cast %mul3A_460 : vector<16xf32> to vector<1x16xf32>
          tpu.vector_store %arg11[%swap3A_461, %swap3A_462], %swap3A_465 {strides = array<i32>} : memref<80x128xf32, #tpu.memory_space<vmem>>, vector<1x16xf32>,
          %get3A_466 = arith.index_cast %add3A_421 : i32 to index
          %get3A_467 = arith.constant 64 : index
          %get3A_468 = tpu.vector_load %arg11[%get3A_466, %get3A_467] {strides = array<i32>} : memref<80x128xf32, #tpu.memory_space<vmem>>, vector<1x16xf32>,
          %get3A_469 = vector.shape_cast %get3A_468 : vector<1x16xf32> to vector<16xf32>
          %mul3A_470 = vector.broadcast %squeeze3A_417 : f32 to vector<16xf32>
          %mul3A_471 = arith.mulf %get3A_469, %mul3A_470 : vector<16xf32>
          %swap3A_472 = arith.index_cast %add3A_421 : i32 to index
          %swap3A_473 = arith.constant 64 : index
          %swap3A_474 = tpu.vector_load %arg11[%swap3A_472, %swap3A_473] {strides = array<i32>} : memref<80x128xf32, #tpu.memory_space<vmem>>, vector<1x16xf32>,
          %swap3A_475 = vector.shape_cast %swap3A_474 : vector<1x16xf32> to vector<16xf32>
          %swap3A_476 = vector.shape_cast %mul3A_471 : vector<16xf32> to vector<1x16xf32>
          tpu.vector_store %arg11[%swap3A_472, %swap3A_473], %swap3A_476 {strides = array<i32>} : memref<80x128xf32, #tpu.memory_space<vmem>>, vector<1x16xf32>,
          %get3A_477 = arith.index_cast %add3A_421 : i32 to index
          %get3A_478 = arith.constant 80 : index
          %get3A_479 = tpu.vector_load %arg11[%get3A_477, %get3A_478] {strides = array<i32>} : memref<80x128xf32, #tpu.memory_space<vmem>>, vector<1x16xf32>,
          %get3A_480 = vector.shape_cast %get3A_479 : vector<1x16xf32> to vector<16xf32>
          %mul3A_481 = vector.broadcast %squeeze3A_417 : f32 to vector<16xf32>
          %mul3A_482 = arith.mulf %get3A_480, %mul3A_481 : vector<16xf32>
          %swap3A_483 = arith.index_cast %add3A_421 : i32 to index
          %swap3A_484 = arith.constant 80 : index
          %swap3A_485 = tpu.vector_load %arg11[%swap3A_483, %swap3A_484] {strides = array<i32>} : memref<80x128xf32, #tpu.memory_space<vmem>>, vector<1x16xf32>,
          %swap3A_486 = vector.shape_cast %swap3A_485 : vector<1x16xf32> to vector<16xf32>
          %swap3A_487 = vector.shape_cast %mul3A_482 : vector<16xf32> to vector<1x16xf32>
          tpu.vector_store %arg11[%swap3A_483, %swap3A_484], %swap3A_487 {strides = array<i32>} : memref<80x128xf32, #tpu.memory_space<vmem>>, vector<1x16xf32>,
          %get3A_488 = arith.index_cast %add3A_421 : i32 to index
          %get3A_489 = arith.constant 96 : index
          %get3A_490 = tpu.vector_load %arg11[%get3A_488, %get3A_489] {strides = array<i32>} : memref<80x128xf32, #tpu.memory_space<vmem>>, vector<1x16xf32>,
          %get3A_491 = vector.shape_cast %get3A_490 : vector<1x16xf32> to vector<16xf32>
          %mul3A_492 = vector.broadcast %squeeze3A_417 : f32 to vector<16xf32>
          %mul3A_493 = arith.mulf %get3A_491, %mul3A_492 : vector<16xf32>
          %swap3A_494 = arith.index_cast %add3A_421 : i32 to index
          %swap3A_495 = arith.constant 96 : index
          %swap3A_496 = tpu.vector_load %arg11[%swap3A_494, %swap3A_495] {strides = array<i32>} : memref<80x128xf32, #tpu.memory_space<vmem>>, vector<1x16xf32>,
          %swap3A_497 = vector.shape_cast %swap3A_496 : vector<1x16xf32> to vector<16xf32>
          %swap3A_498 = vector.shape_cast %mul3A_493 : vector<16xf32> to vector<1x16xf32>
          tpu.vector_store %arg11[%swap3A_494, %swap3A_495], %swap3A_498 {strides = array<i32>} : memref<80x128xf32, #tpu.memory_space<vmem>>, vector<1x16xf32>,
          %get3A_499 = arith.index_cast %add3A_421 : i32 to index
          %get3A_500 = arith.constant 112 : index
          %get3A_501 = tpu.vector_load %arg11[%get3A_499, %get3A_500] {strides = array<i32>} : memref<80x128xf32, #tpu.memory_space<vmem>>, vector<1x16xf32>,
          %get3A_502 = vector.shape_cast %get3A_501 : vector<1x16xf32> to vector<16xf32>
          %mul3A_503 = vector.broadcast %squeeze3A_417 : f32 to vector<16xf32>
          %mul3A_504 = arith.mulf %get3A_502, %mul3A_503 : vector<16xf32>
          %swap3A_505 = arith.index_cast %add3A_421 : i32 to index
          %swap3A_506 = arith.constant 112 : index
          %swap3A_507 = tpu.vector_load %arg11[%swap3A_505, %swap3A_506] {strides = array<i32>} : memref<80x128xf32, #tpu.memory_space<vmem>>, vector<1x16xf32>,
          %swap3A_508 = vector.shape_cast %swap3A_507 : vector<1x16xf32> to vector<16xf32>
          %swap3A_509 = vector.shape_cast %mul3A_504 : vector<16xf32> to vector<1x16xf32>
          tpu.vector_store %arg11[%swap3A_505, %swap3A_506], %swap3A_509 {strides = array<i32>} : memref<80x128xf32, #tpu.memory_space<vmem>>, vector<1x16xf32>,
          %slice3A_510 = vector.extract_strided_slice %get3A_42 {offsets = [5], sizes = [1], strides = [1]} : vector<16xf32> to vector<1xf32>
          %squeeze3A_511 = vector.extract %slice3A_510[0] : f32 from vector<1xf32>
          %mul3A_512 = arith.constant 16 : i32
          %mul3A_513 = arith.muli %scan3A_35, %mul3A_512 : i32
          %add3A_514 = arith.constant 5 : i32
          %add3A_515 = arith.addi %mul3A_513, %add3A_514 : i32
          %get3A_516 = arith.index_cast %add3A_515 : i32 to index
          %get3A_517 = arith.constant 0 : index
          %get3A_518 = tpu.vector_load %arg11[%get3A_516, %get3A_517] {strides = array<i32>} : memref<80x128xf32, #tpu.memory_space<vmem>>, vector<1x16xf32>,
          %get3A_519 = vector.shape_cast %get3A_518 : vector<1x16xf32> to vector<16xf32>
          %mul3A_520 = vector.broadcast %squeeze3A_511 : f32 to vector<16xf32>
          %mul3A_521 = arith.mulf %get3A_519, %mul3A_520 : vector<16xf32>
          %swap3A_522 = arith.index_cast %add3A_515 : i32 to index
          %swap3A_523 = arith.constant 0 : index
          %swap3A_524 = tpu.vector_load %arg11[%swap3A_522, %swap3A_523] {strides = array<i32>} : memref<80x128xf32, #tpu.memory_space<vmem>>, vector<1x16xf32>,
          %swap3A_525 = vector.shape_cast %swap3A_524 : vector<1x16xf32> to vector<16xf32>
          %swap3A_526 = vector.shape_cast %mul3A_521 : vector<16xf32> to vector<1x16xf32>
          tpu.vector_store %arg11[%swap3A_522, %swap3A_523], %swap3A_526 {strides = array<i32>} : memref<80x128xf32, #tpu.memory_space<vmem>>, vector<1x16xf32>,
          %get3A_527 = arith.index_cast %add3A_515 : i32 to index
          %get3A_528 = arith.constant 16 : index
          %get3A_529 = tpu.vector_load %arg11[%get3A_527, %get3A_528] {strides = array<i32>} : memref<80x128xf32, #tpu.memory_space<vmem>>, vector<1x16xf32>,
          %get3A_530 = vector.shape_cast %get3A_529 : vector<1x16xf32> to vector<16xf32>
          %mul3A_531 = vector.broadcast %squeeze3A_511 : f32 to vector<16xf32>
          %mul3A_532 = arith.mulf %get3A_530, %mul3A_531 : vector<16xf32>
          %swap3A_533 = arith.index_cast %add3A_515 : i32 to index
          %swap3A_534 = arith.constant 16 : index
          %swap3A_535 = tpu.vector_load %arg11[%swap3A_533, %swap3A_534] {strides = array<i32>} : memref<80x128xf32, #tpu.memory_space<vmem>>, vector<1x16xf32>,
          %swap3A_536 = vector.shape_cast %swap3A_535 : vector<1x16xf32> to vector<16xf32>
          %swap3A_537 = vector.shape_cast %mul3A_532 : vector<16xf32> to vector<1x16xf32>
          tpu.vector_store %arg11[%swap3A_533, %swap3A_534], %swap3A_537 {strides = array<i32>} : memref<80x128xf32, #tpu.memory_space<vmem>>, vector<1x16xf32>,
          %get3A_538 = arith.index_cast %add3A_515 : i32 to index
          %get3A_539 = arith.constant 32 : index
          %get3A_540 = tpu.vector_load %arg11[%get3A_538, %get3A_539] {strides = array<i32>} : memref<80x128xf32, #tpu.memory_space<vmem>>, vector<1x16xf32>,
          %get3A_541 = vector.shape_cast %get3A_540 : vector<1x16xf32> to vector<16xf32>
          %mul3A_542 = vector.broadcast %squeeze3A_511 : f32 to vector<16xf32>
          %mul3A_543 = arith.mulf %get3A_541, %mul3A_542 : vector<16xf32>
          %swap3A_544 = arith.index_cast %add3A_515 : i32 to index
          %swap3A_545 = arith.constant 32 : index
          %swap3A_546 = tpu.vector_load %arg11[%swap3A_544, %swap3A_545] {strides = array<i32>} : memref<80x128xf32, #tpu.memory_space<vmem>>, vector<1x16xf32>,
          %swap3A_547 = vector.shape_cast %swap3A_546 : vector<1x16xf32> to vector<16xf32>
          %swap3A_548 = vector.shape_cast %mul3A_543 : vector<16xf32> to vector<1x16xf32>
          tpu.vector_store %arg11[%swap3A_544, %swap3A_545], %swap3A_548 {strides = array<i32>} : memref<80x128xf32, #tpu.memory_space<vmem>>, vector<1x16xf32>,
          %get3A_549 = arith.index_cast %add3A_515 : i32 to index
          %get3A_550 = arith.constant 48 : index
          %get3A_551 = tpu.vector_load %arg11[%get3A_549, %get3A_550] {strides = array<i32>} : memref<80x128xf32, #tpu.memory_space<vmem>>, vector<1x16xf32>,
          %get3A_552 = vector.shape_cast %get3A_551 : vector<1x16xf32> to vector<16xf32>
          %mul3A_553 = vector.broadcast %squeeze3A_511 : f32 to vector<16xf32>
          %mul3A_554 = arith.mulf %get3A_552, %mul3A_553 : vector<16xf32>
          %swap3A_555 = arith.index_cast %add3A_515 : i32 to index
          %swap3A_556 = arith.constant 48 : index
          %swap3A_557 = tpu.vector_load %arg11[%swap3A_555, %swap3A_556] {strides = array<i32>} : memref<80x128xf32, #tpu.memory_space<vmem>>, vector<1x16xf32>,
          %swap3A_558 = vector.shape_cast %swap3A_557 : vector<1x16xf32> to vector<16xf32>
          %swap3A_559 = vector.shape_cast %mul3A_554 : vector<16xf32> to vector<1x16xf32>
          tpu.vector_store %arg11[%swap3A_555, %swap3A_556], %swap3A_559 {strides = array<i32>} : memref<80x128xf32, #tpu.memory_space<vmem>>, vector<1x16xf32>,
          %get3A_560 = arith.index_cast %add3A_515 : i32 to index
          %get3A_561 = arith.constant 64 : index
          %get3A_562 = tpu.vector_load %arg11[%get3A_560, %get3A_561] {strides = array<i32>} : memref<80x128xf32, #tpu.memory_space<vmem>>, vector<1x16xf32>,
          %get3A_563 = vector.shape_cast %get3A_562 : vector<1x16xf32> to vector<16xf32>
          %mul3A_564 = vector.broadcast %squeeze3A_511 : f32 to vector<16xf32>
          %mul3A_565 = arith.mulf %get3A_563, %mul3A_564 : vector<16xf32>
          %swap3A_566 = arith.index_cast %add3A_515 : i32 to index
          %swap3A_567 = arith.constant 64 : index
          %swap3A_568 = tpu.vector_load %arg11[%swap3A_566, %swap3A_567] {strides = array<i32>} : memref<80x128xf32, #tpu.memory_space<vmem>>, vector<1x16xf32>,
          %swap3A_569 = vector.shape_cast %swap3A_568 : vector<1x16xf32> to vector<16xf32>
          %swap3A_570 = vector.shape_cast %mul3A_565 : vector<16xf32> to vector<1x16xf32>
          tpu.vector_store %arg11[%swap3A_566, %swap3A_567], %swap3A_570 {strides = array<i32>} : memref<80x128xf32, #tpu.memory_space<vmem>>, vector<1x16xf32>,
          %get3A_571 = arith.index_cast %add3A_515 : i32 to index
          %get3A_572 = arith.constant 80 : index
          %get3A_573 = tpu.vector_load %arg11[%get3A_571, %get3A_572] {strides = array<i32>} : memref<80x128xf32, #tpu.memory_space<vmem>>, vector<1x16xf32>,
          %get3A_574 = vector.shape_cast %get3A_573 : vector<1x16xf32> to vector<16xf32>
          %mul3A_575 = vector.broadcast %squeeze3A_511 : f32 to vector<16xf32>
          %mul3A_576 = arith.mulf %get3A_574, %mul3A_575 : vector<16xf32>
          %swap3A_577 = arith.index_cast %add3A_515 : i32 to index
          %swap3A_578 = arith.constant 80 : index
          %swap3A_579 = tpu.vector_load %arg11[%swap3A_577, %swap3A_578] {strides = array<i32>} : memref<80x128xf32, #tpu.memory_space<vmem>>, vector<1x16xf32>,
          %swap3A_580 = vector.shape_cast %swap3A_579 : vector<1x16xf32> to vector<16xf32>
          %swap3A_581 = vector.shape_cast %mul3A_576 : vector<16xf32> to vector<1x16xf32>
          tpu.vector_store %arg11[%swap3A_577, %swap3A_578], %swap3A_581 {strides = array<i32>} : memref<80x128xf32, #tpu.memory_space<vmem>>, vector<1x16xf32>,
          %get3A_582 = arith.index_cast %add3A_515 : i32 to index
          %get3A_583 = arith.constant 96 : index
          %get3A_584 = tpu.vector_load %arg11[%get3A_582, %get3A_583] {strides = array<i32>} : memref<80x128xf32, #tpu.memory_space<vmem>>, vector<1x16xf32>,
          %get3A_585 = vector.shape_cast %get3A_584 : vector<1x16xf32> to vector<16xf32>
          %mul3A_586 = vector.broadcast %squeeze3A_511 : f32 to vector<16xf32>
          %mul3A_587 = arith.mulf %get3A_585, %mul3A_586 : vector<16xf32>
          %swap3A_588 = arith.index_cast %add3A_515 : i32 to index
          %swap3A_589 = arith.constant 96 : index
          %swap3A_590 = tpu.vector_load %arg11[%swap3A_588, %swap3A_589] {strides = array<i32>} : memref<80x128xf32, #tpu.memory_space<vmem>>, vector<1x16xf32>,
          %swap3A_591 = vector.shape_cast %swap3A_590 : vector<1x16xf32> to vector<16xf32>
          %swap3A_592 = vector.shape_cast %mul3A_587 : vector<16xf32> to vector<1x16xf32>
          tpu.vector_store %arg11[%swap3A_588, %swap3A_589], %swap3A_592 {strides = array<i32>} : memref<80x128xf32, #tpu.memory_space<vmem>>, vector<1x16xf32>,
          %get3A_593 = arith.index_cast %add3A_515 : i32 to index
          %get3A_594 = arith.constant 112 : index
          %get3A_595 = tpu.vector_load %arg11[%get3A_593, %get3A_594] {strides = array<i32>} : memref<80x128xf32, #tpu.memory_space<vmem>>, vector<1x16xf32>,
          %get3A_596 = vector.shape_cast %get3A_595 : vector<1x16xf32> to vector<16xf32>
          %mul3A_597 = vector.broadcast %squeeze3A_511 : f32 to vector<16xf32>
          %mul3A_598 = arith.mulf %get3A_596, %mul3A_597 : vector<16xf32>
          %swap3A_599 = arith.index_cast %add3A_515 : i32 to index
          %swap3A_600 = arith.constant 112 : index
          %swap3A_601 = tpu.vector_load %arg11[%swap3A_599, %swap3A_600] {strides = array<i32>} : memref<80x128xf32, #tpu.memory_space<vmem>>, vector<1x16xf32>,
          %swap3A_602 = vector.shape_cast %swap3A_601 : vector<1x16xf32> to vector<16xf32>
          %swap3A_603 = vector.shape_cast %mul3A_598 : vector<16xf32> to vector<1x16xf32>
          tpu.vector_store %arg11[%swap3A_599, %swap3A_600], %swap3A_603 {strides = array<i32>} : memref<80x128xf32, #tpu.memory_space<vmem>>, vector<1x16xf32>,
          %slice3A_604 = vector.extract_strided_slice %get3A_42 {offsets = [6], sizes = [1], strides = [1]} : vector<16xf32> to vector<1xf32>
          %squeeze3A_605 = vector.extract %slice3A_604[0] : f32 from vector<1xf32>
          %mul3A_606 = arith.constant 16 : i32
          %mul3A_607 = arith.muli %scan3A_35, %mul3A_606 : i32
          %add3A_608 = arith.constant 6 : i32
          %add3A_609 = arith.addi %mul3A_607, %add3A_608 : i32
          %get3A_610 = arith.index_cast %add3A_609 : i32 to index
          %get3A_611 = arith.constant 0 : index
          %get3A_612 = tpu.vector_load %arg11[%get3A_610, %get3A_611] {strides = array<i32>} : memref<80x128xf32, #tpu.memory_space<vmem>>, vector<1x16xf32>,
          %get3A_613 = vector.shape_cast %get3A_612 : vector<1x16xf32> to vector<16xf32>
          %mul3A_614 = vector.broadcast %squeeze3A_605 : f32 to vector<16xf32>
          %mul3A_615 = arith.mulf %get3A_613, %mul3A_614 : vector<16xf32>
          %swap3A_616 = arith.index_cast %add3A_609 : i32 to index
          %swap3A_617 = arith.constant 0 : index
          %swap3A_618 = tpu.vector_load %arg11[%swap3A_616, %swap3A_617] {strides = array<i32>} : memref<80x128xf32, #tpu.memory_space<vmem>>, vector<1x16xf32>,
          %swap3A_619 = vector.shape_cast %swap3A_618 : vector<1x16xf32> to vector<16xf32>
          %swap3A_620 = vector.shape_cast %mul3A_615 : vector<16xf32> to vector<1x16xf32>
          tpu.vector_store %arg11[%swap3A_616, %swap3A_617], %swap3A_620 {strides = array<i32>} : memref<80x128xf32, #tpu.memory_space<vmem>>, vector<1x16xf32>,
          %get3A_621 = arith.index_cast %add3A_609 : i32 to index
          %get3A_622 = arith.constant 16 : index
          %get3A_623 = tpu.vector_load %arg11[%get3A_621, %get3A_622] {strides = array<i32>} : memref<80x128xf32, #tpu.memory_space<vmem>>, vector<1x16xf32>,
          %get3A_624 = vector.shape_cast %get3A_623 : vector<1x16xf32> to vector<16xf32>
          %mul3A_625 = vector.broadcast %squeeze3A_605 : f32 to vector<16xf32>
          %mul3A_626 = arith.mulf %get3A_624, %mul3A_625 : vector<16xf32>
          %swap3A_627 = arith.index_cast %add3A_609 : i32 to index
          %swap3A_628 = arith.constant 16 : index
          %swap3A_629 = tpu.vector_load %arg11[%swap3A_627, %swap3A_628] {strides = array<i32>} : memref<80x128xf32, #tpu.memory_space<vmem>>, vector<1x16xf32>,
          %swap3A_630 = vector.shape_cast %swap3A_629 : vector<1x16xf32> to vector<16xf32>
          %swap3A_631 = vector.shape_cast %mul3A_626 : vector<16xf32> to vector<1x16xf32>
          tpu.vector_store %arg11[%swap3A_627, %swap3A_628], %swap3A_631 {strides = array<i32>} : memref<80x128xf32, #tpu.memory_space<vmem>>, vector<1x16xf32>,
          %get3A_632 = arith.index_cast %add3A_609 : i32 to index
          %get3A_633 = arith.constant 32 : index
          %get3A_634 = tpu.vector_load %arg11[%get3A_632, %get3A_633] {strides = array<i32>} : memref<80x128xf32, #tpu.memory_space<vmem>>, vector<1x16xf32>,
          %get3A_635 = vector.shape_cast %get3A_634 : vector<1x16xf32> to vector<16xf32>
          %mul3A_636 = vector.broadcast %squeeze3A_605 : f32 to vector<16xf32>
          %mul3A_637 = arith.mulf %get3A_635, %mul3A_636 : vector<16xf32>
          %swap3A_638 = arith.index_cast %add3A_609 : i32 to index
          %swap3A_639 = arith.constant 32 : index
          %swap3A_640 = tpu.vector_load %arg11[%swap3A_638, %swap3A_639] {strides = array<i32>} : memref<80x128xf32, #tpu.memory_space<vmem>>, vector<1x16xf32>,
          %swap3A_641 = vector.shape_cast %swap3A_640 : vector<1x16xf32> to vector<16xf32>
          %swap3A_642 = vector.shape_cast %mul3A_637 : vector<16xf32> to vector<1x16xf32>
          tpu.vector_store %arg11[%swap3A_638, %swap3A_639], %swap3A_642 {strides = array<i32>} : memref<80x128xf32, #tpu.memory_space<vmem>>, vector<1x16xf32>,
          %get3A_643 = arith.index_cast %add3A_609 : i32 to index
          %get3A_644 = arith.constant 48 : index
          %get3A_645 = tpu.vector_load %arg11[%get3A_643, %get3A_644] {strides = array<i32>} : memref<80x128xf32, #tpu.memory_space<vmem>>, vector<1x16xf32>,
          %get3A_646 = vector.shape_cast %get3A_645 : vector<1x16xf32> to vector<16xf32>
          %mul3A_647 = vector.broadcast %squeeze3A_605 : f32 to vector<16xf32>
          %mul3A_648 = arith.mulf %get3A_646, %mul3A_647 : vector<16xf32>
          %swap3A_649 = arith.index_cast %add3A_609 : i32 to index
          %swap3A_650 = arith.constant 48 : index
          %swap3A_651 = tpu.vector_load %arg11[%swap3A_649, %swap3A_650] {strides = array<i32>} : memref<80x128xf32, #tpu.memory_space<vmem>>, vector<1x16xf32>,
          %swap3A_652 = vector.shape_cast %swap3A_651 : vector<1x16xf32> to vector<16xf32>
          %swap3A_653 = vector.shape_cast %mul3A_648 : vector<16xf32> to vector<1x16xf32>
          tpu.vector_store %arg11[%swap3A_649, %swap3A_650], %swap3A_653 {strides = array<i32>} : memref<80x128xf32, #tpu.memory_space<vmem>>, vector<1x16xf32>,
          %get3A_654 = arith.index_cast %add3A_609 : i32 to index
          %get3A_655 = arith.constant 64 : index
          %get3A_656 = tpu.vector_load %arg11[%get3A_654, %get3A_655] {strides = array<i32>} : memref<80x128xf32, #tpu.memory_space<vmem>>, vector<1x16xf32>,
          %get3A_657 = vector.shape_cast %get3A_656 : vector<1x16xf32> to vector<16xf32>
          %mul3A_658 = vector.broadcast %squeeze3A_605 : f32 to vector<16xf32>
          %mul3A_659 = arith.mulf %get3A_657, %mul3A_658 : vector<16xf32>
          %swap3A_660 = arith.index_cast %add3A_609 : i32 to index
          %swap3A_661 = arith.constant 64 : index
          %swap3A_662 = tpu.vector_load %arg11[%swap3A_660, %swap3A_661] {strides = array<i32>} : memref<80x128xf32, #tpu.memory_space<vmem>>, vector<1x16xf32>,
          %swap3A_663 = vector.shape_cast %swap3A_662 : vector<1x16xf32> to vector<16xf32>
          %swap3A_664 = vector.shape_cast %mul3A_659 : vector<16xf32> to vector<1x16xf32>
          tpu.vector_store %arg11[%swap3A_660, %swap3A_661], %swap3A_664 {strides = array<i32>} : memref<80x128xf32, #tpu.memory_space<vmem>>, vector<1x16xf32>,
          %get3A_665 = arith.index_cast %add3A_609 : i32 to index
          %get3A_666 = arith.constant 80 : index
          %get3A_667 = tpu.vector_load %arg11[%get3A_665, %get3A_666] {strides = array<i32>} : memref<80x128xf32, #tpu.memory_space<vmem>>, vector<1x16xf32>,
          %get3A_668 = vector.shape_cast %get3A_667 : vector<1x16xf32> to vector<16xf32>
          %mul3A_669 = vector.broadcast %squeeze3A_605 : f32 to vector<16xf32>
          %mul3A_670 = arith.mulf %get3A_668, %mul3A_669 : vector<16xf32>
          %swap3A_671 = arith.index_cast %add3A_609 : i32 to index
          %swap3A_672 = arith.constant 80 : index
          %swap3A_673 = tpu.vector_load %arg11[%swap3A_671, %swap3A_672] {strides = array<i32>} : memref<80x128xf32, #tpu.memory_space<vmem>>, vector<1x16xf32>,
          %swap3A_674 = vector.shape_cast %swap3A_673 : vector<1x16xf32> to vector<16xf32>
          %swap3A_675 = vector.shape_cast %mul3A_670 : vector<16xf32> to vector<1x16xf32>
          tpu.vector_store %arg11[%swap3A_671, %swap3A_672], %swap3A_675 {strides = array<i32>} : memref<80x128xf32, #tpu.memory_space<vmem>>, vector<1x16xf32>,
          %get3A_676 = arith.index_cast %add3A_609 : i32 to index
          %get3A_677 = arith.constant 96 : index
          %get3A_678 = tpu.vector_load %arg11[%get3A_676, %get3A_677] {strides = array<i32>} : memref<80x128xf32, #tpu.memory_space<vmem>>, vector<1x16xf32>,
          %get3A_679 = vector.shape_cast %get3A_678 : vector<1x16xf32> to vector<16xf32>
          %mul3A_680 = vector.broadcast %squeeze3A_605 : f32 to vector<16xf32>
          %mul3A_681 = arith.mulf %get3A_679, %mul3A_680 : vector<16xf32>
          %swap3A_682 = arith.index_cast %add3A_609 : i32 to index
          %swap3A_683 = arith.constant 96 : index
          %swap3A_684 = tpu.vector_load %arg11[%swap3A_682, %swap3A_683] {strides = array<i32>} : memref<80x128xf32, #tpu.memory_space<vmem>>, vector<1x16xf32>,
          %swap3A_685 = vector.shape_cast %swap3A_684 : vector<1x16xf32> to vector<16xf32>
          %swap3A_686 = vector.shape_cast %mul3A_681 : vector<16xf32> to vector<1x16xf32>
          tpu.vector_store %arg11[%swap3A_682, %swap3A_683], %swap3A_686 {strides = array<i32>} : memref<80x128xf32, #tpu.memory_space<vmem>>, vector<1x16xf32>,
          %get3A_687 = arith.index_cast %add3A_609 : i32 to index
          %get3A_688 = arith.constant 112 : index
          %get3A_689 = tpu.vector_load %arg11[%get3A_687, %get3A_688] {strides = array<i32>} : memref<80x128xf32, #tpu.memory_space<vmem>>, vector<1x16xf32>,
          %get3A_690 = vector.shape_cast %get3A_689 : vector<1x16xf32> to vector<16xf32>
          %mul3A_691 = vector.broadcast %squeeze3A_605 : f32 to vector<16xf32>
          %mul3A_692 = arith.mulf %get3A_690, %mul3A_691 : vector<16xf32>
          %swap3A_693 = arith.index_cast %add3A_609 : i32 to index
          %swap3A_694 = arith.constant 112 : index
          %swap3A_695 = tpu.vector_load %arg11[%swap3A_693, %swap3A_694] {strides = array<i32>} : memref<80x128xf32, #tpu.memory_space<vmem>>, vector<1x16xf32>,
          %swap3A_696 = vector.shape_cast %swap3A_695 : vector<1x16xf32> to vector<16xf32>
          %swap3A_697 = vector.shape_cast %mul3A_692 : vector<16xf32> to vector<1x16xf32>
          tpu.vector_store %arg11[%swap3A_693, %swap3A_694], %swap3A_697 {strides = array<i32>} : memref<80x128xf32, #tpu.memory_space<vmem>>, vector<1x16xf32>,
          %slice3A_698 = vector.extract_strided_slice %get3A_42 {offsets = [7], sizes = [1], strides = [1]} : vector<16xf32> to vector<1xf32>
          %squeeze3A_699 = vector.extract %slice3A_698[0] : f32 from vector<1xf32>
          %mul3A_700 = arith.constant 16 : i32
          %mul3A_701 = arith.muli %scan3A_35, %mul3A_700 : i32
          %add3A_702 = arith.constant 7 : i32
          %add3A_703 = arith.addi %mul3A_701, %add3A_702 : i32
          %get3A_704 = arith.index_cast %add3A_703 : i32 to index
          %get3A_705 = arith.constant 0 : index
          %get3A_706 = tpu.vector_load %arg11[%get3A_704, %get3A_705] {strides = array<i32>} : memref<80x128xf32, #tpu.memory_space<vmem>>, vector<1x16xf32>,
          %get3A_707 = vector.shape_cast %get3A_706 : vector<1x16xf32> to vector<16xf32>
          %mul3A_708 = vector.broadcast %squeeze3A_699 : f32 to vector<16xf32>
          %mul3A_709 = arith.mulf %get3A_707, %mul3A_708 : vector<16xf32>
          %swap3A_710 = arith.index_cast %add3A_703 : i32 to index
          %swap3A_711 = arith.constant 0 : index
          %swap3A_712 = tpu.vector_load %arg11[%swap3A_710, %swap3A_711] {strides = array<i32>} : memref<80x128xf32, #tpu.memory_space<vmem>>, vector<1x16xf32>,
          %swap3A_713 = vector.shape_cast %swap3A_712 : vector<1x16xf32> to vector<16xf32>
          %swap3A_714 = vector.shape_cast %mul3A_709 : vector<16xf32> to vector<1x16xf32>
          tpu.vector_store %arg11[%swap3A_710, %swap3A_711], %swap3A_714 {strides = array<i32>} : memref<80x128xf32, #tpu.memory_space<vmem>>, vector<1x16xf32>,
          %get3A_715 = arith.index_cast %add3A_703 : i32 to index
          %get3A_716 = arith.constant 16 : index
          %get3A_717 = tpu.vector_load %arg11[%get3A_715, %get3A_716] {strides = array<i32>} : memref<80x128xf32, #tpu.memory_space<vmem>>, vector<1x16xf32>,
          %get3A_718 = vector.shape_cast %get3A_717 : vector<1x16xf32> to vector<16xf32>
          %mul3A_719 = vector.broadcast %squeeze3A_699 : f32 to vector<16xf32>
          %mul3A_720 = arith.mulf %get3A_718, %mul3A_719 : vector<16xf32>
          %swap3A_721 = arith.index_cast %add3A_703 : i32 to index
          %swap3A_722 = arith.constant 16 : index
          %swap3A_723 = tpu.vector_load %arg11[%swap3A_721, %swap3A_722] {strides = array<i32>} : memref<80x128xf32, #tpu.memory_space<vmem>>, vector<1x16xf32>,
          %swap3A_724 = vector.shape_cast %swap3A_723 : vector<1x16xf32> to vector<16xf32>
          %swap3A_725 = vector.shape_cast %mul3A_720 : vector<16xf32> to vector<1x16xf32>
          tpu.vector_store %arg11[%swap3A_721, %swap3A_722], %swap3A_725 {strides = array<i32>} : memref<80x128xf32, #tpu.memory_space<vmem>>, vector<1x16xf32>,
          %get3A_726 = arith.index_cast %add3A_703 : i32 to index
          %get3A_727 = arith.constant 32 : index
          %get3A_728 = tpu.vector_load %arg11[%get3A_726, %get3A_727] {strides = array<i32>} : memref<80x128xf32, #tpu.memory_space<vmem>>, vector<1x16xf32>,
          %get3A_729 = vector.shape_cast %get3A_728 : vector<1x16xf32> to vector<16xf32>
          %mul3A_730 = vector.broadcast %squeeze3A_699 : f32 to vector<16xf32>
          %mul3A_731 = arith.mulf %get3A_729, %mul3A_730 : vector<16xf32>
          %swap3A_732 = arith.index_cast %add3A_703 : i32 to index
          %swap3A_733 = arith.constant 32 : index
          %swap3A_734 = tpu.vector_load %arg11[%swap3A_732, %swap3A_733] {strides = array<i32>} : memref<80x128xf32, #tpu.memory_space<vmem>>, vector<1x16xf32>,
          %swap3A_735 = vector.shape_cast %swap3A_734 : vector<1x16xf32> to vector<16xf32>
          %swap3A_736 = vector.shape_cast %mul3A_731 : vector<16xf32> to vector<1x16xf32>
          tpu.vector_store %arg11[%swap3A_732, %swap3A_733], %swap3A_736 {strides = array<i32>} : memref<80x128xf32, #tpu.memory_space<vmem>>, vector<1x16xf32>,
          %get3A_737 = arith.index_cast %add3A_703 : i32 to index
          %get3A_738 = arith.constant 48 : index
          %get3A_739 = tpu.vector_load %arg11[%get3A_737, %get3A_738] {strides = array<i32>} : memref<80x128xf32, #tpu.memory_space<vmem>>, vector<1x16xf32>,
          %get3A_740 = vector.shape_cast %get3A_739 : vector<1x16xf32> to vector<16xf32>
          %mul3A_741 = vector.broadcast %squeeze3A_699 : f32 to vector<16xf32>
          %mul3A_742 = arith.mulf %get3A_740, %mul3A_741 : vector<16xf32>
          %swap3A_743 = arith.index_cast %add3A_703 : i32 to index
          %swap3A_744 = arith.constant 48 : index
          %swap3A_745 = tpu.vector_load %arg11[%swap3A_743, %swap3A_744] {strides = array<i32>} : memref<80x128xf32, #tpu.memory_space<vmem>>, vector<1x16xf32>,
          %swap3A_746 = vector.shape_cast %swap3A_745 : vector<1x16xf32> to vector<16xf32>
          %swap3A_747 = vector.shape_cast %mul3A_742 : vector<16xf32> to vector<1x16xf32>
          tpu.vector_store %arg11[%swap3A_743, %swap3A_744], %swap3A_747 {strides = array<i32>} : memref<80x128xf32, #tpu.memory_space<vmem>>, vector<1x16xf32>,
          %get3A_748 = arith.index_cast %add3A_703 : i32 to index
          %get3A_749 = arith.constant 64 : index
          %get3A_750 = tpu.vector_load %arg11[%get3A_748, %get3A_749] {strides = array<i32>} : memref<80x128xf32, #tpu.memory_space<vmem>>, vector<1x16xf32>,
          %get3A_751 = vector.shape_cast %get3A_750 : vector<1x16xf32> to vector<16xf32>
          %mul3A_752 = vector.broadcast %squeeze3A_699 : f32 to vector<16xf32>
          %mul3A_753 = arith.mulf %get3A_751, %mul3A_752 : vector<16xf32>
          %swap3A_754 = arith.index_cast %add3A_703 : i32 to index
          %swap3A_755 = arith.constant 64 : index
          %swap3A_756 = tpu.vector_load %arg11[%swap3A_754, %swap3A_755] {strides = array<i32>} : memref<80x128xf32, #tpu.memory_space<vmem>>, vector<1x16xf32>,
          %swap3A_757 = vector.shape_cast %swap3A_756 : vector<1x16xf32> to vector<16xf32>
          %swap3A_758 = vector.shape_cast %mul3A_753 : vector<16xf32> to vector<1x16xf32>
          tpu.vector_store %arg11[%swap3A_754, %swap3A_755], %swap3A_758 {strides = array<i32>} : memref<80x128xf32, #tpu.memory_space<vmem>>, vector<1x16xf32>,
          %get3A_759 = arith.index_cast %add3A_703 : i32 to index
          %get3A_760 = arith.constant 80 : index
          %get3A_761 = tpu.vector_load %arg11[%get3A_759, %get3A_760] {strides = array<i32>} : memref<80x128xf32, #tpu.memory_space<vmem>>, vector<1x16xf32>,
          %get3A_762 = vector.shape_cast %get3A_761 : vector<1x16xf32> to vector<16xf32>
          %mul3A_763 = vector.broadcast %squeeze3A_699 : f32 to vector<16xf32>
          %mul3A_764 = arith.mulf %get3A_762, %mul3A_763 : vector<16xf32>
          %swap3A_765 = arith.index_cast %add3A_703 : i32 to index
          %swap3A_766 = arith.constant 80 : index
          %swap3A_767 = tpu.vector_load %arg11[%swap3A_765, %swap3A_766] {strides = array<i32>} : memref<80x128xf32, #tpu.memory_space<vmem>>, vector<1x16xf32>,
          %swap3A_768 = vector.shape_cast %swap3A_767 : vector<1x16xf32> to vector<16xf32>
          %swap3A_769 = vector.shape_cast %mul3A_764 : vector<16xf32> to vector<1x16xf32>
          tpu.vector_store %arg11[%swap3A_765, %swap3A_766], %swap3A_769 {strides = array<i32>} : memref<80x128xf32, #tpu.memory_space<vmem>>, vector<1x16xf32>,
          %get3A_770 = arith.index_cast %add3A_703 : i32 to index
          %get3A_771 = arith.constant 96 : index
          %get3A_772 = tpu.vector_load %arg11[%get3A_770, %get3A_771] {strides = array<i32>} : memref<80x128xf32, #tpu.memory_space<vmem>>, vector<1x16xf32>,
          %get3A_773 = vector.shape_cast %get3A_772 : vector<1x16xf32> to vector<16xf32>
          %mul3A_774 = vector.broadcast %squeeze3A_699 : f32 to vector<16xf32>
          %mul3A_775 = arith.mulf %get3A_773, %mul3A_774 : vector<16xf32>
          %swap3A_776 = arith.index_cast %add3A_703 : i32 to index
          %swap3A_777 = arith.constant 96 : index
          %swap3A_778 = tpu.vector_load %arg11[%swap3A_776, %swap3A_777] {strides = array<i32>} : memref<80x128xf32, #tpu.memory_space<vmem>>, vector<1x16xf32>,
          %swap3A_779 = vector.shape_cast %swap3A_778 : vector<1x16xf32> to vector<16xf32>
          %swap3A_780 = vector.shape_cast %mul3A_775 : vector<16xf32> to vector<1x16xf32>
          tpu.vector_store %arg11[%swap3A_776, %swap3A_777], %swap3A_780 {strides = array<i32>} : memref<80x128xf32, #tpu.memory_space<vmem>>, vector<1x16xf32>,
          %get3A_781 = arith.index_cast %add3A_703 : i32 to index
          %get3A_782 = arith.constant 112 : index
          %get3A_783 = tpu.vector_load %arg11[%get3A_781, %get3A_782] {strides = array<i32>} : memref<80x128xf32, #tpu.memory_space<vmem>>, vector<1x16xf32>,
          %get3A_784 = vector.shape_cast %get3A_783 : vector<1x16xf32> to vector<16xf32>
          %mul3A_785 = vector.broadcast %squeeze3A_699 : f32 to vector<16xf32>
          %mul3A_786 = arith.mulf %get3A_784, %mul3A_785 : vector<16xf32>
          %swap3A_787 = arith.index_cast %add3A_703 : i32 to index
          %swap3A_788 = arith.constant 112 : index
          %swap3A_789 = tpu.vector_load %arg11[%swap3A_787, %swap3A_788] {strides = array<i32>} : memref<80x128xf32, #tpu.memory_space<vmem>>, vector<1x16xf32>,
          %swap3A_790 = vector.shape_cast %swap3A_789 : vector<1x16xf32> to vector<16xf32>
          %swap3A_791 = vector.shape_cast %mul3A_786 : vector<16xf32> to vector<1x16xf32>
          tpu.vector_store %arg11[%swap3A_787, %swap3A_788], %swap3A_791 {strides = array<i32>} : memref<80x128xf32, #tpu.memory_space<vmem>>, vector<1x16xf32>,
          %slice3A_792 = vector.extract_strided_slice %get3A_42 {offsets = [8], sizes = [1], strides = [1]} : vector<16xf32> to vector<1xf32>
          %squeeze3A_793 = vector.extract %slice3A_792[0] : f32 from vector<1xf32>
          %mul3A_794 = arith.constant 16 : i32
          %mul3A_795 = arith.muli %scan3A_35, %mul3A_794 : i32
          %add3A_796 = arith.constant 8 : i32
          %add3A_797 = arith.addi %mul3A_795, %add3A_796 : i32
          %get3A_798 = arith.index_cast %add3A_797 : i32 to index
          %get3A_799 = arith.constant 0 : index
          %get3A_800 = tpu.vector_load %arg11[%get3A_798, %get3A_799] {strides = array<i32>} : memref<80x128xf32, #tpu.memory_space<vmem>>, vector<1x16xf32>,
          %get3A_801 = vector.shape_cast %get3A_800 : vector<1x16xf32> to vector<16xf32>
          %mul3A_802 = vector.broadcast %squeeze3A_793 : f32 to vector<16xf32>
          %mul3A_803 = arith.mulf %get3A_801, %mul3A_802 : vector<16xf32>
          %swap3A_804 = arith.index_cast %add3A_797 : i32 to index
          %swap3A_805 = arith.constant 0 : index
          %swap3A_806 = tpu.vector_load %arg11[%swap3A_804, %swap3A_805] {strides = array<i32>} : memref<80x128xf32, #tpu.memory_space<vmem>>, vector<1x16xf32>,
          %swap3A_807 = vector.shape_cast %swap3A_806 : vector<1x16xf32> to vector<16xf32>
          %swap3A_808 = vector.shape_cast %mul3A_803 : vector<16xf32> to vector<1x16xf32>
          tpu.vector_store %arg11[%swap3A_804, %swap3A_805], %swap3A_808 {strides = array<i32>} : memref<80x128xf32, #tpu.memory_space<vmem>>, vector<1x16xf32>,
          %get3A_809 = arith.index_cast %add3A_797 : i32 to index
          %get3A_810 = arith.constant 16 : index
          %get3A_811 = tpu.vector_load %arg11[%get3A_809, %get3A_810] {strides = array<i32>} : memref<80x128xf32, #tpu.memory_space<vmem>>, vector<1x16xf32>,
          %get3A_812 = vector.shape_cast %get3A_811 : vector<1x16xf32> to vector<16xf32>
          %mul3A_813 = vector.broadcast %squeeze3A_793 : f32 to vector<16xf32>
          %mul3A_814 = arith.mulf %get3A_812, %mul3A_813 : vector<16xf32>
          %swap3A_815 = arith.index_cast %add3A_797 : i32 to index
          %swap3A_816 = arith.constant 16 : index
          %swap3A_817 = tpu.vector_load %arg11[%swap3A_815, %swap3A_816] {strides = array<i32>} : memref<80x128xf32, #tpu.memory_space<vmem>>, vector<1x16xf32>,
          %swap3A_818 = vector.shape_cast %swap3A_817 : vector<1x16xf32> to vector<16xf32>
          %swap3A_819 = vector.shape_cast %mul3A_814 : vector<16xf32> to vector<1x16xf32>
          tpu.vector_store %arg11[%swap3A_815, %swap3A_816], %swap3A_819 {strides = array<i32>} : memref<80x128xf32, #tpu.memory_space<vmem>>, vector<1x16xf32>,
          %get3A_820 = arith.index_cast %add3A_797 : i32 to index
          %get3A_821 = arith.constant 32 : index
          %get3A_822 = tpu.vector_load %arg11[%get3A_820, %get3A_821] {strides = array<i32>} : memref<80x128xf32, #tpu.memory_space<vmem>>, vector<1x16xf32>,
          %get3A_823 = vector.shape_cast %get3A_822 : vector<1x16xf32> to vector<16xf32>
          %mul3A_824 = vector.broadcast %squeeze3A_793 : f32 to vector<16xf32>
          %mul3A_825 = arith.mulf %get3A_823, %mul3A_824 : vector<16xf32>
          %swap3A_826 = arith.index_cast %add3A_797 : i32 to index
          %swap3A_827 = arith.constant 32 : index
          %swap3A_828 = tpu.vector_load %arg11[%swap3A_826, %swap3A_827] {strides = array<i32>} : memref<80x128xf32, #tpu.memory_space<vmem>>, vector<1x16xf32>,
          %swap3A_829 = vector.shape_cast %swap3A_828 : vector<1x16xf32> to vector<16xf32>
          %swap3A_830 = vector.shape_cast %mul3A_825 : vector<16xf32> to vector<1x16xf32>
          tpu.vector_store %arg11[%swap3A_826, %swap3A_827], %swap3A_830 {strides = array<i32>} : memref<80x128xf32, #tpu.memory_space<vmem>>, vector<1x16xf32>,
          %get3A_831 = arith.index_cast %add3A_797 : i32 to index
          %get3A_832 = arith.constant 48 : index
          %get3A_833 = tpu.vector_load %arg11[%get3A_831, %get3A_832] {strides = array<i32>} : memref<80x128xf32, #tpu.memory_space<vmem>>, vector<1x16xf32>,
          %get3A_834 = vector.shape_cast %get3A_833 : vector<1x16xf32> to vector<16xf32>
          %mul3A_835 = vector.broadcast %squeeze3A_793 : f32 to vector<16xf32>
          %mul3A_836 = arith.mulf %get3A_834, %mul3A_835 : vector<16xf32>
          %swap3A_837 = arith.index_cast %add3A_797 : i32 to index
          %swap3A_838 = arith.constant 48 : index
          %swap3A_839 = tpu.vector_load %arg11[%swap3A_837, %swap3A_838] {strides = array<i32>} : memref<80x128xf32, #tpu.memory_space<vmem>>, vector<1x16xf32>,
          %swap3A_840 = vector.shape_cast %swap3A_839 : vector<1x16xf32> to vector<16xf32>
          %swap3A_841 = vector.shape_cast %mul3A_836 : vector<16xf32> to vector<1x16xf32>
          tpu.vector_store %arg11[%swap3A_837, %swap3A_838], %swap3A_841 {strides = array<i32>} : memref<80x128xf32, #tpu.memory_space<vmem>>, vector<1x16xf32>,
          %get3A_842 = arith.index_cast %add3A_797 : i32 to index
          %get3A_843 = arith.constant 64 : index
          %get3A_844 = tpu.vector_load %arg11[%get3A_842, %get3A_843] {strides = array<i32>} : memref<80x128xf32, #tpu.memory_space<vmem>>, vector<1x16xf32>,
          %get3A_845 = vector.shape_cast %get3A_844 : vector<1x16xf32> to vector<16xf32>
          %mul3A_846 = vector.broadcast %squeeze3A_793 : f32 to vector<16xf32>
          %mul3A_847 = arith.mulf %get3A_845, %mul3A_846 : vector<16xf32>
          %swap3A_848 = arith.index_cast %add3A_797 : i32 to index
          %swap3A_849 = arith.constant 64 : index
          %swap3A_850 = tpu.vector_load %arg11[%swap3A_848, %swap3A_849] {strides = array<i32>} : memref<80x128xf32, #tpu.memory_space<vmem>>, vector<1x16xf32>,
          %swap3A_851 = vector.shape_cast %swap3A_850 : vector<1x16xf32> to vector<16xf32>
          %swap3A_852 = vector.shape_cast %mul3A_847 : vector<16xf32> to vector<1x16xf32>
          tpu.vector_store %arg11[%swap3A_848, %swap3A_849], %swap3A_852 {strides = array<i32>} : memref<80x128xf32, #tpu.memory_space<vmem>>, vector<1x16xf32>,
          %get3A_853 = arith.index_cast %add3A_797 : i32 to index
          %get3A_854 = arith.constant 80 : index
          %get3A_855 = tpu.vector_load %arg11[%get3A_853, %get3A_854] {strides = array<i32>} : memref<80x128xf32, #tpu.memory_space<vmem>>, vector<1x16xf32>,
          %get3A_856 = vector.shape_cast %get3A_855 : vector<1x16xf32> to vector<16xf32>
          %mul3A_857 = vector.broadcast %squeeze3A_793 : f32 to vector<16xf32>
          %mul3A_858 = arith.mulf %get3A_856, %mul3A_857 : vector<16xf32>
          %swap3A_859 = arith.index_cast %add3A_797 : i32 to index
          %swap3A_860 = arith.constant 80 : index
          %swap3A_861 = tpu.vector_load %arg11[%swap3A_859, %swap3A_860] {strides = array<i32>} : memref<80x128xf32, #tpu.memory_space<vmem>>, vector<1x16xf32>,
          %swap3A_862 = vector.shape_cast %swap3A_861 : vector<1x16xf32> to vector<16xf32>
          %swap3A_863 = vector.shape_cast %mul3A_858 : vector<16xf32> to vector<1x16xf32>
          tpu.vector_store %arg11[%swap3A_859, %swap3A_860], %swap3A_863 {strides = array<i32>} : memref<80x128xf32, #tpu.memory_space<vmem>>, vector<1x16xf32>,
          %get3A_864 = arith.index_cast %add3A_797 : i32 to index
          %get3A_865 = arith.constant 96 : index
          %get3A_866 = tpu.vector_load %arg11[%get3A_864, %get3A_865] {strides = array<i32>} : memref<80x128xf32, #tpu.memory_space<vmem>>, vector<1x16xf32>,
          %get3A_867 = vector.shape_cast %get3A_866 : vector<1x16xf32> to vector<16xf32>
          %mul3A_868 = vector.broadcast %squeeze3A_793 : f32 to vector<16xf32>
          %mul3A_869 = arith.mulf %get3A_867, %mul3A_868 : vector<16xf32>
          %swap3A_870 = arith.index_cast %add3A_797 : i32 to index
          %swap3A_871 = arith.constant 96 : index
          %swap3A_872 = tpu.vector_load %arg11[%swap3A_870, %swap3A_871] {strides = array<i32>} : memref<80x128xf32, #tpu.memory_space<vmem>>, vector<1x16xf32>,
          %swap3A_873 = vector.shape_cast %swap3A_872 : vector<1x16xf32> to vector<16xf32>
          %swap3A_874 = vector.shape_cast %mul3A_869 : vector<16xf32> to vector<1x16xf32>
          tpu.vector_store %arg11[%swap3A_870, %swap3A_871], %swap3A_874 {strides = array<i32>} : memref<80x128xf32, #tpu.memory_space<vmem>>, vector<1x16xf32>,
          %get3A_875 = arith.index_cast %add3A_797 : i32 to index
          %get3A_876 = arith.constant 112 : index
          %get3A_877 = tpu.vector_load %arg11[%get3A_875, %get3A_876] {strides = array<i32>} : memref<80x128xf32, #tpu.memory_space<vmem>>, vector<1x16xf32>,
          %get3A_878 = vector.shape_cast %get3A_877 : vector<1x16xf32> to vector<16xf32>
          %mul3A_879 = vector.broadcast %squeeze3A_793 : f32 to vector<16xf32>
          %mul3A_880 = arith.mulf %get3A_878, %mul3A_879 : vector<16xf32>
          %swap3A_881 = arith.index_cast %add3A_797 : i32 to index
          %swap3A_882 = arith.constant 112 : index
          %swap3A_883 = tpu.vector_load %arg11[%swap3A_881, %swap3A_882] {strides = array<i32>} : memref<80x128xf32, #tpu.memory_space<vmem>>, vector<1x16xf32>,
          %swap3A_884 = vector.shape_cast %swap3A_883 : vector<1x16xf32> to vector<16xf32>
          %swap3A_885 = vector.shape_cast %mul3A_880 : vector<16xf32> to vector<1x16xf32>
          tpu.vector_store %arg11[%swap3A_881, %swap3A_882], %swap3A_885 {strides = array<i32>} : memref<80x128xf32, #tpu.memory_space<vmem>>, vector<1x16xf32>,
          %slice3A_886 = vector.extract_strided_slice %get3A_42 {offsets = [9], sizes = [1], strides = [1]} : vector<16xf32> to vector<1xf32>
          %squeeze3A_887 = vector.extract %slice3A_886[0] : f32 from vector<1xf32>
          %mul3A_888 = arith.constant 16 : i32
          %mul3A_889 = arith.muli %scan3A_35, %mul3A_888 : i32
          %add3A_890 = arith.constant 9 : i32
          %add3A_891 = arith.addi %mul3A_889, %add3A_890 : i32
          %get3A_892 = arith.index_cast %add3A_891 : i32 to index
          %get3A_893 = arith.constant 0 : index
          %get3A_894 = tpu.vector_load %arg11[%get3A_892, %get3A_893] {strides = array<i32>} : memref<80x128xf32, #tpu.memory_space<vmem>>, vector<1x16xf32>,
          %get3A_895 = vector.shape_cast %get3A_894 : vector<1x16xf32> to vector<16xf32>
          %mul3A_896 = vector.broadcast %squeeze3A_887 : f32 to vector<16xf32>
          %mul3A_897 = arith.mulf %get3A_895, %mul3A_896 : vector<16xf32>
          %swap3A_898 = arith.index_cast %add3A_891 : i32 to index
          %swap3A_899 = arith.constant 0 : index
          %swap3A_900 = tpu.vector_load %arg11[%swap3A_898, %swap3A_899] {strides = array<i32>} : memref<80x128xf32, #tpu.memory_space<vmem>>, vector<1x16xf32>,
          %swap3A_901 = vector.shape_cast %swap3A_900 : vector<1x16xf32> to vector<16xf32>
          %swap3A_902 = vector.shape_cast %mul3A_897 : vector<16xf32> to vector<1x16xf32>
          tpu.vector_store %arg11[%swap3A_898, %swap3A_899], %swap3A_902 {strides = array<i32>} : memref<80x128xf32, #tpu.memory_space<vmem>>, vector<1x16xf32>,
          %get3A_903 = arith.index_cast %add3A_891 : i32 to index
          %get3A_904 = arith.constant 16 : index
          %get3A_905 = tpu.vector_load %arg11[%get3A_903, %get3A_904] {strides = array<i32>} : memref<80x128xf32, #tpu.memory_space<vmem>>, vector<1x16xf32>,
          %get3A_906 = vector.shape_cast %get3A_905 : vector<1x16xf32> to vector<16xf32>
          %mul3A_907 = vector.broadcast %squeeze3A_887 : f32 to vector<16xf32>
          %mul3A_908 = arith.mulf %get3A_906, %mul3A_907 : vector<16xf32>
          %swap3A_909 = arith.index_cast %add3A_891 : i32 to index
          %swap3A_910 = arith.constant 16 : index
          %swap3A_911 = tpu.vector_load %arg11[%swap3A_909, %swap3A_910] {strides = array<i32>} : memref<80x128xf32, #tpu.memory_space<vmem>>, vector<1x16xf32>,
          %swap3A_912 = vector.shape_cast %swap3A_911 : vector<1x16xf32> to vector<16xf32>
          %swap3A_913 = vector.shape_cast %mul3A_908 : vector<16xf32> to vector<1x16xf32>
          tpu.vector_store %arg11[%swap3A_909, %swap3A_910], %swap3A_913 {strides = array<i32>} : memref<80x128xf32, #tpu.memory_space<vmem>>, vector<1x16xf32>,
          %get3A_914 = arith.index_cast %add3A_891 : i32 to index
          %get3A_915 = arith.constant 32 : index
          %get3A_916 = tpu.vector_load %arg11[%get3A_914, %get3A_915] {strides = array<i32>} : memref<80x128xf32, #tpu.memory_space<vmem>>, vector<1x16xf32>,
          %get3A_917 = vector.shape_cast %get3A_916 : vector<1x16xf32> to vector<16xf32>
          %mul3A_918 = vector.broadcast %squeeze3A_887 : f32 to vector<16xf32>
          %mul3A_919 = arith.mulf %get3A_917, %mul3A_918 : vector<16xf32>
          %swap3A_920 = arith.index_cast %add3A_891 : i32 to index
          %swap3A_921 = arith.constant 32 : index
          %swap3A_922 = tpu.vector_load %arg11[%swap3A_920, %swap3A_921] {strides = array<i32>} : memref<80x128xf32, #tpu.memory_space<vmem>>, vector<1x16xf32>,
          %swap3A_923 = vector.shape_cast %swap3A_922 : vector<1x16xf32> to vector<16xf32>
          %swap3A_924 = vector.shape_cast %mul3A_919 : vector<16xf32> to vector<1x16xf32>
          tpu.vector_store %arg11[%swap3A_920, %swap3A_921], %swap3A_924 {strides = array<i32>} : memref<80x128xf32, #tpu.memory_space<vmem>>, vector<1x16xf32>,
          %get3A_925 = arith.index_cast %add3A_891 : i32 to index
          %get3A_926 = arith.constant 48 : index
          %get3A_927 = tpu.vector_load %arg11[%get3A_925, %get3A_926] {strides = array<i32>} : memref<80x128xf32, #tpu.memory_space<vmem>>, vector<1x16xf32>,
          %get3A_928 = vector.shape_cast %get3A_927 : vector<1x16xf32> to vector<16xf32>
          %mul3A_929 = vector.broadcast %squeeze3A_887 : f32 to vector<16xf32>
          %mul3A_930 = arith.mulf %get3A_928, %mul3A_929 : vector<16xf32>
          %swap3A_931 = arith.index_cast %add3A_891 : i32 to index
          %swap3A_932 = arith.constant 48 : index
          %swap3A_933 = tpu.vector_load %arg11[%swap3A_931, %swap3A_932] {strides = array<i32>} : memref<80x128xf32, #tpu.memory_space<vmem>>, vector<1x16xf32>,
          %swap3A_934 = vector.shape_cast %swap3A_933 : vector<1x16xf32> to vector<16xf32>
          %swap3A_935 = vector.shape_cast %mul3A_930 : vector<16xf32> to vector<1x16xf32>
          tpu.vector_store %arg11[%swap3A_931, %swap3A_932], %swap3A_935 {strides = array<i32>} : memref<80x128xf32, #tpu.memory_space<vmem>>, vector<1x16xf32>,
          %get3A_936 = arith.index_cast %add3A_891 : i32 to index
          %get3A_937 = arith.constant 64 : index
          %get3A_938 = tpu.vector_load %arg11[%get3A_936, %get3A_937] {strides = array<i32>} : memref<80x128xf32, #tpu.memory_space<vmem>>, vector<1x16xf32>,
          %get3A_939 = vector.shape_cast %get3A_938 : vector<1x16xf32> to vector<16xf32>
          %mul3A_940 = vector.broadcast %squeeze3A_887 : f32 to vector<16xf32>
          %mul3A_941 = arith.mulf %get3A_939, %mul3A_940 : vector<16xf32>
          %swap3A_942 = arith.index_cast %add3A_891 : i32 to index
          %swap3A_943 = arith.constant 64 : index
          %swap3A_944 = tpu.vector_load %arg11[%swap3A_942, %swap3A_943] {strides = array<i32>} : memref<80x128xf32, #tpu.memory_space<vmem>>, vector<1x16xf32>,
          %swap3A_945 = vector.shape_cast %swap3A_944 : vector<1x16xf32> to vector<16xf32>
          %swap3A_946 = vector.shape_cast %mul3A_941 : vector<16xf32> to vector<1x16xf32>
          tpu.vector_store %arg11[%swap3A_942, %swap3A_943], %swap3A_946 {strides = array<i32>} : memref<80x128xf32, #tpu.memory_space<vmem>>, vector<1x16xf32>,
          %get3A_947 = arith.index_cast %add3A_891 : i32 to index
          %get3A_948 = arith.constant 80 : index
          %get3A_949 = tpu.vector_load %arg11[%get3A_947, %get3A_948] {strides = array<i32>} : memref<80x128xf32, #tpu.memory_space<vmem>>, vector<1x16xf32>,
          %get3A_950 = vector.shape_cast %get3A_949 : vector<1x16xf32> to vector<16xf32>
          %mul3A_951 = vector.broadcast %squeeze3A_887 : f32 to vector<16xf32>
          %mul3A_952 = arith.mulf %get3A_950, %mul3A_951 : vector<16xf32>
          %swap3A_953 = arith.index_cast %add3A_891 : i32 to index
          %swap3A_954 = arith.constant 80 : index
          %swap3A_955 = tpu.vector_load %arg11[%swap3A_953, %swap3A_954] {strides = array<i32>} : memref<80x128xf32, #tpu.memory_space<vmem>>, vector<1x16xf32>,
          %swap3A_956 = vector.shape_cast %swap3A_955 : vector<1x16xf32> to vector<16xf32>
          %swap3A_957 = vector.shape_cast %mul3A_952 : vector<16xf32> to vector<1x16xf32>
          tpu.vector_store %arg11[%swap3A_953, %swap3A_954], %swap3A_957 {strides = array<i32>} : memref<80x128xf32, #tpu.memory_space<vmem>>, vector<1x16xf32>,
          %get3A_958 = arith.index_cast %add3A_891 : i32 to index
          %get3A_959 = arith.constant 96 : index
          %get3A_960 = tpu.vector_load %arg11[%get3A_958, %get3A_959] {strides = array<i32>} : memref<80x128xf32, #tpu.memory_space<vmem>>, vector<1x16xf32>,
          %get3A_961 = vector.shape_cast %get3A_960 : vector<1x16xf32> to vector<16xf32>
          %mul3A_962 = vector.broadcast %squeeze3A_887 : f32 to vector<16xf32>
          %mul3A_963 = arith.mulf %get3A_961, %mul3A_962 : vector<16xf32>
          %swap3A_964 = arith.index_cast %add3A_891 : i32 to index
          %swap3A_965 = arith.constant 96 : index
          %swap3A_966 = tpu.vector_load %arg11[%swap3A_964, %swap3A_965] {strides = array<i32>} : memref<80x128xf32, #tpu.memory_space<vmem>>, vector<1x16xf32>,
          %swap3A_967 = vector.shape_cast %swap3A_966 : vector<1x16xf32> to vector<16xf32>
          %swap3A_968 = vector.shape_cast %mul3A_963 : vector<16xf32> to vector<1x16xf32>
          tpu.vector_store %arg11[%swap3A_964, %swap3A_965], %swap3A_968 {strides = array<i32>} : memref<80x128xf32, #tpu.memory_space<vmem>>, vector<1x16xf32>,
          %get3A_969 = arith.index_cast %add3A_891 : i32 to index
          %get3A_970 = arith.constant 112 : index
          %get3A_971 = tpu.vector_load %arg11[%get3A_969, %get3A_970] {strides = array<i32>} : memref<80x128xf32, #tpu.memory_space<vmem>>, vector<1x16xf32>,
          %get3A_972 = vector.shape_cast %get3A_971 : vector<1x16xf32> to vector<16xf32>
          %mul3A_973 = vector.broadcast %squeeze3A_887 : f32 to vector<16xf32>
          %mul3A_974 = arith.mulf %get3A_972, %mul3A_973 : vector<16xf32>
          %swap3A_975 = arith.index_cast %add3A_891 : i32 to index
          %swap3A_976 = arith.constant 112 : index
          %swap3A_977 = tpu.vector_load %arg11[%swap3A_975, %swap3A_976] {strides = array<i32>} : memref<80x128xf32, #tpu.memory_space<vmem>>, vector<1x16xf32>,
          %swap3A_978 = vector.shape_cast %swap3A_977 : vector<1x16xf32> to vector<16xf32>
          %swap3A_979 = vector.shape_cast %mul3A_974 : vector<16xf32> to vector<1x16xf32>
          tpu.vector_store %arg11[%swap3A_975, %swap3A_976], %swap3A_979 {strides = array<i32>} : memref<80x128xf32, #tpu.memory_space<vmem>>, vector<1x16xf32>,
          %slice3A_980 = vector.extract_strided_slice %get3A_42 {offsets = [10], sizes = [1], strides = [1]} : vector<16xf32> to vector<1xf32>
          %squeeze3A_981 = vector.extract %slice3A_980[0] : f32 from vector<1xf32>
          %mul3A_982 = arith.constant 16 : i32
          %mul3A_983 = arith.muli %scan3A_35, %mul3A_982 : i32
          %add3A_984 = arith.constant 10 : i32
          %add3A_985 = arith.addi %mul3A_983, %add3A_984 : i32
          %get3A_986 = arith.index_cast %add3A_985 : i32 to index
          %get3A_987 = arith.constant 0 : index
          %get3A_988 = tpu.vector_load %arg11[%get3A_986, %get3A_987] {strides = array<i32>} : memref<80x128xf32, #tpu.memory_space<vmem>>, vector<1x16xf32>,
          %get3A_989 = vector.shape_cast %get3A_988 : vector<1x16xf32> to vector<16xf32>
          %mul3A_990 = vector.broadcast %squeeze3A_981 : f32 to vector<16xf32>
          %mul3A_991 = arith.mulf %get3A_989, %mul3A_990 : vector<16xf32>
          %swap3A_992 = arith.index_cast %add3A_985 : i32 to index
          %swap3A_993 = arith.constant 0 : index
          %swap3A_994 = tpu.vector_load %arg11[%swap3A_992, %swap3A_993] {strides = array<i32>} : memref<80x128xf32, #tpu.memory_space<vmem>>, vector<1x16xf32>,
          %swap3A_995 = vector.shape_cast %swap3A_994 : vector<1x16xf32> to vector<16xf32>
          %swap3A_996 = vector.shape_cast %mul3A_991 : vector<16xf32> to vector<1x16xf32>
          tpu.vector_store %arg11[%swap3A_992, %swap3A_993], %swap3A_996 {strides = array<i32>} : memref<80x128xf32, #tpu.memory_space<vmem>>, vector<1x16xf32>,
          %get3A_997 = arith.index_cast %add3A_985 : i32 to index
          %get3A_998 = arith.constant 16 : index
          %get3A_999 = tpu.vector_load %arg11[%get3A_997, %get3A_998] {strides = array<i32>} : memref<80x128xf32, #tpu.memory_space<vmem>>, vector<1x16xf32>,
          %get3A_1000 = vector.shape_cast %get3A_999 : vector<1x16xf32> to vector<16xf32>
          %mul3A_1001 = vector.broadcast %squeeze3A_981 : f32 to vector<16xf32>
          %mul3A_1002 = arith.mulf %get3A_1000, %mul3A_1001 : vector<16xf32>
          %swap3A_1003 = arith.index_cast %add3A_985 : i32 to index
          %swap3A_1004 = arith.constant 16 : index
          %swap3A_1005 = tpu.vector_load %arg11[%swap3A_1003, %swap3A_1004] {strides = array<i32>} : memref<80x128xf32, #tpu.memory_space<vmem>>, vector<1x16xf32>,
          %swap3A_1006 = vector.shape_cast %swap3A_1005 : vector<1x16xf32> to vector<16xf32>
          %swap3A_1007 = vector.shape_cast %mul3A_1002 : vector<16xf32> to vector<1x16xf32>
          tpu.vector_store %arg11[%swap3A_1003, %swap3A_1004], %swap3A_1007 {strides = array<i32>} : memref<80x128xf32, #tpu.memory_space<vmem>>, vector<1x16xf32>,
          %get3A_1008 = arith.index_cast %add3A_985 : i32 to index
          %get3A_1009 = arith.constant 32 : index
          %get3A_1010 = tpu.vector_load %arg11[%get3A_1008, %get3A_1009] {strides = array<i32>} : memref<80x128xf32, #tpu.memory_space<vmem>>, vector<1x16xf32>,
          %get3A_1011 = vector.shape_cast %get3A_1010 : vector<1x16xf32> to vector<16xf32>
          %mul3A_1012 = vector.broadcast %squeeze3A_981 : f32 to vector<16xf32>
          %mul3A_1013 = arith.mulf %get3A_1011, %mul3A_1012 : vector<16xf32>
          %swap3A_1014 = arith.index_cast %add3A_985 : i32 to index
          %swap3A_1015 = arith.constant 32 : index
          %swap3A_1016 = tpu.vector_load %arg11[%swap3A_1014, %swap3A_1015] {strides = array<i32>} : memref<80x128xf32, #tpu.memory_space<vmem>>, vector<1x16xf32>,
          %swap3A_1017 = vector.shape_cast %swap3A_1016 : vector<1x16xf32> to vector<16xf32>
          %swap3A_1018 = vector.shape_cast %mul3A_1013 : vector<16xf32> to vector<1x16xf32>
          tpu.vector_store %arg11[%swap3A_1014, %swap3A_1015], %swap3A_1018 {strides = array<i32>} : memref<80x128xf32, #tpu.memory_space<vmem>>, vector<1x16xf32>,
          %get3A_1019 = arith.index_cast %add3A_985 : i32 to index
          %get3A_1020 = arith.constant 48 : index
          %get3A_1021 = tpu.vector_load %arg11[%get3A_1019, %get3A_1020] {strides = array<i32>} : memref<80x128xf32, #tpu.memory_space<vmem>>, vector<1x16xf32>,
          %get3A_1022 = vector.shape_cast %get3A_1021 : vector<1x16xf32> to vector<16xf32>
          %mul3A_1023 = vector.broadcast %squeeze3A_981 : f32 to vector<16xf32>
          %mul3A_1024 = arith.mulf %get3A_1022, %mul3A_1023 : vector<16xf32>
          %swap3A_1025 = arith.index_cast %add3A_985 : i32 to index
          %swap3A_1026 = arith.constant 48 : index
          %swap3A_1027 = tpu.vector_load %arg11[%swap3A_1025, %swap3A_1026] {strides = array<i32>} : memref<80x128xf32, #tpu.memory_space<vmem>>, vector<1x16xf32>,
          %swap3A_1028 = vector.shape_cast %swap3A_1027 : vector<1x16xf32> to vector<16xf32>
          %swap3A_1029 = vector.shape_cast %mul3A_1024 : vector<16xf32> to vector<1x16xf32>
          tpu.vector_store %arg11[%swap3A_1025, %swap3A_1026], %swap3A_1029 {strides = array<i32>} : memref<80x128xf32, #tpu.memory_space<vmem>>, vector<1x16xf32>,
          %get3A_1030 = arith.index_cast %add3A_985 : i32 to index
          %get3A_1031 = arith.constant 64 : index
          %get3A_1032 = tpu.vector_load %arg11[%get3A_1030, %get3A_1031] {strides = array<i32>} : memref<80x128xf32, #tpu.memory_space<vmem>>, vector<1x16xf32>,
          %get3A_1033 = vector.shape_cast %get3A_1032 : vector<1x16xf32> to vector<16xf32>
          %mul3A_1034 = vector.broadcast %squeeze3A_981 : f32 to vector<16xf32>
          %mul3A_1035 = arith.mulf %get3A_1033, %mul3A_1034 : vector<16xf32>
          %swap3A_1036 = arith.index_cast %add3A_985 : i32 to index
          %swap3A_1037 = arith.constant 64 : index
          %swap3A_1038 = tpu.vector_load %arg11[%swap3A_1036, %swap3A_1037] {strides = array<i32>} : memref<80x128xf32, #tpu.memory_space<vmem>>, vector<1x16xf32>,
          %swap3A_1039 = vector.shape_cast %swap3A_1038 : vector<1x16xf32> to vector<16xf32>
          %swap3A_1040 = vector.shape_cast %mul3A_1035 : vector<16xf32> to vector<1x16xf32>
          tpu.vector_store %arg11[%swap3A_1036, %swap3A_1037], %swap3A_1040 {strides = array<i32>} : memref<80x128xf32, #tpu.memory_space<vmem>>, vector<1x16xf32>,
          %get3A_1041 = arith.index_cast %add3A_985 : i32 to index
          %get3A_1042 = arith.constant 80 : index
          %get3A_1043 = tpu.vector_load %arg11[%get3A_1041, %get3A_1042] {strides = array<i32>} : memref<80x128xf32, #tpu.memory_space<vmem>>, vector<1x16xf32>,
          %get3A_1044 = vector.shape_cast %get3A_1043 : vector<1x16xf32> to vector<16xf32>
          %mul3A_1045 = vector.broadcast %squeeze3A_981 : f32 to vector<16xf32>
          %mul3A_1046 = arith.mulf %get3A_1044, %mul3A_1045 : vector<16xf32>
          %swap3A_1047 = arith.index_cast %add3A_985 : i32 to index
          %swap3A_1048 = arith.constant 80 : index
          %swap3A_1049 = tpu.vector_load %arg11[%swap3A_1047, %swap3A_1048] {strides = array<i32>} : memref<80x128xf32, #tpu.memory_space<vmem>>, vector<1x16xf32>,
          %swap3A_1050 = vector.shape_cast %swap3A_1049 : vector<1x16xf32> to vector<16xf32>
          %swap3A_1051 = vector.shape_cast %mul3A_1046 : vector<16xf32> to vector<1x16xf32>
          tpu.vector_store %arg11[%swap3A_1047, %swap3A_1048], %swap3A_1051 {strides = array<i32>} : memref<80x128xf32, #tpu.memory_space<vmem>>, vector<1x16xf32>,
          %get3A_1052 = arith.index_cast %add3A_985 : i32 to index
          %get3A_1053 = arith.constant 96 : index
          %get3A_1054 = tpu.vector_load %arg11[%get3A_1052, %get3A_1053] {strides = array<i32>} : memref<80x128xf32, #tpu.memory_space<vmem>>, vector<1x16xf32>,
          %get3A_1055 = vector.shape_cast %get3A_1054 : vector<1x16xf32> to vector<16xf32>
          %mul3A_1056 = vector.broadcast %squeeze3A_981 : f32 to vector<16xf32>
          %mul3A_1057 = arith.mulf %get3A_1055, %mul3A_1056 : vector<16xf32>
          %swap3A_1058 = arith.index_cast %add3A_985 : i32 to index
          %swap3A_1059 = arith.constant 96 : index
          %swap3A_1060 = tpu.vector_load %arg11[%swap3A_1058, %swap3A_1059] {strides = array<i32>} : memref<80x128xf32, #tpu.memory_space<vmem>>, vector<1x16xf32>,
          %swap3A_1061 = vector.shape_cast %swap3A_1060 : vector<1x16xf32> to vector<16xf32>
          %swap3A_1062 = vector.shape_cast %mul3A_1057 : vector<16xf32> to vector<1x16xf32>
          tpu.vector_store %arg11[%swap3A_1058, %swap3A_1059], %swap3A_1062 {strides = array<i32>} : memref<80x128xf32, #tpu.memory_space<vmem>>, vector<1x16xf32>,
          %get3A_1063 = arith.index_cast %add3A_985 : i32 to index
          %get3A_1064 = arith.constant 112 : index
          %get3A_1065 = tpu.vector_load %arg11[%get3A_1063, %get3A_1064] {strides = array<i32>} : memref<80x128xf32, #tpu.memory_space<vmem>>, vector<1x16xf32>,
          %get3A_1066 = vector.shape_cast %get3A_1065 : vector<1x16xf32> to vector<16xf32>
          %mul3A_1067 = vector.broadcast %squeeze3A_981 : f32 to vector<16xf32>
          %mul3A_1068 = arith.mulf %get3A_1066, %mul3A_1067 : vector<16xf32>
          %swap3A_1069 = arith.index_cast %add3A_985 : i32 to index
          %swap3A_1070 = arith.constant 112 : index
          %swap3A_1071 = tpu.vector_load %arg11[%swap3A_1069, %swap3A_1070] {strides = array<i32>} : memref<80x128xf32, #tpu.memory_space<vmem>>, vector<1x16xf32>,
          %swap3A_1072 = vector.shape_cast %swap3A_1071 : vector<1x16xf32> to vector<16xf32>
          %swap3A_1073 = vector.shape_cast %mul3A_1068 : vector<16xf32> to vector<1x16xf32>
          tpu.vector_store %arg11[%swap3A_1069, %swap3A_1070], %swap3A_1073 {strides = array<i32>} : memref<80x128xf32, #tpu.memory_space<vmem>>, vector<1x16xf32>,
          %slice3A_1074 = vector.extract_strided_slice %get3A_42 {offsets = [11], sizes = [1], strides = [1]} : vector<16xf32> to vector<1xf32>
          %squeeze3A_1075 = vector.extract %slice3A_1074[0] : f32 from vector<1xf32>
          %mul3A_1076 = arith.constant 16 : i32
          %mul3A_1077 = arith.muli %scan3A_35, %mul3A_1076 : i32
          %add3A_1078 = arith.constant 11 : i32
          %add3A_1079 = arith.addi %mul3A_1077, %add3A_1078 : i32
          %get3A_1080 = arith.index_cast %add3A_1079 : i32 to index
          %get3A_1081 = arith.constant 0 : index
          %get3A_1082 = tpu.vector_load %arg11[%get3A_1080, %get3A_1081] {strides = array<i32>} : memref<80x128xf32, #tpu.memory_space<vmem>>, vector<1x16xf32>,
          %get3A_1083 = vector.shape_cast %get3A_1082 : vector<1x16xf32> to vector<16xf32>
          %mul3A_1084 = vector.broadcast %squeeze3A_1075 : f32 to vector<16xf32>
          %mul3A_1085 = arith.mulf %get3A_1083, %mul3A_1084 : vector<16xf32>
          %swap3A_1086 = arith.index_cast %add3A_1079 : i32 to index
          %swap3A_1087 = arith.constant 0 : index
          %swap3A_1088 = tpu.vector_load %arg11[%swap3A_1086, %swap3A_1087] {strides = array<i32>} : memref<80x128xf32, #tpu.memory_space<vmem>>, vector<1x16xf32>,
          %swap3A_1089 = vector.shape_cast %swap3A_1088 : vector<1x16xf32> to vector<16xf32>
          %swap3A_1090 = vector.shape_cast %mul3A_1085 : vector<16xf32> to vector<1x16xf32>
          tpu.vector_store %arg11[%swap3A_1086, %swap3A_1087], %swap3A_1090 {strides = array<i32>} : memref<80x128xf32, #tpu.memory_space<vmem>>, vector<1x16xf32>,
          %get3A_1091 = arith.index_cast %add3A_1079 : i32 to index
          %get3A_1092 = arith.constant 16 : index
          %get3A_1093 = tpu.vector_load %arg11[%get3A_1091, %get3A_1092] {strides = array<i32>} : memref<80x128xf32, #tpu.memory_space<vmem>>, vector<1x16xf32>,
          %get3A_1094 = vector.shape_cast %get3A_1093 : vector<1x16xf32> to vector<16xf32>
          %mul3A_1095 = vector.broadcast %squeeze3A_1075 : f32 to vector<16xf32>
          %mul3A_1096 = arith.mulf %get3A_1094, %mul3A_1095 : vector<16xf32>
          %swap3A_1097 = arith.index_cast %add3A_1079 : i32 to index
          %swap3A_1098 = arith.constant 16 : index
          %swap3A_1099 = tpu.vector_load %arg11[%swap3A_1097, %swap3A_1098] {strides = array<i32>} : memref<80x128xf32, #tpu.memory_space<vmem>>, vector<1x16xf32>,
          %swap3A_1100 = vector.shape_cast %swap3A_1099 : vector<1x16xf32> to vector<16xf32>
          %swap3A_1101 = vector.shape_cast %mul3A_1096 : vector<16xf32> to vector<1x16xf32>
          tpu.vector_store %arg11[%swap3A_1097, %swap3A_1098], %swap3A_1101 {strides = array<i32>} : memref<80x128xf32, #tpu.memory_space<vmem>>, vector<1x16xf32>,
          %get3A_1102 = arith.index_cast %add3A_1079 : i32 to index
          %get3A_1103 = arith.constant 32 : index
          %get3A_1104 = tpu.vector_load %arg11[%get3A_1102, %get3A_1103] {strides = array<i32>} : memref<80x128xf32, #tpu.memory_space<vmem>>, vector<1x16xf32>,
          %get3A_1105 = vector.shape_cast %get3A_1104 : vector<1x16xf32> to vector<16xf32>
          %mul3A_1106 = vector.broadcast %squeeze3A_1075 : f32 to vector<16xf32>
          %mul3A_1107 = arith.mulf %get3A_1105, %mul3A_1106 : vector<16xf32>
          %swap3A_1108 = arith.index_cast %add3A_1079 : i32 to index
          %swap3A_1109 = arith.constant 32 : index
          %swap3A_1110 = tpu.vector_load %arg11[%swap3A_1108, %swap3A_1109] {strides = array<i32>} : memref<80x128xf32, #tpu.memory_space<vmem>>, vector<1x16xf32>,
          %swap3A_1111 = vector.shape_cast %swap3A_1110 : vector<1x16xf32> to vector<16xf32>
          %swap3A_1112 = vector.shape_cast %mul3A_1107 : vector<16xf32> to vector<1x16xf32>
          tpu.vector_store %arg11[%swap3A_1108, %swap3A_1109], %swap3A_1112 {strides = array<i32>} : memref<80x128xf32, #tpu.memory_space<vmem>>, vector<1x16xf32>,
          %get3A_1113 = arith.index_cast %add3A_1079 : i32 to index
          %get3A_1114 = arith.constant 48 : index
          %get3A_1115 = tpu.vector_load %arg11[%get3A_1113, %get3A_1114] {strides = array<i32>} : memref<80x128xf32, #tpu.memory_space<vmem>>, vector<1x16xf32>,
          %get3A_1116 = vector.shape_cast %get3A_1115 : vector<1x16xf32> to vector<16xf32>
          %mul3A_1117 = vector.broadcast %squeeze3A_1075 : f32 to vector<16xf32>
          %mul3A_1118 = arith.mulf %get3A_1116, %mul3A_1117 : vector<16xf32>
          %swap3A_1119 = arith.index_cast %add3A_1079 : i32 to index
          %swap3A_1120 = arith.constant 48 : index
          %swap3A_1121 = tpu.vector_load %arg11[%swap3A_1119, %swap3A_1120] {strides = array<i32>} : memref<80x128xf32, #tpu.memory_space<vmem>>, vector<1x16xf32>,
          %swap3A_1122 = vector.shape_cast %swap3A_1121 : vector<1x16xf32> to vector<16xf32>
          %swap3A_1123 = vector.shape_cast %mul3A_1118 : vector<16xf32> to vector<1x16xf32>
          tpu.vector_store %arg11[%swap3A_1119, %swap3A_1120], %swap3A_1123 {strides = array<i32>} : memref<80x128xf32, #tpu.memory_space<vmem>>, vector<1x16xf32>,
          %get3A_1124 = arith.index_cast %add3A_1079 : i32 to index
          %get3A_1125 = arith.constant 64 : index
          %get3A_1126 = tpu.vector_load %arg11[%get3A_1124, %get3A_1125] {strides = array<i32>} : memref<80x128xf32, #tpu.memory_space<vmem>>, vector<1x16xf32>,
          %get3A_1127 = vector.shape_cast %get3A_1126 : vector<1x16xf32> to vector<16xf32>
          %mul3A_1128 = vector.broadcast %squeeze3A_1075 : f32 to vector<16xf32>
          %mul3A_1129 = arith.mulf %get3A_1127, %mul3A_1128 : vector<16xf32>
          %swap3A_1130 = arith.index_cast %add3A_1079 : i32 to index
          %swap3A_1131 = arith.constant 64 : index
          %swap3A_1132 = tpu.vector_load %arg11[%swap3A_1130, %swap3A_1131] {strides = array<i32>} : memref<80x128xf32, #tpu.memory_space<vmem>>, vector<1x16xf32>,
          %swap3A_1133 = vector.shape_cast %swap3A_1132 : vector<1x16xf32> to vector<16xf32>
          %swap3A_1134 = vector.shape_cast %mul3A_1129 : vector<16xf32> to vector<1x16xf32>
          tpu.vector_store %arg11[%swap3A_1130, %swap3A_1131], %swap3A_1134 {strides = array<i32>} : memref<80x128xf32, #tpu.memory_space<vmem>>, vector<1x16xf32>,
          %get3A_1135 = arith.index_cast %add3A_1079 : i32 to index
          %get3A_1136 = arith.constant 80 : index
          %get3A_1137 = tpu.vector_load %arg11[%get3A_1135, %get3A_1136] {strides = array<i32>} : memref<80x128xf32, #tpu.memory_space<vmem>>, vector<1x16xf32>,
          %get3A_1138 = vector.shape_cast %get3A_1137 : vector<1x16xf32> to vector<16xf32>
          %mul3A_1139 = vector.broadcast %squeeze3A_1075 : f32 to vector<16xf32>
          %mul3A_1140 = arith.mulf %get3A_1138, %mul3A_1139 : vector<16xf32>
          %swap3A_1141 = arith.index_cast %add3A_1079 : i32 to index
          %swap3A_1142 = arith.constant 80 : index
          %swap3A_1143 = tpu.vector_load %arg11[%swap3A_1141, %swap3A_1142] {strides = array<i32>} : memref<80x128xf32, #tpu.memory_space<vmem>>, vector<1x16xf32>,
          %swap3A_1144 = vector.shape_cast %swap3A_1143 : vector<1x16xf32> to vector<16xf32>
          %swap3A_1145 = vector.shape_cast %mul3A_1140 : vector<16xf32> to vector<1x16xf32>
          tpu.vector_store %arg11[%swap3A_1141, %swap3A_1142], %swap3A_1145 {strides = array<i32>} : memref<80x128xf32, #tpu.memory_space<vmem>>, vector<1x16xf32>,
          %get3A_1146 = arith.index_cast %add3A_1079 : i32 to index
          %get3A_1147 = arith.constant 96 : index
          %get3A_1148 = tpu.vector_load %arg11[%get3A_1146, %get3A_1147] {strides = array<i32>} : memref<80x128xf32, #tpu.memory_space<vmem>>, vector<1x16xf32>,
          %get3A_1149 = vector.shape_cast %get3A_1148 : vector<1x16xf32> to vector<16xf32>
          %mul3A_1150 = vector.broadcast %squeeze3A_1075 : f32 to vector<16xf32>
          %mul3A_1151 = arith.mulf %get3A_1149, %mul3A_1150 : vector<16xf32>
          %swap3A_1152 = arith.index_cast %add3A_1079 : i32 to index
          %swap3A_1153 = arith.constant 96 : index
          %swap3A_1154 = tpu.vector_load %arg11[%swap3A_1152, %swap3A_1153] {strides = array<i32>} : memref<80x128xf32, #tpu.memory_space<vmem>>, vector<1x16xf32>,
          %swap3A_1155 = vector.shape_cast %swap3A_1154 : vector<1x16xf32> to vector<16xf32>
          %swap3A_1156 = vector.shape_cast %mul3A_1151 : vector<16xf32> to vector<1x16xf32>
          tpu.vector_store %arg11[%swap3A_1152, %swap3A_1153], %swap3A_1156 {strides = array<i32>} : memref<80x128xf32, #tpu.memory_space<vmem>>, vector<1x16xf32>,
          %get3A_1157 = arith.index_cast %add3A_1079 : i32 to index
          %get3A_1158 = arith.constant 112 : index
          %get3A_1159 = tpu.vector_load %arg11[%get3A_1157, %get3A_1158] {strides = array<i32>} : memref<80x128xf32, #tpu.memory_space<vmem>>, vector<1x16xf32>,
          %get3A_1160 = vector.shape_cast %get3A_1159 : vector<1x16xf32> to vector<16xf32>
          %mul3A_1161 = vector.broadcast %squeeze3A_1075 : f32 to vector<16xf32>
          %mul3A_1162 = arith.mulf %get3A_1160, %mul3A_1161 : vector<16xf32>
          %swap3A_1163 = arith.index_cast %add3A_1079 : i32 to index
          %swap3A_1164 = arith.constant 112 : index
          %swap3A_1165 = tpu.vector_load %arg11[%swap3A_1163, %swap3A_1164] {strides = array<i32>} : memref<80x128xf32, #tpu.memory_space<vmem>>, vector<1x16xf32>,
          %swap3A_1166 = vector.shape_cast %swap3A_1165 : vector<1x16xf32> to vector<16xf32>
          %swap3A_1167 = vector.shape_cast %mul3A_1162 : vector<16xf32> to vector<1x16xf32>
          tpu.vector_store %arg11[%swap3A_1163, %swap3A_1164], %swap3A_1167 {strides = array<i32>} : memref<80x128xf32, #tpu.memory_space<vmem>>, vector<1x16xf32>,
          %slice3A_1168 = vector.extract_strided_slice %get3A_42 {offsets = [12], sizes = [1], strides = [1]} : vector<16xf32> to vector<1xf32>
          %squeeze3A_1169 = vector.extract %slice3A_1168[0] : f32 from vector<1xf32>
          %mul3A_1170 = arith.constant 16 : i32
          %mul3A_1171 = arith.muli %scan3A_35, %mul3A_1170 : i32
          %add3A_1172 = arith.constant 12 : i32
          %add3A_1173 = arith.addi %mul3A_1171, %add3A_1172 : i32
          %get3A_1174 = arith.index_cast %add3A_1173 : i32 to index
          %get3A_1175 = arith.constant 0 : index
          %get3A_1176 = tpu.vector_load %arg11[%get3A_1174, %get3A_1175] {strides = array<i32>} : memref<80x128xf32, #tpu.memory_space<vmem>>, vector<1x16xf32>,
          %get3A_1177 = vector.shape_cast %get3A_1176 : vector<1x16xf32> to vector<16xf32>
          %mul3A_1178 = vector.broadcast %squeeze3A_1169 : f32 to vector<16xf32>
          %mul3A_1179 = arith.mulf %get3A_1177, %mul3A_1178 : vector<16xf32>
          %swap3A_1180 = arith.index_cast %add3A_1173 : i32 to index
          %swap3A_1181 = arith.constant 0 : index
          %swap3A_1182 = tpu.vector_load %arg11[%swap3A_1180, %swap3A_1181] {strides = array<i32>} : memref<80x128xf32, #tpu.memory_space<vmem>>, vector<1x16xf32>,
          %swap3A_1183 = vector.shape_cast %swap3A_1182 : vector<1x16xf32> to vector<16xf32>
          %swap3A_1184 = vector.shape_cast %mul3A_1179 : vector<16xf32> to vector<1x16xf32>
          tpu.vector_store %arg11[%swap3A_1180, %swap3A_1181], %swap3A_1184 {strides = array<i32>} : memref<80x128xf32, #tpu.memory_space<vmem>>, vector<1x16xf32>,
          %get3A_1185 = arith.index_cast %add3A_1173 : i32 to index
          %get3A_1186 = arith.constant 16 : index
          %get3A_1187 = tpu.vector_load %arg11[%get3A_1185, %get3A_1186] {strides = array<i32>} : memref<80x128xf32, #tpu.memory_space<vmem>>, vector<1x16xf32>,
          %get3A_1188 = vector.shape_cast %get3A_1187 : vector<1x16xf32> to vector<16xf32>
          %mul3A_1189 = vector.broadcast %squeeze3A_1169 : f32 to vector<16xf32>
          %mul3A_1190 = arith.mulf %get3A_1188, %mul3A_1189 : vector<16xf32>
          %swap3A_1191 = arith.index_cast %add3A_1173 : i32 to index
          %swap3A_1192 = arith.constant 16 : index
          %swap3A_1193 = tpu.vector_load %arg11[%swap3A_1191, %swap3A_1192] {strides = array<i32>} : memref<80x128xf32, #tpu.memory_space<vmem>>, vector<1x16xf32>,
          %swap3A_1194 = vector.shape_cast %swap3A_1193 : vector<1x16xf32> to vector<16xf32>
          %swap3A_1195 = vector.shape_cast %mul3A_1190 : vector<16xf32> to vector<1x16xf32>
          tpu.vector_store %arg11[%swap3A_1191, %swap3A_1192], %swap3A_1195 {strides = array<i32>} : memref<80x128xf32, #tpu.memory_space<vmem>>, vector<1x16xf32>,
          %get3A_1196 = arith.index_cast %add3A_1173 : i32 to index
          %get3A_1197 = arith.constant 32 : index
          %get3A_1198 = tpu.vector_load %arg11[%get3A_1196, %get3A_1197] {strides = array<i32>} : memref<80x128xf32, #tpu.memory_space<vmem>>, vector<1x16xf32>,
          %get3A_1199 = vector.shape_cast %get3A_1198 : vector<1x16xf32> to vector<16xf32>
          %mul3A_1200 = vector.broadcast %squeeze3A_1169 : f32 to vector<16xf32>
          %mul3A_1201 = arith.mulf %get3A_1199, %mul3A_1200 : vector<16xf32>
          %swap3A_1202 = arith.index_cast %add3A_1173 : i32 to index
          %swap3A_1203 = arith.constant 32 : index
          %swap3A_1204 = tpu.vector_load %arg11[%swap3A_1202, %swap3A_1203] {strides = array<i32>} : memref<80x128xf32, #tpu.memory_space<vmem>>, vector<1x16xf32>,
          %swap3A_1205 = vector.shape_cast %swap3A_1204 : vector<1x16xf32> to vector<16xf32>
          %swap3A_1206 = vector.shape_cast %mul3A_1201 : vector<16xf32> to vector<1x16xf32>
          tpu.vector_store %arg11[%swap3A_1202, %swap3A_1203], %swap3A_1206 {strides = array<i32>} : memref<80x128xf32, #tpu.memory_space<vmem>>, vector<1x16xf32>,
          %get3A_1207 = arith.index_cast %add3A_1173 : i32 to index
          %get3A_1208 = arith.constant 48 : index
          %get3A_1209 = tpu.vector_load %arg11[%get3A_1207, %get3A_1208] {strides = array<i32>} : memref<80x128xf32, #tpu.memory_space<vmem>>, vector<1x16xf32>,
          %get3A_1210 = vector.shape_cast %get3A_1209 : vector<1x16xf32> to vector<16xf32>
          %mul3A_1211 = vector.broadcast %squeeze3A_1169 : f32 to vector<16xf32>
          %mul3A_1212 = arith.mulf %get3A_1210, %mul3A_1211 : vector<16xf32>
          %swap3A_1213 = arith.index_cast %add3A_1173 : i32 to index
          %swap3A_1214 = arith.constant 48 : index
          %swap3A_1215 = tpu.vector_load %arg11[%swap3A_1213, %swap3A_1214] {strides = array<i32>} : memref<80x128xf32, #tpu.memory_space<vmem>>, vector<1x16xf32>,
          %swap3A_1216 = vector.shape_cast %swap3A_1215 : vector<1x16xf32> to vector<16xf32>
          %swap3A_1217 = vector.shape_cast %mul3A_1212 : vector<16xf32> to vector<1x16xf32>
          tpu.vector_store %arg11[%swap3A_1213, %swap3A_1214], %swap3A_1217 {strides = array<i32>} : memref<80x128xf32, #tpu.memory_space<vmem>>, vector<1x16xf32>,
          %get3A_1218 = arith.index_cast %add3A_1173 : i32 to index
          %get3A_1219 = arith.constant 64 : index
          %get3A_1220 = tpu.vector_load %arg11[%get3A_1218, %get3A_1219] {strides = array<i32>} : memref<80x128xf32, #tpu.memory_space<vmem>>, vector<1x16xf32>,
          %get3A_1221 = vector.shape_cast %get3A_1220 : vector<1x16xf32> to vector<16xf32>
          %mul3A_1222 = vector.broadcast %squeeze3A_1169 : f32 to vector<16xf32>
          %mul3A_1223 = arith.mulf %get3A_1221, %mul3A_1222 : vector<16xf32>
          %swap3A_1224 = arith.index_cast %add3A_1173 : i32 to index
          %swap3A_1225 = arith.constant 64 : index
          %swap3A_1226 = tpu.vector_load %arg11[%swap3A_1224, %swap3A_1225] {strides = array<i32>} : memref<80x128xf32, #tpu.memory_space<vmem>>, vector<1x16xf32>,
          %swap3A_1227 = vector.shape_cast %swap3A_1226 : vector<1x16xf32> to vector<16xf32>
          %swap3A_1228 = vector.shape_cast %mul3A_1223 : vector<16xf32> to vector<1x16xf32>
          tpu.vector_store %arg11[%swap3A_1224, %swap3A_1225], %swap3A_1228 {strides = array<i32>} : memref<80x128xf32, #tpu.memory_space<vmem>>, vector<1x16xf32>,
          %get3A_1229 = arith.index_cast %add3A_1173 : i32 to index
          %get3A_1230 = arith.constant 80 : index
          %get3A_1231 = tpu.vector_load %arg11[%get3A_1229, %get3A_1230] {strides = array<i32>} : memref<80x128xf32, #tpu.memory_space<vmem>>, vector<1x16xf32>,
          %get3A_1232 = vector.shape_cast %get3A_1231 : vector<1x16xf32> to vector<16xf32>
          %mul3A_1233 = vector.broadcast %squeeze3A_1169 : f32 to vector<16xf32>
          %mul3A_1234 = arith.mulf %get3A_1232, %mul3A_1233 : vector<16xf32>
          %swap3A_1235 = arith.index_cast %add3A_1173 : i32 to index
          %swap3A_1236 = arith.constant 80 : index
          %swap3A_1237 = tpu.vector_load %arg11[%swap3A_1235, %swap3A_1236] {strides = array<i32>} : memref<80x128xf32, #tpu.memory_space<vmem>>, vector<1x16xf32>,
          %swap3A_1238 = vector.shape_cast %swap3A_1237 : vector<1x16xf32> to vector<16xf32>
          %swap3A_1239 = vector.shape_cast %mul3A_1234 : vector<16xf32> to vector<1x16xf32>
          tpu.vector_store %arg11[%swap3A_1235, %swap3A_1236], %swap3A_1239 {strides = array<i32>} : memref<80x128xf32, #tpu.memory_space<vmem>>, vector<1x16xf32>,
          %get3A_1240 = arith.index_cast %add3A_1173 : i32 to index
          %get3A_1241 = arith.constant 96 : index
          %get3A_1242 = tpu.vector_load %arg11[%get3A_1240, %get3A_1241] {strides = array<i32>} : memref<80x128xf32, #tpu.memory_space<vmem>>, vector<1x16xf32>,
          %get3A_1243 = vector.shape_cast %get3A_1242 : vector<1x16xf32> to vector<16xf32>
          %mul3A_1244 = vector.broadcast %squeeze3A_1169 : f32 to vector<16xf32>
          %mul3A_1245 = arith.mulf %get3A_1243, %mul3A_1244 : vector<16xf32>
          %swap3A_1246 = arith.index_cast %add3A_1173 : i32 to index
          %swap3A_1247 = arith.constant 96 : index
          %swap3A_1248 = tpu.vector_load %arg11[%swap3A_1246, %swap3A_1247] {strides = array<i32>} : memref<80x128xf32, #tpu.memory_space<vmem>>, vector<1x16xf32>,
          %swap3A_1249 = vector.shape_cast %swap3A_1248 : vector<1x16xf32> to vector<16xf32>
          %swap3A_1250 = vector.shape_cast %mul3A_1245 : vector<16xf32> to vector<1x16xf32>
          tpu.vector_store %arg11[%swap3A_1246, %swap3A_1247], %swap3A_1250 {strides = array<i32>} : memref<80x128xf32, #tpu.memory_space<vmem>>, vector<1x16xf32>,
          %get3A_1251 = arith.index_cast %add3A_1173 : i32 to index
          %get3A_1252 = arith.constant 112 : index
          %get3A_1253 = tpu.vector_load %arg11[%get3A_1251, %get3A_1252] {strides = array<i32>} : memref<80x128xf32, #tpu.memory_space<vmem>>, vector<1x16xf32>,
          %get3A_1254 = vector.shape_cast %get3A_1253 : vector<1x16xf32> to vector<16xf32>
          %mul3A_1255 = vector.broadcast %squeeze3A_1169 : f32 to vector<16xf32>
          %mul3A_1256 = arith.mulf %get3A_1254, %mul3A_1255 : vector<16xf32>
          %swap3A_1257 = arith.index_cast %add3A_1173 : i32 to index
          %swap3A_1258 = arith.constant 112 : index
          %swap3A_1259 = tpu.vector_load %arg11[%swap3A_1257, %swap3A_1258] {strides = array<i32>} : memref<80x128xf32, #tpu.memory_space<vmem>>, vector<1x16xf32>,
          %swap3A_1260 = vector.shape_cast %swap3A_1259 : vector<1x16xf32> to vector<16xf32>
          %swap3A_1261 = vector.shape_cast %mul3A_1256 : vector<16xf32> to vector<1x16xf32>
          tpu.vector_store %arg11[%swap3A_1257, %swap3A_1258], %swap3A_1261 {strides = array<i32>} : memref<80x128xf32, #tpu.memory_space<vmem>>, vector<1x16xf32>,
          %slice3A_1262 = vector.extract_strided_slice %get3A_42 {offsets = [13], sizes = [1], strides = [1]} : vector<16xf32> to vector<1xf32>
          %squeeze3A_1263 = vector.extract %slice3A_1262[0] : f32 from vector<1xf32>
          %mul3A_1264 = arith.constant 16 : i32
          %mul3A_1265 = arith.muli %scan3A_35, %mul3A_1264 : i32
          %add3A_1266 = arith.constant 13 : i32
          %add3A_1267 = arith.addi %mul3A_1265, %add3A_1266 : i32
          %get3A_1268 = arith.index_cast %add3A_1267 : i32 to index
          %get3A_1269 = arith.constant 0 : index
          %get3A_1270 = tpu.vector_load %arg11[%get3A_1268, %get3A_1269] {strides = array<i32>} : memref<80x128xf32, #tpu.memory_space<vmem>>, vector<1x16xf32>,
          %get3A_1271 = vector.shape_cast %get3A_1270 : vector<1x16xf32> to vector<16xf32>
          %mul3A_1272 = vector.broadcast %squeeze3A_1263 : f32 to vector<16xf32>
          %mul3A_1273 = arith.mulf %get3A_1271, %mul3A_1272 : vector<16xf32>
          %swap3A_1274 = arith.index_cast %add3A_1267 : i32 to index
          %swap3A_1275 = arith.constant 0 : index
          %swap3A_1276 = tpu.vector_load %arg11[%swap3A_1274, %swap3A_1275] {strides = array<i32>} : memref<80x128xf32, #tpu.memory_space<vmem>>, vector<1x16xf32>,
          %swap3A_1277 = vector.shape_cast %swap3A_1276 : vector<1x16xf32> to vector<16xf32>
          %swap3A_1278 = vector.shape_cast %mul3A_1273 : vector<16xf32> to vector<1x16xf32>
          tpu.vector_store %arg11[%swap3A_1274, %swap3A_1275], %swap3A_1278 {strides = array<i32>} : memref<80x128xf32, #tpu.memory_space<vmem>>, vector<1x16xf32>,
          %get3A_1279 = arith.index_cast %add3A_1267 : i32 to index
          %get3A_1280 = arith.constant 16 : index
          %get3A_1281 = tpu.vector_load %arg11[%get3A_1279, %get3A_1280] {strides = array<i32>} : memref<80x128xf32, #tpu.memory_space<vmem>>, vector<1x16xf32>,
          %get3A_1282 = vector.shape_cast %get3A_1281 : vector<1x16xf32> to vector<16xf32>
          %mul3A_1283 = vector.broadcast %squeeze3A_1263 : f32 to vector<16xf32>
          %mul3A_1284 = arith.mulf %get3A_1282, %mul3A_1283 : vector<16xf32>
          %swap3A_1285 = arith.index_cast %add3A_1267 : i32 to index
          %swap3A_1286 = arith.constant 16 : index
          %swap3A_1287 = tpu.vector_load %arg11[%swap3A_1285, %swap3A_1286] {strides = array<i32>} : memref<80x128xf32, #tpu.memory_space<vmem>>, vector<1x16xf32>,
          %swap3A_1288 = vector.shape_cast %swap3A_1287 : vector<1x16xf32> to vector<16xf32>
          %swap3A_1289 = vector.shape_cast %mul3A_1284 : vector<16xf32> to vector<1x16xf32>
          tpu.vector_store %arg11[%swap3A_1285, %swap3A_1286], %swap3A_1289 {strides = array<i32>} : memref<80x128xf32, #tpu.memory_space<vmem>>, vector<1x16xf32>,
          %get3A_1290 = arith.index_cast %add3A_1267 : i32 to index
          %get3A_1291 = arith.constant 32 : index
          %get3A_1292 = tpu.vector_load %arg11[%get3A_1290, %get3A_1291] {strides = array<i32>} : memref<80x128xf32, #tpu.memory_space<vmem>>, vector<1x16xf32>,
          %get3A_1293 = vector.shape_cast %get3A_1292 : vector<1x16xf32> to vector<16xf32>
          %mul3A_1294 = vector.broadcast %squeeze3A_1263 : f32 to vector<16xf32>
          %mul3A_1295 = arith.mulf %get3A_1293, %mul3A_1294 : vector<16xf32>
          %swap3A_1296 = arith.index_cast %add3A_1267 : i32 to index
          %swap3A_1297 = arith.constant 32 : index
          %swap3A_1298 = tpu.vector_load %arg11[%swap3A_1296, %swap3A_1297] {strides = array<i32>} : memref<80x128xf32, #tpu.memory_space<vmem>>, vector<1x16xf32>,
          %swap3A_1299 = vector.shape_cast %swap3A_1298 : vector<1x16xf32> to vector<16xf32>
          %swap3A_1300 = vector.shape_cast %mul3A_1295 : vector<16xf32> to vector<1x16xf32>
          tpu.vector_store %arg11[%swap3A_1296, %swap3A_1297], %swap3A_1300 {strides = array<i32>} : memref<80x128xf32, #tpu.memory_space<vmem>>, vector<1x16xf32>,
          %get3A_1301 = arith.index_cast %add3A_1267 : i32 to index
          %get3A_1302 = arith.constant 48 : index
          %get3A_1303 = tpu.vector_load %arg11[%get3A_1301, %get3A_1302] {strides = array<i32>} : memref<80x128xf32, #tpu.memory_space<vmem>>, vector<1x16xf32>,
          %get3A_1304 = vector.shape_cast %get3A_1303 : vector<1x16xf32> to vector<16xf32>
          %mul3A_1305 = vector.broadcast %squeeze3A_1263 : f32 to vector<16xf32>
          %mul3A_1306 = arith.mulf %get3A_1304, %mul3A_1305 : vector<16xf32>
          %swap3A_1307 = arith.index_cast %add3A_1267 : i32 to index
          %swap3A_1308 = arith.constant 48 : index
          %swap3A_1309 = tpu.vector_load %arg11[%swap3A_1307, %swap3A_1308] {strides = array<i32>} : memref<80x128xf32, #tpu.memory_space<vmem>>, vector<1x16xf32>,
          %swap3A_1310 = vector.shape_cast %swap3A_1309 : vector<1x16xf32> to vector<16xf32>
          %swap3A_1311 = vector.shape_cast %mul3A_1306 : vector<16xf32> to vector<1x16xf32>
          tpu.vector_store %arg11[%swap3A_1307, %swap3A_1308], %swap3A_1311 {strides = array<i32>} : memref<80x128xf32, #tpu.memory_space<vmem>>, vector<1x16xf32>,
          %get3A_1312 = arith.index_cast %add3A_1267 : i32 to index
          %get3A_1313 = arith.constant 64 : index
          %get3A_1314 = tpu.vector_load %arg11[%get3A_1312, %get3A_1313] {strides = array<i32>} : memref<80x128xf32, #tpu.memory_space<vmem>>, vector<1x16xf32>,
          %get3A_1315 = vector.shape_cast %get3A_1314 : vector<1x16xf32> to vector<16xf32>
          %mul3A_1316 = vector.broadcast %squeeze3A_1263 : f32 to vector<16xf32>
          %mul3A_1317 = arith.mulf %get3A_1315, %mul3A_1316 : vector<16xf32>
          %swap3A_1318 = arith.index_cast %add3A_1267 : i32 to index
          %swap3A_1319 = arith.constant 64 : index
          %swap3A_1320 = tpu.vector_load %arg11[%swap3A_1318, %swap3A_1319] {strides = array<i32>} : memref<80x128xf32, #tpu.memory_space<vmem>>, vector<1x16xf32>,
          %swap3A_1321 = vector.shape_cast %swap3A_1320 : vector<1x16xf32> to vector<16xf32>
          %swap3A_1322 = vector.shape_cast %mul3A_1317 : vector<16xf32> to vector<1x16xf32>
          tpu.vector_store %arg11[%swap3A_1318, %swap3A_1319], %swap3A_1322 {strides = array<i32>} : memref<80x128xf32, #tpu.memory_space<vmem>>, vector<1x16xf32>,
          %get3A_1323 = arith.index_cast %add3A_1267 : i32 to index
          %get3A_1324 = arith.constant 80 : index
          %get3A_1325 = tpu.vector_load %arg11[%get3A_1323, %get3A_1324] {strides = array<i32>} : memref<80x128xf32, #tpu.memory_space<vmem>>, vector<1x16xf32>,
          %get3A_1326 = vector.shape_cast %get3A_1325 : vector<1x16xf32> to vector<16xf32>
          %mul3A_1327 = vector.broadcast %squeeze3A_1263 : f32 to vector<16xf32>
          %mul3A_1328 = arith.mulf %get3A_1326, %mul3A_1327 : vector<16xf32>
          %swap3A_1329 = arith.index_cast %add3A_1267 : i32 to index
          %swap3A_1330 = arith.constant 80 : index
          %swap3A_1331 = tpu.vector_load %arg11[%swap3A_1329, %swap3A_1330] {strides = array<i32>} : memref<80x128xf32, #tpu.memory_space<vmem>>, vector<1x16xf32>,
          %swap3A_1332 = vector.shape_cast %swap3A_1331 : vector<1x16xf32> to vector<16xf32>
          %swap3A_1333 = vector.shape_cast %mul3A_1328 : vector<16xf32> to vector<1x16xf32>
          tpu.vector_store %arg11[%swap3A_1329, %swap3A_1330], %swap3A_1333 {strides = array<i32>} : memref<80x128xf32, #tpu.memory_space<vmem>>, vector<1x16xf32>,
          %get3A_1334 = arith.index_cast %add3A_1267 : i32 to index
          %get3A_1335 = arith.constant 96 : index
          %get3A_1336 = tpu.vector_load %arg11[%get3A_1334, %get3A_1335] {strides = array<i32>} : memref<80x128xf32, #tpu.memory_space<vmem>>, vector<1x16xf32>,
          %get3A_1337 = vector.shape_cast %get3A_1336 : vector<1x16xf32> to vector<16xf32>
          %mul3A_1338 = vector.broadcast %squeeze3A_1263 : f32 to vector<16xf32>
          %mul3A_1339 = arith.mulf %get3A_1337, %mul3A_1338 : vector<16xf32>
          %swap3A_1340 = arith.index_cast %add3A_1267 : i32 to index
          %swap3A_1341 = arith.constant 96 : index
          %swap3A_1342 = tpu.vector_load %arg11[%swap3A_1340, %swap3A_1341] {strides = array<i32>} : memref<80x128xf32, #tpu.memory_space<vmem>>, vector<1x16xf32>,
          %swap3A_1343 = vector.shape_cast %swap3A_1342 : vector<1x16xf32> to vector<16xf32>
          %swap3A_1344 = vector.shape_cast %mul3A_1339 : vector<16xf32> to vector<1x16xf32>
          tpu.vector_store %arg11[%swap3A_1340, %swap3A_1341], %swap3A_1344 {strides = array<i32>} : memref<80x128xf32, #tpu.memory_space<vmem>>, vector<1x16xf32>,
          %get3A_1345 = arith.index_cast %add3A_1267 : i32 to index
          %get3A_1346 = arith.constant 112 : index
          %get3A_1347 = tpu.vector_load %arg11[%get3A_1345, %get3A_1346] {strides = array<i32>} : memref<80x128xf32, #tpu.memory_space<vmem>>, vector<1x16xf32>,
          %get3A_1348 = vector.shape_cast %get3A_1347 : vector<1x16xf32> to vector<16xf32>
          %mul3A_1349 = vector.broadcast %squeeze3A_1263 : f32 to vector<16xf32>
          %mul3A_1350 = arith.mulf %get3A_1348, %mul3A_1349 : vector<16xf32>
          %swap3A_1351 = arith.index_cast %add3A_1267 : i32 to index
          %swap3A_1352 = arith.constant 112 : index
          %swap3A_1353 = tpu.vector_load %arg11[%swap3A_1351, %swap3A_1352] {strides = array<i32>} : memref<80x128xf32, #tpu.memory_space<vmem>>, vector<1x16xf32>,
          %swap3A_1354 = vector.shape_cast %swap3A_1353 : vector<1x16xf32> to vector<16xf32>
          %swap3A_1355 = vector.shape_cast %mul3A_1350 : vector<16xf32> to vector<1x16xf32>
          tpu.vector_store %arg11[%swap3A_1351, %swap3A_1352], %swap3A_1355 {strides = array<i32>} : memref<80x128xf32, #tpu.memory_space<vmem>>, vector<1x16xf32>,
          %slice3A_1356 = vector.extract_strided_slice %get3A_42 {offsets = [14], sizes = [1], strides = [1]} : vector<16xf32> to vector<1xf32>
          %squeeze3A_1357 = vector.extract %slice3A_1356[0] : f32 from vector<1xf32>
          %mul3A_1358 = arith.constant 16 : i32
          %mul3A_1359 = arith.muli %scan3A_35, %mul3A_1358 : i32
          %add3A_1360 = arith.constant 14 : i32
          %add3A_1361 = arith.addi %mul3A_1359, %add3A_1360 : i32
          %get3A_1362 = arith.index_cast %add3A_1361 : i32 to index
          %get3A_1363 = arith.constant 0 : index
          %get3A_1364 = tpu.vector_load %arg11[%get3A_1362, %get3A_1363] {strides = array<i32>} : memref<80x128xf32, #tpu.memory_space<vmem>>, vector<1x16xf32>,
          %get3A_1365 = vector.shape_cast %get3A_1364 : vector<1x16xf32> to vector<16xf32>
          %mul3A_1366 = vector.broadcast %squeeze3A_1357 : f32 to vector<16xf32>
          %mul3A_1367 = arith.mulf %get3A_1365, %mul3A_1366 : vector<16xf32>
          %swap3A_1368 = arith.index_cast %add3A_1361 : i32 to index
          %swap3A_1369 = arith.constant 0 : index
          %swap3A_1370 = tpu.vector_load %arg11[%swap3A_1368, %swap3A_1369] {strides = array<i32>} : memref<80x128xf32, #tpu.memory_space<vmem>>, vector<1x16xf32>,
          %swap3A_1371 = vector.shape_cast %swap3A_1370 : vector<1x16xf32> to vector<16xf32>
          %swap3A_1372 = vector.shape_cast %mul3A_1367 : vector<16xf32> to vector<1x16xf32>
          tpu.vector_store %arg11[%swap3A_1368, %swap3A_1369], %swap3A_1372 {strides = array<i32>} : memref<80x128xf32, #tpu.memory_space<vmem>>, vector<1x16xf32>,
          %get3A_1373 = arith.index_cast %add3A_1361 : i32 to index
          %get3A_1374 = arith.constant 16 : index
          %get3A_1375 = tpu.vector_load %arg11[%get3A_1373, %get3A_1374] {strides = array<i32>} : memref<80x128xf32, #tpu.memory_space<vmem>>, vector<1x16xf32>,
          %get3A_1376 = vector.shape_cast %get3A_1375 : vector<1x16xf32> to vector<16xf32>
          %mul3A_1377 = vector.broadcast %squeeze3A_1357 : f32 to vector<16xf32>
          %mul3A_1378 = arith.mulf %get3A_1376, %mul3A_1377 : vector<16xf32>
          %swap3A_1379 = arith.index_cast %add3A_1361 : i32 to index
          %swap3A_1380 = arith.constant 16 : index
          %swap3A_1381 = tpu.vector_load %arg11[%swap3A_1379, %swap3A_1380] {strides = array<i32>} : memref<80x128xf32, #tpu.memory_space<vmem>>, vector<1x16xf32>,
          %swap3A_1382 = vector.shape_cast %swap3A_1381 : vector<1x16xf32> to vector<16xf32>
          %swap3A_1383 = vector.shape_cast %mul3A_1378 : vector<16xf32> to vector<1x16xf32>
          tpu.vector_store %arg11[%swap3A_1379, %swap3A_1380], %swap3A_1383 {strides = array<i32>} : memref<80x128xf32, #tpu.memory_space<vmem>>, vector<1x16xf32>,
          %get3A_1384 = arith.index_cast %add3A_1361 : i32 to index
          %get3A_1385 = arith.constant 32 : index
          %get3A_1386 = tpu.vector_load %arg11[%get3A_1384, %get3A_1385] {strides = array<i32>} : memref<80x128xf32, #tpu.memory_space<vmem>>, vector<1x16xf32>,
          %get3A_1387 = vector.shape_cast %get3A_1386 : vector<1x16xf32> to vector<16xf32>
          %mul3A_1388 = vector.broadcast %squeeze3A_1357 : f32 to vector<16xf32>
          %mul3A_1389 = arith.mulf %get3A_1387, %mul3A_1388 : vector<16xf32>
          %swap3A_1390 = arith.index_cast %add3A_1361 : i32 to index
          %swap3A_1391 = arith.constant 32 : index
          %swap3A_1392 = tpu.vector_load %arg11[%swap3A_1390, %swap3A_1391] {strides = array<i32>} : memref<80x128xf32, #tpu.memory_space<vmem>>, vector<1x16xf32>,
          %swap3A_1393 = vector.shape_cast %swap3A_1392 : vector<1x16xf32> to vector<16xf32>
          %swap3A_1394 = vector.shape_cast %mul3A_1389 : vector<16xf32> to vector<1x16xf32>
          tpu.vector_store %arg11[%swap3A_1390, %swap3A_1391], %swap3A_1394 {strides = array<i32>} : memref<80x128xf32, #tpu.memory_space<vmem>>, vector<1x16xf32>,
          %get3A_1395 = arith.index_cast %add3A_1361 : i32 to index
          %get3A_1396 = arith.constant 48 : index
          %get3A_1397 = tpu.vector_load %arg11[%get3A_1395, %get3A_1396] {strides = array<i32>} : memref<80x128xf32, #tpu.memory_space<vmem>>, vector<1x16xf32>,
          %get3A_1398 = vector.shape_cast %get3A_1397 : vector<1x16xf32> to vector<16xf32>
          %mul3A_1399 = vector.broadcast %squeeze3A_1357 : f32 to vector<16xf32>
          %mul3A_1400 = arith.mulf %get3A_1398, %mul3A_1399 : vector<16xf32>
          %swap3A_1401 = arith.index_cast %add3A_1361 : i32 to index
          %swap3A_1402 = arith.constant 48 : index
          %swap3A_1403 = tpu.vector_load %arg11[%swap3A_1401, %swap3A_1402] {strides = array<i32>} : memref<80x128xf32, #tpu.memory_space<vmem>>, vector<1x16xf32>,
          %swap3A_1404 = vector.shape_cast %swap3A_1403 : vector<1x16xf32> to vector<16xf32>
          %swap3A_1405 = vector.shape_cast %mul3A_1400 : vector<16xf32> to vector<1x16xf32>
          tpu.vector_store %arg11[%swap3A_1401, %swap3A_1402], %swap3A_1405 {strides = array<i32>} : memref<80x128xf32, #tpu.memory_space<vmem>>, vector<1x16xf32>,
          %get3A_1406 = arith.index_cast %add3A_1361 : i32 to index
          %get3A_1407 = arith.constant 64 : index
          %get3A_1408 = tpu.vector_load %arg11[%get3A_1406, %get3A_1407] {strides = array<i32>} : memref<80x128xf32, #tpu.memory_space<vmem>>, vector<1x16xf32>,
          %get3A_1409 = vector.shape_cast %get3A_1408 : vector<1x16xf32> to vector<16xf32>
          %mul3A_1410 = vector.broadcast %squeeze3A_1357 : f32 to vector<16xf32>
          %mul3A_1411 = arith.mulf %get3A_1409, %mul3A_1410 : vector<16xf32>
          %swap3A_1412 = arith.index_cast %add3A_1361 : i32 to index
          %swap3A_1413 = arith.constant 64 : index
          %swap3A_1414 = tpu.vector_load %arg11[%swap3A_1412, %swap3A_1413] {strides = array<i32>} : memref<80x128xf32, #tpu.memory_space<vmem>>, vector<1x16xf32>,
          %swap3A_1415 = vector.shape_cast %swap3A_1414 : vector<1x16xf32> to vector<16xf32>
          %swap3A_1416 = vector.shape_cast %mul3A_1411 : vector<16xf32> to vector<1x16xf32>
          tpu.vector_store %arg11[%swap3A_1412, %swap3A_1413], %swap3A_1416 {strides = array<i32>} : memref<80x128xf32, #tpu.memory_space<vmem>>, vector<1x16xf32>,
          %get3A_1417 = arith.index_cast %add3A_1361 : i32 to index
          %get3A_1418 = arith.constant 80 : index
          %get3A_1419 = tpu.vector_load %arg11[%get3A_1417, %get3A_1418] {strides = array<i32>} : memref<80x128xf32, #tpu.memory_space<vmem>>, vector<1x16xf32>,
          %get3A_1420 = vector.shape_cast %get3A_1419 : vector<1x16xf32> to vector<16xf32>
          %mul3A_1421 = vector.broadcast %squeeze3A_1357 : f32 to vector<16xf32>
          %mul3A_1422 = arith.mulf %get3A_1420, %mul3A_1421 : vector<16xf32>
          %swap3A_1423 = arith.index_cast %add3A_1361 : i32 to index
          %swap3A_1424 = arith.constant 80 : index
          %swap3A_1425 = tpu.vector_load %arg11[%swap3A_1423, %swap3A_1424] {strides = array<i32>} : memref<80x128xf32, #tpu.memory_space<vmem>>, vector<1x16xf32>,
          %swap3A_1426 = vector.shape_cast %swap3A_1425 : vector<1x16xf32> to vector<16xf32>
          %swap3A_1427 = vector.shape_cast %mul3A_1422 : vector<16xf32> to vector<1x16xf32>
          tpu.vector_store %arg11[%swap3A_1423, %swap3A_1424], %swap3A_1427 {strides = array<i32>} : memref<80x128xf32, #tpu.memory_space<vmem>>, vector<1x16xf32>,
          %get3A_1428 = arith.index_cast %add3A_1361 : i32 to index
          %get3A_1429 = arith.constant 96 : index
          %get3A_1430 = tpu.vector_load %arg11[%get3A_1428, %get3A_1429] {strides = array<i32>} : memref<80x128xf32, #tpu.memory_space<vmem>>, vector<1x16xf32>,
          %get3A_1431 = vector.shape_cast %get3A_1430 : vector<1x16xf32> to vector<16xf32>
          %mul3A_1432 = vector.broadcast %squeeze3A_1357 : f32 to vector<16xf32>
          %mul3A_1433 = arith.mulf %get3A_1431, %mul3A_1432 : vector<16xf32>
          %swap3A_1434 = arith.index_cast %add3A_1361 : i32 to index
          %swap3A_1435 = arith.constant 96 : index
          %swap3A_1436 = tpu.vector_load %arg11[%swap3A_1434, %swap3A_1435] {strides = array<i32>} : memref<80x128xf32, #tpu.memory_space<vmem>>, vector<1x16xf32>,
          %swap3A_1437 = vector.shape_cast %swap3A_1436 : vector<1x16xf32> to vector<16xf32>
          %swap3A_1438 = vector.shape_cast %mul3A_1433 : vector<16xf32> to vector<1x16xf32>
          tpu.vector_store %arg11[%swap3A_1434, %swap3A_1435], %swap3A_1438 {strides = array<i32>} : memref<80x128xf32, #tpu.memory_space<vmem>>, vector<1x16xf32>,
          %get3A_1439 = arith.index_cast %add3A_1361 : i32 to index
          %get3A_1440 = arith.constant 112 : index
          %get3A_1441 = tpu.vector_load %arg11[%get3A_1439, %get3A_1440] {strides = array<i32>} : memref<80x128xf32, #tpu.memory_space<vmem>>, vector<1x16xf32>,
          %get3A_1442 = vector.shape_cast %get3A_1441 : vector<1x16xf32> to vector<16xf32>
          %mul3A_1443 = vector.broadcast %squeeze3A_1357 : f32 to vector<16xf32>
          %mul3A_1444 = arith.mulf %get3A_1442, %mul3A_1443 : vector<16xf32>
          %swap3A_1445 = arith.index_cast %add3A_1361 : i32 to index
          %swap3A_1446 = arith.constant 112 : index
          %swap3A_1447 = tpu.vector_load %arg11[%swap3A_1445, %swap3A_1446] {strides = array<i32>} : memref<80x128xf32, #tpu.memory_space<vmem>>, vector<1x16xf32>,
          %swap3A_1448 = vector.shape_cast %swap3A_1447 : vector<1x16xf32> to vector<16xf32>
          %swap3A_1449 = vector.shape_cast %mul3A_1444 : vector<16xf32> to vector<1x16xf32>
          tpu.vector_store %arg11[%swap3A_1445, %swap3A_1446], %swap3A_1449 {strides = array<i32>} : memref<80x128xf32, #tpu.memory_space<vmem>>, vector<1x16xf32>,
          %slice3A_1450 = vector.extract_strided_slice %get3A_42 {offsets = [15], sizes = [1], strides = [1]} : vector<16xf32> to vector<1xf32>
          %squeeze3A_1451 = vector.extract %slice3A_1450[0] : f32 from vector<1xf32>
          %mul3A_1452 = arith.constant 16 : i32
          %mul3A_1453 = arith.muli %scan3A_35, %mul3A_1452 : i32
          %add3A_1454 = arith.constant 15 : i32
          %add3A_1455 = arith.addi %mul3A_1453, %add3A_1454 : i32
          %get3A_1456 = arith.index_cast %add3A_1455 : i32 to index
          %get3A_1457 = arith.constant 0 : index
          %get3A_1458 = tpu.vector_load %arg11[%get3A_1456, %get3A_1457] {strides = array<i32>} : memref<80x128xf32, #tpu.memory_space<vmem>>, vector<1x16xf32>,
          %get3A_1459 = vector.shape_cast %get3A_1458 : vector<1x16xf32> to vector<16xf32>
          %mul3A_1460 = vector.broadcast %squeeze3A_1451 : f32 to vector<16xf32>
          %mul3A_1461 = arith.mulf %get3A_1459, %mul3A_1460 : vector<16xf32>
          %swap3A_1462 = arith.index_cast %add3A_1455 : i32 to index
          %swap3A_1463 = arith.constant 0 : index
          %swap3A_1464 = tpu.vector_load %arg11[%swap3A_1462, %swap3A_1463] {strides = array<i32>} : memref<80x128xf32, #tpu.memory_space<vmem>>, vector<1x16xf32>,
          %swap3A_1465 = vector.shape_cast %swap3A_1464 : vector<1x16xf32> to vector<16xf32>
          %swap3A_1466 = vector.shape_cast %mul3A_1461 : vector<16xf32> to vector<1x16xf32>
          tpu.vector_store %arg11[%swap3A_1462, %swap3A_1463], %swap3A_1466 {strides = array<i32>} : memref<80x128xf32, #tpu.memory_space<vmem>>, vector<1x16xf32>,
          %get3A_1467 = arith.index_cast %add3A_1455 : i32 to index
          %get3A_1468 = arith.constant 16 : index
          %get3A_1469 = tpu.vector_load %arg11[%get3A_1467, %get3A_1468] {strides = array<i32>} : memref<80x128xf32, #tpu.memory_space<vmem>>, vector<1x16xf32>,
          %get3A_1470 = vector.shape_cast %get3A_1469 : vector<1x16xf32> to vector<16xf32>
          %mul3A_1471 = vector.broadcast %squeeze3A_1451 : f32 to vector<16xf32>
          %mul3A_1472 = arith.mulf %get3A_1470, %mul3A_1471 : vector<16xf32>
          %swap3A_1473 = arith.index_cast %add3A_1455 : i32 to index
          %swap3A_1474 = arith.constant 16 : index
          %swap3A_1475 = tpu.vector_load %arg11[%swap3A_1473, %swap3A_1474] {strides = array<i32>} : memref<80x128xf32, #tpu.memory_space<vmem>>, vector<1x16xf32>,
          %swap3A_1476 = vector.shape_cast %swap3A_1475 : vector<1x16xf32> to vector<16xf32>
          %swap3A_1477 = vector.shape_cast %mul3A_1472 : vector<16xf32> to vector<1x16xf32>
          tpu.vector_store %arg11[%swap3A_1473, %swap3A_1474], %swap3A_1477 {strides = array<i32>} : memref<80x128xf32, #tpu.memory_space<vmem>>, vector<1x16xf32>,
          %get3A_1478 = arith.index_cast %add3A_1455 : i32 to index
          %get3A_1479 = arith.constant 32 : index
          %get3A_1480 = tpu.vector_load %arg11[%get3A_1478, %get3A_1479] {strides = array<i32>} : memref<80x128xf32, #tpu.memory_space<vmem>>, vector<1x16xf32>,
          %get3A_1481 = vector.shape_cast %get3A_1480 : vector<1x16xf32> to vector<16xf32>
          %mul3A_1482 = vector.broadcast %squeeze3A_1451 : f32 to vector<16xf32>
          %mul3A_1483 = arith.mulf %get3A_1481, %mul3A_1482 : vector<16xf32>
          %swap3A_1484 = arith.index_cast %add3A_1455 : i32 to index
          %swap3A_1485 = arith.constant 32 : index
          %swap3A_1486 = tpu.vector_load %arg11[%swap3A_1484, %swap3A_1485] {strides = array<i32>} : memref<80x128xf32, #tpu.memory_space<vmem>>, vector<1x16xf32>,
          %swap3A_1487 = vector.shape_cast %swap3A_1486 : vector<1x16xf32> to vector<16xf32>
          %swap3A_1488 = vector.shape_cast %mul3A_1483 : vector<16xf32> to vector<1x16xf32>
          tpu.vector_store %arg11[%swap3A_1484, %swap3A_1485], %swap3A_1488 {strides = array<i32>} : memref<80x128xf32, #tpu.memory_space<vmem>>, vector<1x16xf32>,
          %get3A_1489 = arith.index_cast %add3A_1455 : i32 to index
          %get3A_1490 = arith.constant 48 : index
          %get3A_1491 = tpu.vector_load %arg11[%get3A_1489, %get3A_1490] {strides = array<i32>} : memref<80x128xf32, #tpu.memory_space<vmem>>, vector<1x16xf32>,
          %get3A_1492 = vector.shape_cast %get3A_1491 : vector<1x16xf32> to vector<16xf32>
          %mul3A_1493 = vector.broadcast %squeeze3A_1451 : f32 to vector<16xf32>
          %mul3A_1494 = arith.mulf %get3A_1492, %mul3A_1493 : vector<16xf32>
          %swap3A_1495 = arith.index_cast %add3A_1455 : i32 to index
          %swap3A_1496 = arith.constant 48 : index
          %swap3A_1497 = tpu.vector_load %arg11[%swap3A_1495, %swap3A_1496] {strides = array<i32>} : memref<80x128xf32, #tpu.memory_space<vmem>>, vector<1x16xf32>,
          %swap3A_1498 = vector.shape_cast %swap3A_1497 : vector<1x16xf32> to vector<16xf32>
          %swap3A_1499 = vector.shape_cast %mul3A_1494 : vector<16xf32> to vector<1x16xf32>
          tpu.vector_store %arg11[%swap3A_1495, %swap3A_1496], %swap3A_1499 {strides = array<i32>} : memref<80x128xf32, #tpu.memory_space<vmem>>, vector<1x16xf32>,
          %get3A_1500 = arith.index_cast %add3A_1455 : i32 to index
          %get3A_1501 = arith.constant 64 : index
          %get3A_1502 = tpu.vector_load %arg11[%get3A_1500, %get3A_1501] {strides = array<i32>} : memref<80x128xf32, #tpu.memory_space<vmem>>, vector<1x16xf32>,
          %get3A_1503 = vector.shape_cast %get3A_1502 : vector<1x16xf32> to vector<16xf32>
          %mul3A_1504 = vector.broadcast %squeeze3A_1451 : f32 to vector<16xf32>
          %mul3A_1505 = arith.mulf %get3A_1503, %mul3A_1504 : vector<16xf32>
          %swap3A_1506 = arith.index_cast %add3A_1455 : i32 to index
          %swap3A_1507 = arith.constant 64 : index
          %swap3A_1508 = tpu.vector_load %arg11[%swap3A_1506, %swap3A_1507] {strides = array<i32>} : memref<80x128xf32, #tpu.memory_space<vmem>>, vector<1x16xf32>,
          %swap3A_1509 = vector.shape_cast %swap3A_1508 : vector<1x16xf32> to vector<16xf32>
          %swap3A_1510 = vector.shape_cast %mul3A_1505 : vector<16xf32> to vector<1x16xf32>
          tpu.vector_store %arg11[%swap3A_1506, %swap3A_1507], %swap3A_1510 {strides = array<i32>} : memref<80x128xf32, #tpu.memory_space<vmem>>, vector<1x16xf32>,
          %get3A_1511 = arith.index_cast %add3A_1455 : i32 to index
          %get3A_1512 = arith.constant 80 : index
          %get3A_1513 = tpu.vector_load %arg11[%get3A_1511, %get3A_1512] {strides = array<i32>} : memref<80x128xf32, #tpu.memory_space<vmem>>, vector<1x16xf32>,
          %get3A_1514 = vector.shape_cast %get3A_1513 : vector<1x16xf32> to vector<16xf32>
          %mul3A_1515 = vector.broadcast %squeeze3A_1451 : f32 to vector<16xf32>
          %mul3A_1516 = arith.mulf %get3A_1514, %mul3A_1515 : vector<16xf32>
          %swap3A_1517 = arith.index_cast %add3A_1455 : i32 to index
          %swap3A_1518 = arith.constant 80 : index
          %swap3A_1519 = tpu.vector_load %arg11[%swap3A_1517, %swap3A_1518] {strides = array<i32>} : memref<80x128xf32, #tpu.memory_space<vmem>>, vector<1x16xf32>,
          %swap3A_1520 = vector.shape_cast %swap3A_1519 : vector<1x16xf32> to vector<16xf32>
          %swap3A_1521 = vector.shape_cast %mul3A_1516 : vector<16xf32> to vector<1x16xf32>
          tpu.vector_store %arg11[%swap3A_1517, %swap3A_1518], %swap3A_1521 {strides = array<i32>} : memref<80x128xf32, #tpu.memory_space<vmem>>, vector<1x16xf32>,
          %get3A_1522 = arith.index_cast %add3A_1455 : i32 to index
          %get3A_1523 = arith.constant 96 : index
          %get3A_1524 = tpu.vector_load %arg11[%get3A_1522, %get3A_1523] {strides = array<i32>} : memref<80x128xf32, #tpu.memory_space<vmem>>, vector<1x16xf32>,
          %get3A_1525 = vector.shape_cast %get3A_1524 : vector<1x16xf32> to vector<16xf32>
          %mul3A_1526 = vector.broadcast %squeeze3A_1451 : f32 to vector<16xf32>
          %mul3A_1527 = arith.mulf %get3A_1525, %mul3A_1526 : vector<16xf32>
          %swap3A_1528 = arith.index_cast %add3A_1455 : i32 to index
          %swap3A_1529 = arith.constant 96 : index
          %swap3A_1530 = tpu.vector_load %arg11[%swap3A_1528, %swap3A_1529] {strides = array<i32>} : memref<80x128xf32, #tpu.memory_space<vmem>>, vector<1x16xf32>,
          %swap3A_1531 = vector.shape_cast %swap3A_1530 : vector<1x16xf32> to vector<16xf32>
          %swap3A_1532 = vector.shape_cast %mul3A_1527 : vector<16xf32> to vector<1x16xf32>
          tpu.vector_store %arg11[%swap3A_1528, %swap3A_1529], %swap3A_1532 {strides = array<i32>} : memref<80x128xf32, #tpu.memory_space<vmem>>, vector<1x16xf32>,
          %get3A_1533 = arith.index_cast %add3A_1455 : i32 to index
          %get3A_1534 = arith.constant 112 : index
          %get3A_1535 = tpu.vector_load %arg11[%get3A_1533, %get3A_1534] {strides = array<i32>} : memref<80x128xf32, #tpu.memory_space<vmem>>, vector<1x16xf32>,
          %get3A_1536 = vector.shape_cast %get3A_1535 : vector<1x16xf32> to vector<16xf32>
          %mul3A_1537 = vector.broadcast %squeeze3A_1451 : f32 to vector<16xf32>
          %mul3A_1538 = arith.mulf %get3A_1536, %mul3A_1537 : vector<16xf32>
          %swap3A_1539 = arith.index_cast %add3A_1455 : i32 to index
          %swap3A_1540 = arith.constant 112 : index
          %swap3A_1541 = tpu.vector_load %arg11[%swap3A_1539, %swap3A_1540] {strides = array<i32>} : memref<80x128xf32, #tpu.memory_space<vmem>>, vector<1x16xf32>,
          %swap3A_1542 = vector.shape_cast %swap3A_1541 : vector<1x16xf32> to vector<16xf32>
          %swap3A_1543 = vector.shape_cast %mul3A_1538 : vector<16xf32> to vector<1x16xf32>
          tpu.vector_store %arg11[%swap3A_1539, %swap3A_1540], %swap3A_1543 {strides = array<i32>} : memref<80x128xf32, #tpu.memory_space<vmem>>, vector<1x16xf32>,
        }
        %scan3A_34 = arith.constant 5 : i32
        "tpu.region"() ({
          %run_scoped3A = tpu.sem_alloc : memref<!tpu.dma_semaphore, #tpu.memory_space<semaphore_mem>>
          %dma_start3A_35 = arith.constant 0 : i32
          %dma_start3A_36 = tpu.memref_slice %arg9[%scan3A_18, %dma_start3A_35] : memref<25x80xi32, #tpu.memory_space<vmem>> -> memref<1x80xi32, #tpu.memory_space<vmem>>
          %dma_start3A_37 = tpu.memref_squeeze %dma_start3A_36 : memref<1x80xi32, #tpu.memory_space<vmem>> -> memref<80xi32, #tpu.memory_space<vmem>>
          %dma_start3A_38 = arith.constant 0 : i32
          %dma_start3A_39 = arith.constant 0 : i32
          %dma_start3A_40 = tpu.memref_slice %arg12[%dma_start3A_38, %dma_start3A_39] : memref<10112x128xf32, #tpu.memory_space<vmem_shared>> -> memref<10112x128xf32, #tpu.memory_space<vmem_shared>>
          tpu.enqueue_indirect_dma source(%arg11 : memref<80x128xf32, #tpu.memory_space<vmem>>) target(%dma_start3A_40 : memref<10112x128xf32, #tpu.memory_space<vmem_shared>>) offsets(%dma_start3A_37 : memref<80xi32, #tpu.memory_space<vmem>>) semaphore(%run_scoped3A : memref<!tpu.dma_semaphore, #tpu.memory_space<semaphore_mem>>) {add = true}
          %dma_wait3A_41 = arith.constant 0 : i32
          %dma_wait3A_42 = tpu.memref_slice %arg9[%scan3A_18, %dma_wait3A_41] : memref<25x80xi32, #tpu.memory_space<vmem>> -> memref<1x80xi32, #tpu.memory_space<vmem>>
          %dma_wait3A_43 = tpu.memref_squeeze %dma_wait3A_42 : memref<1x80xi32, #tpu.memory_space<vmem>> -> memref<80xi32, #tpu.memory_space<vmem>>
          %dma_wait3A_44 = arith.constant 0 : i32
          %dma_wait3A_45 = arith.constant 0 : i32
          %dma_wait3A_46 = tpu.memref_slice %arg12[%dma_wait3A_44, %dma_wait3A_45] : memref<10112x128xf32, #tpu.memory_space<vmem_shared>> -> memref<10112x128xf32, #tpu.memory_space<vmem_shared>>
          tpu.wait_indirect_dma semaphore(%run_scoped3A : memref<!tpu.dma_semaphore, #tpu.memory_space<semaphore_mem>>) src(%arg11 : memref<80x128xf32, #tpu.memory_space<vmem>>) dst(%dma_wait3A_46 : memref<10112x128xf32, #tpu.memory_space<vmem_shared>>)
          tpu.yield
        }) : () -> ()
      }
      %scan3A_17 = arith.constant 25 : i32
    }
    %scan3A_7 = arith.constant 5 : i32
    %barrier3A_8 = arith.constant 0 : index
    tpu.barrier barrier_id(%barrier3A_8)
    %mul3A_9 = arith.constant 632 : i32
    %mul3A_10 = arith.muli %arg1, %mul3A_9 : i32
    "tpu.region"() ({
      %run_scoped3A = tpu.sem_alloc : memref<!tpu.dma_semaphore, #tpu.memory_space<semaphore_mem>>
      %dma_start3A = arith.constant 0 : i32
      %dma_start3A_11 = tpu.memref_slice %arg7[%arg0, %mul3A_10, %dma_start3A] : memref<2x10112x128xf32, #tpu.memory_space<hbm>> -> memref<1x632x128xf32, #tpu.memory_space<hbm>>
      %dma_start3A_12 = tpu.memref_squeeze %dma_start3A_11 : memref<1x632x128xf32, #tpu.memory_space<hbm>> -> memref<632x128xf32, #tpu.memory_space<hbm>>
      %dma_start3A_13 = arith.constant 0 : i32
      %dma_start3A_14 = tpu.memref_slice %arg12[%mul3A_10, %dma_start3A_13] : memref<10112x128xf32, #tpu.memory_space<vmem_shared>> -> memref<632x128xf32, #tpu.memory_space<vmem_shared>>
      tpu.enqueue_dma source(%dma_start3A_14 : memref<632x128xf32, #tpu.memory_space<vmem_shared>>) target(%dma_start3A_12 : memref<632x128xf32, #tpu.memory_space<hbm>>) target_semaphore(%run_scoped3A : memref<!tpu.dma_semaphore, #tpu.memory_space<semaphore_mem>>)
      %dma_wait3A = arith.constant 0 : i32
      %dma_wait3A_15 = tpu.memref_slice %arg7[%arg0, %mul3A_10, %dma_wait3A] : memref<2x10112x128xf32, #tpu.memory_space<hbm>> -> memref<1x632x128xf32, #tpu.memory_space<hbm>>
      %dma_wait3A_16 = tpu.memref_squeeze %dma_wait3A_15 : memref<1x632x128xf32, #tpu.memory_space<hbm>> -> memref<632x128xf32, #tpu.memory_space<hbm>>
      %dma_wait3A_17 = arith.constant 0 : i32
      %dma_wait3A_18 = tpu.memref_slice %arg12[%mul3A_10, %dma_wait3A_17] : memref<10112x128xf32, #tpu.memory_space<vmem_shared>> -> memref<632x128xf32, #tpu.memory_space<vmem_shared>>
      tpu.wait_dma2 semaphore(%run_scoped3A : memref<!tpu.dma_semaphore, #tpu.memory_space<semaphore_mem>>) src(%dma_wait3A_18 : memref<632x128xf32, #tpu.memory_space<vmem_shared>>) dst(%dma_wait3A_16 : memref<632x128xf32, #tpu.memory_space<hbm>>)
      tpu.yield
    }) : () -> ()
    return
  }
}

module attributes {stable_mosaic.version = 14 : i64} {
  func.func @_mm_body(%arg0: i32, %arg1: memref<2000x128xf32, #tpu.memory_space<vmem>>, %arg2: memref<128x128xf32, #tpu.memory_space<vmem>>, %arg3: memref<2000x128xf32, #tpu.memory_space<vmem>>) attributes {dimension_semantics = [#tpu.dimension_semantics<arbitrary>], iteration_bounds = array<i64: 5>, scalar_prefetch = 0 : i64, scratch_operands = 0 : i64, tpu.core_type = #tpu.core_type<tc>, window_params = [{transform_indices = @transform_0, window_bounds = array<i64: 2000, 128>}, {pipeline_mode = #tpu.pipeline_mode<synchronous>, transform_indices = @transform_1, window_bounds = array<i64: 128, 128>}, {transform_indices = @transform_2, window_bounds = array<i64: 2000, 128>}]} {
    %get3A = arith.constant 0 : index
    %get3A_0 = arith.constant 0 : index
    %get3A_1 = vector.load %arg1[%get3A, %get3A_0] : memref<2000x128xf32, #tpu.memory_space<vmem>>, vector<2000x128xf32>
    %get3A_2 = arith.constant 0 : index
    %get3A_3 = arith.constant 0 : index
    %get3A_4 = vector.load %arg2[%get3A_2, %get3A_3] : memref<128x128xf32, #tpu.memory_space<vmem>>, vector<128x128xf32>
    %dot_general3A = arith.constant dense<0.000000e+00> : vector<2000x128xf32>
    %dot_general3A_5 = tpu.matmul %get3A_1, %get3A_4, %dot_general3A {dimension_numbers = #tpu.dot_dimension_numbers<[1], [0], [0], [1], [0, 0, 1, 1], [], []>, transpose_lhs_hint = false} : vector<2000x128xf32>, vector<128x128xf32>, vector<2000x128xf32> -> vector<2000x128xf32>
    %swap3A = arith.constant 0 : index
    %swap3A_6 = arith.constant 0 : index
    %swap3A_7 = vector.load %arg3[%swap3A, %swap3A_6] : memref<2000x128xf32, #tpu.memory_space<vmem>>, vector<2000x128xf32>
    tpu.vector_store %arg3[%swap3A, %swap3A_6], %dot_general3A_5 {strides = array<i32>} : memref<2000x128xf32, #tpu.memory_space<vmem>>, vector<2000x128xf32>,
    return
  }
  func.func @transform_0(%arg0: i32) -> (i32, i32) {
    %c0_i32 = arith.constant 0 : i32
    %c0_i32_0 = arith.constant 0 : i32
    return %arg0, %c0_i32 : i32, i32
  }
  func.func @transform_1(%arg0: i32) -> (i32, i32) {
    %c0_i32 = arith.constant 0 : i32
    %c0_i32_0 = arith.constant 0 : i32
    %c0_i32_1 = arith.constant 0 : i32
    return %c0_i32, %c0_i32_0 : i32, i32
  }
  func.func @transform_2(%arg0: i32) -> (i32, i32) {
    %c0_i32 = arith.constant 0 : i32
    %c0_i32_0 = arith.constant 0 : i32
    return %arg0, %c0_i32 : i32, i32
  }
}

module attributes {stable_mosaic.version = 14 : i64} {
  func.func @_prelu_body(%arg0: i32, %arg1: memref<1x1xf32, #tpu.memory_space<smem>>, %arg2: memref<2x2000x128xf32, #tpu.memory_space<vmem>>, %arg3: memref<2000x128xf32, #tpu.memory_space<vmem>>) attributes {dimension_semantics = [#tpu.dimension_semantics<arbitrary>], iteration_bounds = array<i64: 5>, scalar_prefetch = 0 : i64, scratch_operands = 0 : i64, tpu.core_type = #tpu.core_type<tc>, window_params = [{transform_indices = @transform_0, window_bounds = array<i64: 1, 1>}, {transform_indices = @transform_1, window_bounds = array<i64: 2, 2000, 128>}, {transform_indices = @transform_2, window_bounds = array<i64: 2000, 128>}]} {
    %get3A = arith.constant 0 : index
    %get3A_0 = arith.constant 0 : index
    %get3A_1 = memref.load %arg1[%get3A, %get3A_0] : memref<1x1xf32, #tpu.memory_space<smem>>
    %get3A_2 = arith.constant 0 : index
    %get3A_3 = arith.constant 0 : index
    %get3A_4 = arith.constant 0 : index
    %get3A_5 = vector.load %arg2[%get3A_2, %get3A_3, %get3A_4] : memref<2x2000x128xf32, #tpu.memory_space<vmem>>, vector<1x2000x128xf32>
    %get3A_6 = vector.shape_cast %get3A_5 : vector<1x2000x128xf32> to vector<2000x128xf32>
    %get3A_7 = arith.constant 1 : index
    %get3A_8 = arith.constant 0 : index
    %get3A_9 = arith.constant 0 : index
    %get3A_10 = vector.load %arg2[%get3A_7, %get3A_8, %get3A_9] : memref<2x2000x128xf32, #tpu.memory_space<vmem>>, vector<1x2000x128xf32>
    %get3A_11 = vector.shape_cast %get3A_10 : vector<1x2000x128xf32> to vector<2000x128xf32>
    %add3A = arith.addf %get3A_6, %get3A_11 : vector<2000x128xf32>
    %ge3A = arith.constant 0.000000e+00 : f32
    %ge3A_12 = vector.broadcast %ge3A : f32 to vector<2000x128xf32>
    %ge3A_13 = arith.cmpf oge, %add3A, %ge3A_12 : vector<2000x128xf32>
    %mul3A = vector.broadcast %get3A_1 : f32 to vector<2000x128xf32>
    %mul3A_14 = arith.mulf %mul3A, %add3A : vector<2000x128xf32>
    %select_n3A = arith.select %ge3A_13, %add3A, %mul3A_14 : vector<2000x128xi1>, vector<2000x128xf32>
    %swap3A = arith.constant 0 : index
    %swap3A_15 = arith.constant 0 : index
    %swap3A_16 = vector.load %arg3[%swap3A, %swap3A_15] : memref<2000x128xf32, #tpu.memory_space<vmem>>, vector<2000x128xf32>
    tpu.vector_store %arg3[%swap3A, %swap3A_15], %select_n3A {strides = array<i32>} : memref<2000x128xf32, #tpu.memory_space<vmem>>, vector<2000x128xf32>,
    return
  }
  func.func @transform_0(%arg0: i32) -> (i32, i32) {
    %c0_i32 = arith.constant 0 : i32
    %c0_i32_0 = arith.constant 0 : i32
    %c0_i32_1 = arith.constant 0 : i32
    return %c0_i32, %c0_i32_0 : i32, i32
  }
  func.func @transform_1(%arg0: i32) -> (i32, i32, i32) {
    %c0_i32 = arith.constant 0 : i32
    %c0_i32_0 = arith.constant 0 : i32
    %c0_i32_1 = arith.constant 0 : i32
    return %c0_i32, %arg0, %c0_i32_0 : i32, i32, i32
  }
  func.func @transform_2(%arg0: i32) -> (i32, i32) {
    %c0_i32 = arith.constant 0 : i32
    %c0_i32_0 = arith.constant 0 : i32
    return %arg0, %c0_i32 : i32, i32
  }
}

</mosaic_0001>

<sc_bundles>
// kernel: kernel.5.cloned.1.call-start
scs
__scs_entry_jumppad:
0x0: {  	(pc) =	sbr.rel $0x88, $3  }
0x1: {  	(tag) =	ssettag $0x0;
	lr =	simm.s32 $0x1  }
0x2: {  	[smem:$0x3F9C] =	sst lr;
	_ =	strace $0xD0000000  }
0x3: {  	_ = 	snop  }
0x4: {  	_ = 	snop  }
0x5: {  	_ = 	snop  }
0x6: {  	_ = 	snop  }
0x7: {  	_ = 	snop  }
__scs_overlays_trampoline_lowered:
0x8: {  	[smem:$0x3FAB] =	sst s0  }
0x9: {  	[smem:$0x3FAC] =	sst s1  }
0xa: {  	[smem:$0x3FAD] =	sst s2  }
0xb: {  	[smem:$0x3FAE] =	sst s3  }
0xc: {  	[smem:$0x3FAF] =	sst s4  }
0xd: {  	[smem:$0x3FB0] =	sst s5  }
0xe: {  	[smem:$0x3FB1] =	sst s6  }
0xf: {  	[smem:$0x3FB2] =	sst s7  }
0x10: {  	[smem:$0x3FB3] =	sst s8  }
0x11: {  	[smem:$0x3FB4] =	sst s9;
	s0 =	simm.s32 @!p0 $0x0  }
0x12: {  	s1 =	sld [smem:$0x3F9A];
	s0 =	simm.s32 @p0 $0x1  }
0x13: {  	[smem:$0x3FB5] =	sst s0;
	s0 =	simm.s32 @!p1 $0x0  }
0x14: {  	s2 =	sld [smem:$0x3F99];
	s0 =	simm.s32 @p1 $0x1  }
0x15: {  	[smem:$0x3FB6] =	sst s0;
	s0 =	simm.s32 @!p2 $0x0  }
0x16: {  	s3 =	sld [smem:$0x3FDB];
	s0 =	simm.s32 @p2 $0x1  }
0x17: {  	s4 =	simm.s32 $0x1BF5;
	[smem:$0x3FB8] =	sst s0  }
0x18: {  	s0 =	sld [smem:$0x3F9B];
	_ =	swait.ge [sflag:s4], $0x0  }
0x19: {  	s7 =	sld [smem:$0x3F9C]  }
0x1a: {  	s8 =	sadd.s32 $0xFFFFE003, lr  }
0x1b: {  	s9 =	sadd.s32 $0xFFFFFEF7, lr;
	s5 =	simm.s32 $0xFFFFFFFF;
	p2 =	slt.u32 s8, $0xFFFFF086  }
0x1c: {  	p1 =	slt.u32 s9, $0xF7A;
	s5 =	simm.s32 @!p2 $0x0  }
0x1d: {  	s5 =	simm.s32 @p1 $0x1;
	p0 =	seq.s32 s7, s2  }
0x1e: {  	s7 =	smul.u32 @!p0 $0xF7A, s2;
	p2 =	seq.s32 @!p0 s5, $0x0  }
0x1f: {  	s9 =	smul.u32 $0xF7A, s1;
	s8 =	simm.s32 @!p0 $0x1BF5;
	p2 =	por !p2, p0  }
0x20: {  	[sflag:s8] =	ssyncset.s32 @!p0 $0xFFFFF086;
	s6 =	sadd.s32 @!p0 s3, s7;
	s7 =	simm.s32 @!p0 $0x108  }
0x21: {  	s3 =	sadd.s32 s3, s9;
	s6 =	sadd.s32 @!p0 $0x88, s6;
	s7 =	simm.s32 @p2 $0x1082  }
0x22: {  	[simem:s7], [sflag:s8] =	dma.local @!p0 [hbm:s6], $0xF7A  }
0x23: {  	s9 =	sor.u32 $0xD0000000, s2;
	s6 =	simm.s32 $0x108;
	_ =	swait.ge @!p0 [sflag:s8], $0x0  }
0x24: {  	s3 =	sadd.s32 $0x88, s3;
	s6 =	simm.s32 @!p1 $0x1082;
	[sflag:s4] =	ssyncset.s32 $0xFFFFF086  }
0x25: {  	[simem:s6], [sflag:s4] =	dma.local [hbm:s3], $0xF7A  }
0x26: {  	[smem:$0x3F9C] =	sst s1;
	(tag) =	ssettag s2;
	_ =	strace s9  }
0x27: {  	s1 =	sld [smem:$0x3FAC]  }
0x28: {  	s2 =	sld [smem:$0x3FAD]  }
0x29: {  	s4 =	sld [smem:$0x3FAF]  }
0x2a: {  	p0 =	seq.s32 s5, $0x0;
	s5 =	sld [smem:$0x3FB0]  }
0x2b: {  	s6 =	sld [smem:$0x3FB1]  }
0x2c: {  	s7 =	sld [smem:$0x3FB2]  }
0x2d: {  	s3 =	simm.s32 $0x108;
	s8 =	sld [smem:$0x3FB3]  }
0x2e: {  	s3 =	simm.s32 @!p0 $0x1082;
	s9 =	sld [smem:$0x3FB4]  }
0x2f: {  	lr =	sadd.s32 s0, s3;
	s0 =	sld [smem:$0x3FAB]  }
0x30: {  	s3 =	sld [smem:$0x3FAE]  }
0x31: {  	[smem:$0x3FB7] =	sst s10  }
0x32: {  	s10 =	sld [smem:$0x3FB5];
	_ =	sdelay $0x3  }
0x33: {  	p0 =	seq.s32 s10, $0x1;
	s10 =	sld [smem:$0x3FB7];
	_ =	sdelay $0x3  }
0x34: {  	[smem:$0x3FB7] =	sst s10  }
0x35: {  	s10 =	sld [smem:$0x3FB6];
	_ =	sdelay $0x3  }
0x36: {  	p1 =	seq.s32 s10, $0x1;
	s10 =	sld [smem:$0x3FB7];
	_ =	sdelay $0x3  }
0x37: {  	[smem:$0x3FB7] =	sst s10  }
0x38: {  	s10 =	sld [smem:$0x3FB8]  }
0x39: {  	_ = 	snop;
	(pc) =	sbr.ind lr, $3  }
0x3a: {  	_ = 	snop  }
0x3b: {  	_ = 	snop  }
0x3c: {  	p2 =	seq.s32 s10, $0x1;
	s10 =	sld [smem:$0x3FB7]  }
0x3d: {  	_ =	shalt  }
0x3e: {  	_ =	shalt  }
0x3f: {  	_ =	shalt  }
0x40: {  	_ =	shalt  }
0x41: {  	_ =	shalt  }
0x42: {  	_ =	shalt  }
0x43: {  	_ =	shalt  }
0x44: {  	_ =	shalt  }
0x45: {  	_ =	shalt  }
0x46: {  	_ =	shalt  }
0x47: {  	_ =	shalt  }
0x48: {  	_ =	shalt  }
0x49: {  	_ =	shalt  }
0x4a: {  	_ =	shalt  }
0x4b: {  	_ =	shalt  }
0x4c: {  	_ =	shalt  }
0x4d: {  	_ =	shalt  }
0x4e: {  	_ =	shalt  }
0x4f: {  	_ =	shalt  }
0x50: {  	_ =	shalt  }
0x51: {  	_ =	shalt  }
0x52: {  	_ =	shalt  }
0x53: {  	_ =	shalt  }
0x54: {  	_ =	shalt  }
0x55: {  	_ =	shalt  }
0x56: {  	_ =	shalt  }
0x57: {  	_ =	shalt  }
0x58: {  	_ =	shalt  }
0x59: {  	_ =	shalt  }
0x5a: {  	_ =	shalt  }
0x5b: {  	_ =	shalt  }
0x5c: {  	_ =	shalt  }
0x5d: {  	_ =	shalt  }
0x5e: {  	_ =	shalt  }
0x5f: {  	_ =	shalt  }
0x60: {  	_ =	shalt  }
0x61: {  	_ =	shalt  }
0x62: {  	_ =	shalt  }
0x63: {  	_ =	shalt  }
0x64: {  	_ =	shalt  }
0x65: {  	_ =	shalt  }
0x66: {  	_ =	shalt  }
0x67: {  	_ =	shalt  }
0x68: {  	_ =	shalt  }
0x69: {  	_ =	shalt  }
0x6a: {  	_ =	shalt  }
0x6b: {  	_ =	shalt  }
0x6c: {  	_ =	shalt  }
0x6d: {  	_ =	shalt  }
0x6e: {  	_ =	shalt  }
0x6f: {  	_ =	shalt  }
0x70: {  	_ =	shalt  }
0x71: {  	_ =	shalt  }
0x72: {  	_ =	shalt  }
0x73: {  	_ =	shalt  }
0x74: {  	_ =	shalt  }
0x75: {  	_ =	shalt  }
0x76: {  	_ =	shalt  }
0x77: {  	_ =	shalt  }
0x78: {  	_ =	shalt  }
0x79: {  	_ =	shalt  }
0x7a: {  	_ =	shalt  }
0x7b: {  	_ =	shalt  }
0x7c: {  	_ =	shalt  }
0x7d: {  	_ =	shalt  }
0x7e: {  	_ =	shalt  }
0x7f: {  	_ =	shalt  }
0x80: {  	_ =	shalt  }
0x81: {  	_ =	shalt  }
0x82: {  	_ =	shalt  }
0x83: {  	_ =	shalt  }
0x84: {  	_ =	shalt  }
0x85: {  	_ =	shalt  }
0x86: {  	_ =	shalt  }
0x87: {  	_ =	shalt  }
.Lfunc_end0:
.L_simem_size_0:
called_computation_lowered:
.L_overlay_start_0:
0x88: {  	s2 =	sld [smem:$0x3FD9]  }
0x89: {  	s3 =	sld [smem:$0x3FFE];
	_ =	sdelay $0x1  }
0x8a: {  	s1 =	srdreg.scid  }
0x8b: {  	s0 =	sand.u32 $0x1, s1  }
0x8c: {  	s17 =	sshll.u32 s0, $0xA;
	s2 =	sadd.s32 s3, s2  }
0x8d: {  	s2 =	sadd.s32 s2, s17  }
0x8e: {  	[smem:$0x3FC3] =	sst s2  }
0x8f: {  	_ = 	snop  }
0x90: {  	s2 =	sld [smem:$0x3FD0];
	(tm) =	ssettm $0x1  }
0x91: {  	s18 =	sld [smem:$0x3FFB];
	_ =	sdelay $0x3  }
0x92: {  	_ =	strace s18  }
0x93: {  	s3 =	sld [smem:$0x3FFC];
	_ =	sdelay $0x3  }
0x94: {  	_ =	strace s3  }
0x95: {  	s3 =	sld [smem:$0x3FFD];
	_ =	sdelay $0x3  }
0x96: {  	_ =	strace s3  }
0x97: {  	_ =	strace $0x8FFFFFFF  }
0x98: {  	s19 =	sld [smem:$0x3FDB];
	_ =	sdelay $0x1  }
0x99: {  	s4 =	simm.s32 $_scs_section_size  }
0x9a: {  	s5 =	simm.s32 $_size__tile_overlayer_lowered;
	s6 =	simm.s32 $_tile_overlayer_lowered  }
0x9b: {  	s22 =	simm.s32 $0x1BFF;
	s21 =	sshll.u32 s6, $0x1;
	s3 =	sadd.s32 s4, s19  }
0x9c: {  	s7 =	simm.s32 $0x0;
	s20 =	sshll.u32 s5, $0x1;
	s5 =	sadd.s32 s21, s3  }
0x9d: {  	[timem:s7], [sflag:s22] =	dma.local [hbm:s5], s20  }
0x9e: {  	_ =	swait.ge [sflag:s22], s20  }
0x9f: {  	s4 =	ssub.s32 $0x0, s20;
	[sflag:s22] =	ssyncset.done $0x0  }
0xa0: {  	[sflag:s22] =	ssyncadd.s32 s4;
	_ =	sdelay $0x1  }
0xa1: {  	s23 =	simm.s32 $0x1B8B  }
0xa2: {  	_ =	swait.ge [sflag:s23], $0x1  }
0xa3: {  	[sflag:s23] =	ssyncset.done $0x0  }
0xa4: {  	s25 =	simm.s32 $0x1B8E;
	s24 =	sld [smem:$0x3FFE];
	[sflag:s23] =	ssyncadd.s32 $0xFFFFFFFF  }
0xa5: {  	s26 =	simm.s32 $execute0_lowered;
	[smem:$0x3FD2] =	sst s25  }
0xa6: {  	s5 =	sshll.u32 s26, $0x1;
	_ =	strace $0x80000046;
	[dreg:$0x1] =	wrdreg $0xFFFFFFFF  }
0xa7: {  	s28 =	simm.s32 $_size_execute0_lowered;
	s3 =	sadd.s32 s3, s5;
	[dreg:$0x0] =	wrdreg $0x0  }
0xa8: {  	s5 =	sshll.u32 s28, $0x1;
	[dreg:$0x2] =	wrdreg s3  }
0xa9: {  	[dreg:$0x3] =	wrdreg s5  }
0xaa: {  	[dreg:$0x4] =	wrdreg $0xC0  }
0xab: {  	_ =	task [dreg:s7], $0x5FFFF  }
0xac: {  	[dreg:$0x1] =	wrdreg $0xFFFFFFFF  }
0xad: {  	[dreg:$0x0] =	wrdreg $0x60  }
0xae: {  	[dreg:$0x2] =	wrdreg s2  }
0xaf: {  	[dreg:$0x3] =	wrdreg s24  }
0xb0: {  	[dreg:$0x4] =	wrdreg $0x50000  }
0xb1: {  	[dreg:$0x5] =	wrdreg $0x9  }
0xb2: {  	_ =	task.clear_ibuf [dreg:s7], $0x6FFFF;
	_ =	strace $0x90000046  }
0xb3: {  	s29 =	simm.s32 $0x9;
	_ =	strace $0x80000048  }
0xb4: {  	_ =	swait.ge [sflag:s29], $0x1  }
0xb5: {  	[sflag:s29] =	ssyncadd.s32 $0xFFFFFFFF  }
0xb6: {  	_ =	strace $0x90000048  }
0xb7: {  	_ =	sfence  }
0xb8: {  	s30 =	sld [smem:$0x0];
	_ =	sdelay $0x2  }
0xb9: {  	s31 =	sshll.u32 s1, $0xD;
	s1 =	sshrl.u32 s1, $0x2  }
0xba: {  	s3 =	sand.u32 $0x4000, s31;
	s1 =	sadd.s32 s1, s30  }
0xbb: {  	s0 =	sor.u32 s3, s0;
	s1 =	sshll.u32 s1, $0x11  }
0xbc: {  	s0 =	sor.u32 s1, s0  }
0xbd: {  	s0 =	sadd.s32 $0x8F2B, s0  }
0xbe: {  	[sflag:s0] =	ssyncadd.remote.s32 $0x1  }
0xbf: {  	_ =	sfence.sel $0xFFFF  }
0xc0: {  	[dreg:$0x0] =	wrdreg $0xFFFFFFFF;
	(pc) =	sbr.abs _section_cstart, $3  }
0xc1: {  	[dreg:$0x1] =	wrdreg $0xFFFFFFFF  }
0xc2: {  	_ =	task.clear_ibuf [dreg:s7], $0x2FFFF;
	_ =	strace $0x9FFFFFFF  }
0xc3: {  	(tm) =	ssettm $0x7FFFFFFF  }
tec
execute0_lowered:
.L_overlay_start_1:
0x0: {  	(tag) =	ssettag $0x1  }
0x1: {  	s1 =	rddreg [dreg:$0x0]  }
0x2: {  	s8 =	rddreg [dreg:$0x1]  }
0x3: {  	s2 =	rddreg [dreg:$0x2];
	s3 =	srdreg.scid  }
0x4: {  	s0 =	rddreg [dreg:$0x3];
	s4 =	simm.s32 $0x0;
	s16 =	simm.s32 $0x80  }
0x5: {  	s17 =	simm.s32 $0x400;
	s18 =	simm.s32 $0x2000;
	s19 =	simm.s32 $0x50  }
0x6: {  	s20 =	simm.s32 $0x2800;
	s7 =	sand.u32 $0x1, s3;
	s3 =	stileid.u32  }
0x7: {  	s21 =	simm.s32 $0x1;
	[smem:$0x7FF] =	sst s4;
	s9 =	smul.u32 $0x13C000, s7  }
0x8: {  	s6 =	sadd.s32 $0xC00, s8;
	s5 =	sshll.u32 s7, $0x4;
	s11 =	smul.u32 $0x13C00, s3  }
0x9: {  	_ =	strace $0x80000047;
	s28 =	ssub.s32 $0x2, s7;
	s13 =	smul.u32 $0x4F000, s3  }
0xa: {  	s7 =	sadd.s32 $0x38C00, s8;
	s31 =	sshll.u32 s3, $0x6;
	s10 =	sor.u32 s3, s5  }
0xb: {  	s5 =	sadd.s32 $0x14C00, s8;
	s29 =	sshrl.u32 s28, $0x1;
	s12 =	sshll.u32 s10, $0xB  }
0xc: {  	s9 =	sadd.s32 s11, s9;
	s15 =	ssub.s32 s28, s29;
	s30 =	sshrl.u32 s13, $0x2  }
0xd: {  	s12 =	sadd.s32 s12, s8;
	s9 =	sshrl.u32 s9, $0x3;
	s13 =	sadd.s32 s30, s2  }
0xe: {  	s14 =	sadd.s32 s9, s8;
	s8 =	sor.u32 $0x1C02, s31;
	s9 =	smul.u32 $0x5000, s10  }
0xf: {  	s10 =	sadd.s32 $0x28C00, s12;
	s12 =	smax.u32 s15, $0x1;
	s13 =	sshrl.u32 s13, $0x3  }
0x10: {  	s15 =	simm.s32 $0x1000;
	s11 =	sadd.s32 $0x3B400, s14;
	s14 =	simm.s32 $0x2  }
.LBB2_1:
0x11: {  	[spmem:s13], [sflag:s8] =	dma.local [hbm:s7], $0x2780  }
0x12: {  	_ =	swait.ge [sflag:s14], $0x2780  }
0x13: {  	[sflag:s14] =	ssyncset.done $0x0  }
0x14: {  	[sflag:s14] =	ssyncadd.s32 $0xFFFFD880  }
0x15: {  	s22 =	simm.s32 $0x0;
	[bflag:$0x0] =	sbarrier.arrive $0xFFFF  }
.LBB2_2:
0x16: {  	s23 =	sshll.u32 s22, $0xC  }
0x17: {  	s23 =	sadd.s32 s9, s23  }
0x18: {  	s24 =	sshrl.u32 s23, $0x3  }
0x19: {  	s23 =	simm.s32 $0x0;
	s25 =	sadd.s32 s5, s24  }
0x1a: {  	[tilespmem:s23], [sflag:$0x2] =	stream.linear.gather [hbm4b:s25+s23], $0xC80, $0x38;
	[tilespmem:$0x18C00] =	vst v63  }
0x1b: {  	_ =	swait.ge [sflag:s14], $0xC80  }
0x1c: {  	[sflag:s14] =	ssyncset.done $0x0  }
0x1d: {  	s24 =	sadd.s32 s6, s24;
	[sflag:s14] =	ssyncadd.s32 $0xFFFFF380  }
0x1e: {  	[tilespmem:s15], [sflag:$0x2] =	stream.linear.gather [hbm4b:s24+s23], $0xC80, $0x38;
	[tilespmem:$0x18C00] =	vst v63  }
0x1f: {  	_ =	swait.ge [sflag:s14], $0xC80  }
0x20: {  	s31 =	sshll.u32 s22, $0x4;
	[sflag:s14] =	ssyncset.done $0x0  }
0x21: {  	s24 =	sadd.s32 s31, s10;
	[sflag:s14] =	ssyncadd.s32 $0xFFFFF380  }
0x22: {  	[tilespmem:s18], [sflag:$0x2] =	stream.strided.gather [hbm4b:s24+s16], $0x800, s17, s16, $0x38;
	[tilespmem:$0x18C00] =	vst v63  }
0x23: {  	_ =	swait.ge [sflag:s14], $0x800  }
0x24: {  	[sflag:s14] =	ssyncset.done $0x0  }
0x25: {  	[sflag:s14] =	ssyncadd.s32 $0xFFFFF800  }
.LBB2_3:
0x26: {  	s24 =	smul.u32 $0x140, s23;
	_ =	sdelay $0x1  }
0x27: {  	s24 =	sshra.s32 s24, $0x2  }
0x28: {  	s25 =	sadd.s32 $0x2000, s24  }
0x29: {  	s24 =	sshll.u32 s23, $0x7;
	v0 =	vmov s25  }
0x2a: {  	[tilespmem:s20], [sflag:$0x1] =	stream.indirect.gather [hbm4b:s1+s19], $0x80, s24, s19, $0xb8;
	[tilespmem:$0x18C00] =	vst v63  }
0x2b: {  	_ =	swait.ge [sflag:s21], $0x2800  }
0x2c: {  	s31 =	simm.s32 $0x0;
	[sflag:s21] =	ssyncset.done $0x0  }
0x2d: {  	s25 =	sand.u32 $0x3FFFFFF0, s31;
	[sflag:s21] =	ssyncadd.s32 $0xFFFFD800  }
0x2e: {  	s26 =	simm.s32 $0x0;
	v1 =	vld.idx.msk [tilespmem:v0+s25+$0x0 ss:$0x1], $0xffff  }
0x2f: {  	s25 =	sand.u32 $0x3FFFF800, s26  }
0x30: {  	v3 =	vld [tilespmem:s25+$0x2820]  }
0x31: {  	v4 =	vld [tilespmem:s25+$0x2830]  }
0x32: {  	v10 =	vld [tilespmem:s25+$0x2860]  }
0x33: {  	v11 =	vld [tilespmem:s25+$0x2870];
	v2 =	vbroadcast v1, $0x0  }
0x34: {  	v12 =	vld [tilespmem:s25+$0x2880]  }
0x35: {  	v13 =	vld [tilespmem:s25+$0x2890];
	v3 =	vmul.f32 v3, v2  }
0x36: {  	v14 =	vld [tilespmem:s25+$0x28A0];
	v4 =	vmul.f32 v4, v2  }
0x37: {  	v9 =	vld [tilespmem:s25+$0x28B0];
	v23 =	vbroadcast v1, $0x1;
	v22 =	vmul.f32 v10, v2;
	[tilespmem:s25+$0x2820] =	vst v3  }
0x38: {  	v7 =	vld [tilespmem:s25+$0x28C0];
	v11 =	vmul.f32 v11, v2;
	[tilespmem:s25+$0x2830] =	vst v4  }
0x39: {  	v8 =	vld [tilespmem:s25+$0x28D0];
	v12 =	vmul.f32 v12, v23;
	[tilespmem:s25+$0x2860] =	vst v22  }
0x3a: {  	v25 =	vld [tilespmem:s25+$0x28F0];
	v13 =	vmul.f32 v13, v23;
	[tilespmem:s25+$0x2870] =	vst v11  }
0x3b: {  	v26 =	vld [tilespmem:s25+$0x2900];
	v14 =	vmul.f32 v14, v23;
	[tilespmem:s25+$0x2880] =	vst v12  }
0x3c: {  	v27 =	vld [tilespmem:s25+$0x2910];
	v9 =	vmul.f32 v9, v23;
	[tilespmem:s25+$0x2890] =	vst v13  }
0x3d: {  	v6 =	vld [tilespmem:s25+$0x2D70];
	v7 =	vmul.f32 v7, v23;
	[tilespmem:s25+$0x28A0] =	vst v14  }
0x3e: {  	v24 =	vld [tilespmem:s25+$0x28E0];
	v15 =	vbroadcast v1, $0x2;
	v8 =	vmul.f32 v8, v23;
	[tilespmem:s25+$0x28B0] =	vst v9  }
0x3f: {  	v28 =	vld [tilespmem:s25+$0x2920];
	v10 =	vmul.f32 v25, v23;
	[tilespmem:s25+$0x28C0] =	vst v7  }
0x40: {  	v29 =	vld [tilespmem:s25+$0x2930];
	v5 =	vbroadcast v1, $0xA;
	v32 =	vmul.f32 v26, v15;
	[tilespmem:s25+$0x28D0] =	vst v8  }
0x41: {  	v30 =	vld [tilespmem:s25+$0x2940];
	v34 =	vmul.f32 v27, v15;
	[tilespmem:s25+$0x28F0] =	vst v10  }
0x42: {  	v33 =	vld [tilespmem:s25+$0x2960];
	v3 =	vmul.f32 v6, v5;
	[tilespmem:s25+$0x2900] =	vst v32  }
0x43: {  	v35 =	vld [tilespmem:s25+$0x2970];
	v11 =	vmul.f32 v24, v23;
	[tilespmem:s25+$0x2910] =	vst v34  }
0x44: {  	v36 =	vld [tilespmem:s25+$0x2980];
	v9 =	vmul.f32 v28, v15;
	[tilespmem:s25+$0x2D70] =	vst v3  }
0x45: {  	v31 =	vld [tilespmem:s25+$0x2950];
	v7 =	vmul.f32 v29, v15;
	[tilespmem:s25+$0x28E0] =	vst v11  }
0x46: {  	v37 =	vld [tilespmem:s25+$0x2990];
	v8 =	vmul.f32 v30, v15;
	[tilespmem:s25+$0x2920] =	vst v9  }
0x47: {  	v38 =	vld [tilespmem:s25+$0x29A0];
	v41 =	vbroadcast v1, $0x3;
	v10 =	vmul.f32 v33, v15;
	[tilespmem:s25+$0x2930] =	vst v7  }
0x48: {  	v39 =	vld [tilespmem:s25+$0x29B0];
	v12 =	vmul.f32 v35, v15;
	[tilespmem:s25+$0x2940] =	vst v8  }
0x49: {  	v42 =	vld [tilespmem:s25+$0x29D0];
	v13 =	vmul.f32 v36, v41;
	[tilespmem:s25+$0x2960] =	vst v10  }
0x4a: {  	v43 =	vld [tilespmem:s25+$0x29E0];
	v11 =	vmul.f32 v31, v15;
	[tilespmem:s25+$0x2970] =	vst v12  }
0x4b: {  	v44 =	vld [tilespmem:s25+$0x29F0];
	v9 =	vmul.f32 v37, v41;
	[tilespmem:s25+$0x2980] =	vst v13  }
0x4c: {  	v40 =	vld [tilespmem:s25+$0x29C0];
	v7 =	vmul.f32 v38, v41;
	[tilespmem:s25+$0x2950] =	vst v11  }
0x4d: {  	v45 =	vld [tilespmem:s25+$0x2A00];
	v8 =	vmul.f32 v39, v41;
	[tilespmem:s25+$0x2990] =	vst v9  }
0x4e: {  	v46 =	vld [tilespmem:s25+$0x2A10];
	v10 =	vmul.f32 v42, v41;
	[tilespmem:s25+$0x29A0] =	vst v7  }
0x4f: {  	v47 =	vld [tilespmem:s25+$0x2A20];
	v12 =	vmul.f32 v43, v41;
	[tilespmem:s25+$0x29B0] =	vst v8  }
0x50: {  	v49 =	vld [tilespmem:s25+$0x2A40];
	v50 =	vbroadcast v1, $0x4;
	v13 =	vmul.f32 v44, v41;
	[tilespmem:s25+$0x29D0] =	vst v10  }
0x51: {  	v51 =	vld [tilespmem:s25+$0x2A50];
	v11 =	vmul.f32 v40, v41;
	[tilespmem:s25+$0x29E0] =	vst v12  }
0x52: {  	v52 =	vld [tilespmem:s25+$0x2A60];
	v9 =	vmul.f32 v45, v50;
	[tilespmem:s25+$0x29F0] =	vst v13  }
0x53: {  	v48 =	vld [tilespmem:s25+$0x2A30];
	v7 =	vmul.f32 v46, v50;
	[tilespmem:s25+$0x29C0] =	vst v11  }
0x54: {  	v53 =	vld [tilespmem:s25+$0x2A70];
	v8 =	vmul.f32 v47, v50;
	[tilespmem:s25+$0x2A00] =	vst v9  }
0x55: {  	v54 =	vld [tilespmem:s25+$0x2A80];
	v10 =	vmul.f32 v49, v50;
	[tilespmem:s25+$0x2A10] =	vst v7  }
0x56: {  	v55 =	vld [tilespmem:s25+$0x2A90];
	v12 =	vmul.f32 v51, v50;
	[tilespmem:s25+$0x2A20] =	vst v8  }
0x57: {  	v57 =	vld [tilespmem:s25+$0x2AB0];
	v13 =	vmul.f32 v52, v50;
	[tilespmem:s25+$0x2A40] =	vst v10  }
0x58: {  	v58 =	vld [tilespmem:s25+$0x2AC0];
	v59 =	vbroadcast v1, $0x5;
	v11 =	vmul.f32 v48, v50;
	[tilespmem:s25+$0x2A50] =	vst v12  }
0x59: {  	v60 =	vld [tilespmem:s25+$0x2AD0];
	v9 =	vmul.f32 v53, v50;
	[tilespmem:s25+$0x2A60] =	vst v13  }
0x5a: {  	v56 =	vld [tilespmem:s25+$0x2AA0];
	v7 =	vmul.f32 v54, v59;
	[tilespmem:s25+$0x2A30] =	vst v11  }
0x5b: {  	v61 =	vld [tilespmem:s25+$0x2AE0];
	v8 =	vmul.f32 v55, v59;
	[tilespmem:s25+$0x2A70] =	vst v9  }
0x5c: {  	v62 =	vld [tilespmem:s25+$0x2AF0];
	v10 =	vmul.f32 v57, v59;
	[tilespmem:s25+$0x2A80] =	vst v7  }
0x5d: {  	v63 =	vld [tilespmem:s25+$0x2B00];
	v12 =	vmul.f32 v58, v59;
	[tilespmem:s25+$0x2A90] =	vst v8  }
0x5e: {  	v19 =	vld [tilespmem:s25+$0x2B20];
	v13 =	vmul.f32 v60, v59;
	[tilespmem:s25+$0x2AB0] =	vst v10  }
0x5f: {  	v20 =	vld [tilespmem:s25+$0x2B30];
	v11 =	vmul.f32 v56, v59;
	[tilespmem:s25+$0x2AC0] =	vst v12  }
0x60: {  	v21 =	vld [tilespmem:s25+$0x2B40];
	v22 =	vbroadcast v1, $0x6;
	v9 =	vmul.f32 v61, v59;
	[tilespmem:s25+$0x2AD0] =	vst v13  }
0x61: {  	v18 =	vld [tilespmem:s25+$0x2B10];
	v7 =	vmul.f32 v62, v59;
	[tilespmem:s25+$0x2AA0] =	vst v11  }
0x62: {  	v23 =	vld [tilespmem:s25+$0x2B50];
	v8 =	vmul.f32 v63, v22;
	[tilespmem:s25+$0x2AE0] =	vst v9  }
0x63: {  	v24 =	vld [tilespmem:s25+$0x2B60];
	v10 =	vmul.f32 v19, v22;
	[tilespmem:s25+$0x2AF0] =	vst v7  }
0x64: {  	v25 =	vld [tilespmem:s25+$0x2B70];
	v12 =	vmul.f32 v20, v22;
	[tilespmem:s25+$0x2B00] =	vst v8  }
0x65: {  	v27 =	vld [tilespmem:s25+$0x2B90];
	v13 =	vmul.f32 v21, v22;
	[tilespmem:s25+$0x2B20] =	vst v10  }
0x66: {  	v28 =	vld [tilespmem:s25+$0x2BA0];
	v11 =	vmul.f32 v18, v22;
	[tilespmem:s25+$0x2B30] =	vst v12  }
0x67: {  	v29 =	vld [tilespmem:s25+$0x2BB0];
	v9 =	vmul.f32 v23, v22;
	[tilespmem:s25+$0x2B40] =	vst v13  }
0x68: {  	v31 =	vbroadcast v1, $0x7;
	v53 =	vld [tilespmem:s25+$0x2D00];
	v7 =	vmul.f32 v24, v22;
	[tilespmem:s25+$0x2B10] =	vst v11  }
0x69: {  	v57 =	vld [tilespmem:s25+$0x2D40];
	v8 =	vmul.f32 v25, v22;
	[tilespmem:s25+$0x2B50] =	vst v9  }
0x6a: {  	v58 =	vld [tilespmem:s25+$0x2D50];
	v10 =	vmul.f32 v27, v31;
	[tilespmem:s25+$0x2B60] =	vst v7  }
0x6b: {  	v26 =	vld [tilespmem:s25+$0x2B80];
	v12 =	vmul.f32 v28, v31;
	[tilespmem:s25+$0x2B70] =	vst v8  }
0x6c: {  	v30 =	vld [tilespmem:s25+$0x2BC0];
	v13 =	vmul.f32 v29, v31;
	[tilespmem:s25+$0x2B90] =	vst v10  }
0x6d: {  	v32 =	vld [tilespmem:s25+$0x2BD0];
	v59 =	vmul.f32 v53, v5;
	[tilespmem:s25+$0x2BA0] =	vst v12  }
0x6e: {  	v33 =	vld [tilespmem:s25+$0x2BE0];
	v18 =	vmul.f32 v57, v5;
	[tilespmem:s25+$0x2BB0] =	vst v13  }
0x6f: {  	v35 =	vld [tilespmem:s25+$0x2C00];
	v20 =	vmul.f32 v58, v5;
	[tilespmem:s25+$0x2D00] =	vst v59  }
0x70: {  	v36 =	vld [tilespmem:s25+$0x2C10];
	v11 =	vmul.f32 v26, v31;
	[tilespmem:s25+$0x2D40] =	vst v18  }
0x71: {  	v37 =	vld [tilespmem:s25+$0x2C20];
	v9 =	vmul.f32 v30, v31;
	[tilespmem:s25+$0x2D50] =	vst v20  }
0x72: {  	v4 =	vld [tilespmem:s25+$0x2D80];
	v40 =	vbroadcast v1, $0x8;
	v7 =	vmul.f32 v32, v31;
	[tilespmem:s25+$0x2B80] =	vst v11  }
0x73: {  	v6 =	vld [tilespmem:s25+$0x2D90];
	v8 =	vmul.f32 v33, v31;
	[tilespmem:s25+$0x2BC0] =	vst v9  }
0x74: {  	v3 =	vld [tilespmem:s25+$0x2FD0];
	v10 =	vmul.f32 v35, v40;
	[tilespmem:s25+$0x2BD0] =	vst v7  }
0x75: {  	v61 =	vld [tilespmem:s25+$0x2800];
	v23 =	vbroadcast v1, $0xB;
	v12 =	vmul.f32 v36, v40;
	[tilespmem:s25+$0x2BE0] =	vst v8  }
0x76: {  	v34 =	vld [tilespmem:s25+$0x2BF0];
	v13 =	vmul.f32 v37, v40;
	[tilespmem:s25+$0x2C00] =	vst v10  }
0x77: {  	v38 =	vld [tilespmem:s25+$0x2C30];
	v27 =	vbroadcast v1, $0xF;
	v4 =	vmul.f32 v4, v23;
	[tilespmem:s25+$0x2C10] =	vst v12  }
0x78: {  	v39 =	vld [tilespmem:s25+$0x2C40];
	v6 =	vmul.f32 v6, v23;
	[tilespmem:s25+$0x2C20] =	vst v13  }
0x79: {  	v41 =	vld [tilespmem:s25+$0x2C50];
	v3 =	vmul.f32 v3, v27;
	[tilespmem:s25+$0x2D80] =	vst v4  }
0x7a: {  	v43 =	vld [tilespmem:s25+$0x2C70];
	v24 =	vmul.f32 v2, v61;
	[tilespmem:s25+$0x2D90] =	vst v6  }
0x7b: {  	v44 =	vld [tilespmem:s25+$0x2C80];
	v11 =	vmul.f32 v34, v31;
	[tilespmem:s25+$0x2FD0] =	vst v3  }
0x7c: {  	v45 =	vld [tilespmem:s25+$0x2C90];
	v9 =	vmul.f32 v38, v40;
	[tilespmem:s25+$0x2800] =	vst v24  }
0x7d: {  	v63 =	vld [tilespmem:s25+$0x2840];
	v7 =	vmul.f32 v39, v40;
	[tilespmem:s25+$0x2BF0] =	vst v11  }
0x7e: {  	v49 =	vbroadcast v1, $0x9;
	v29 =	vld [tilespmem:s25+$0x2DF0];
	v8 =	vmul.f32 v41, v40;
	[tilespmem:s25+$0x2C30] =	vst v9  }
0x7f: {  	v42 =	vld [tilespmem:s25+$0x2C60];
	v10 =	vmul.f32 v43, v40;
	[tilespmem:s25+$0x2C40] =	vst v7  }
0x80: {  	v46 =	vld [tilespmem:s25+$0x2CA0];
	v12 =	vmul.f32 v44, v49;
	[tilespmem:s25+$0x2C50] =	vst v8  }
0x81: {  	v47 =	vld [tilespmem:s25+$0x2CB0];
	v13 =	vmul.f32 v45, v49;
	[tilespmem:s25+$0x2C70] =	vst v10  }
0x82: {  	v48 =	vld [tilespmem:s25+$0x2CC0];
	v3 =	vmul.f32 v63, v2;
	[tilespmem:s25+$0x2C80] =	vst v12  }
0x83: {  	v51 =	vld [tilespmem:s25+$0x2CE0];
	v6 =	vmul.f32 v29, v23;
	[tilespmem:s25+$0x2C90] =	vst v13  }
0x84: {  	v52 =	vld [tilespmem:s25+$0x2CF0];
	v11 =	vmul.f32 v42, v40;
	[tilespmem:s25+$0x2840] =	vst v3  }
0x85: {  	v28 =	vld [tilespmem:s25+$0x2DE0];
	v9 =	vmul.f32 v46, v49;
	[tilespmem:s25+$0x2DF0] =	vst v6  }
0x86: {  	v26 =	vld [tilespmem:s25+$0x2DD0];
	v7 =	vmul.f32 v47, v49;
	[tilespmem:s25+$0x2C60] =	vst v11  }
0x87: {  	v30 =	vld [tilespmem:s25+$0x2E00];
	v8 =	vmul.f32 v48, v49;
	[tilespmem:s25+$0x2CA0] =	vst v9  }
0x88: {  	v50 =	vld [tilespmem:s25+$0x2CD0];
	v10 =	vmul.f32 v51, v49;
	[tilespmem:s25+$0x2CB0] =	vst v7  }
0x89: {  	v54 =	vld [tilespmem:s25+$0x2D10];
	v12 =	vmul.f32 v52, v49;
	[tilespmem:s25+$0x2CC0] =	vst v8  }
0x8a: {  	v55 =	vld [tilespmem:s25+$0x2D20];
	v35 =	vbroadcast v1, $0xC;
	v40 =	vmul.f32 v28, v23;
	[tilespmem:s25+$0x2CE0] =	vst v10  }
0x8b: {  	v56 =	vld [tilespmem:s25+$0x2D30];
	v32 =	vmul.f32 v26, v23;
	[tilespmem:s25+$0x2CF0] =	vst v12  }
0x8c: {  	v60 =	vld [tilespmem:s25+$0x2D60];
	v15 =	vmul.f32 v30, v35;
	[tilespmem:s25+$0x2DE0] =	vst v40  }
0x8d: {  	v62 =	vld [tilespmem:s25+$0x2810];
	v11 =	vmul.f32 v50, v49;
	[tilespmem:s25+$0x2DD0] =	vst v32  }
0x8e: {  	v19 =	vld [tilespmem:s25+$0x2850];
	v9 =	vmul.f32 v54, v5;
	[tilespmem:s25+$0x2E00] =	vst v15  }
0x8f: {  	v33 =	vld [tilespmem:s25+$0x2E30];
	v7 =	vmul.f32 v55, v5;
	[tilespmem:s25+$0x2CD0] =	vst v11  }
0x90: {  	v61 =	vld [tilespmem:s25+$0x2FF0];
	v8 =	vmul.f32 v56, v5;
	[tilespmem:s25+$0x2D10] =	vst v9  }
0x91: {  	v38 =	vld [tilespmem:s25+$0x2E70];
	v5 =	vmul.f32 v60, v5;
	[tilespmem:s25+$0x2D20] =	vst v7  }
0x92: {  	v21 =	vld [tilespmem:s25+$0x2DA0];
	v12 =	vmul.f32 v62, v2;
	[tilespmem:s25+$0x2D30] =	vst v8  }
0x93: {  	v22 =	vld [tilespmem:s25+$0x2DB0];
	v2 =	vmul.f32 v19, v2;
	[tilespmem:s25+$0x2D60] =	vst v5  }
0x94: {  	v25 =	vld [tilespmem:s25+$0x2DC0];
	v62 =	vmul.f32 v33, v35;
	[tilespmem:s25+$0x2810] =	vst v12  }
0x95: {  	v31 =	vld [tilespmem:s25+$0x2E10];
	v63 =	vmul.f32 v61, v27;
	[tilespmem:s25+$0x2850] =	vst v2  }
0x96: {  	v34 =	vld [tilespmem:s25+$0x2E40];
	v15 =	vmul.f32 v38, v35;
	[tilespmem:s25+$0x2E30] =	vst v62  }
0x97: {  	v41 =	vld [tilespmem:s25+$0x2EA0];
	v7 =	vmul.f32 v21, v23;
	[tilespmem:s25+$0x2FF0] =	vst v63  }
0x98: {  	v46 =	vld [tilespmem:s25+$0x2EE0];
	v8 =	vmul.f32 v22, v23;
	[tilespmem:s25+$0x2E70] =	vst v15  }
0x99: {  	v36 =	vld [tilespmem:s25+$0x2E50];
	v5 =	vmul.f32 v25, v23;
	[tilespmem:s25+$0x2DA0] =	vst v7  }
0x9a: {  	v44 =	vbroadcast v1, $0xD;
	v9 =	vmul.f32 v31, v35;
	v2 =	vld [tilespmem:s25+$0x2E90];
	[tilespmem:s25+$0x2DB0] =	vst v8  }
0x9b: {  	v37 =	vld [tilespmem:s25+$0x2E60];
	v12 =	vmul.f32 v34, v35;
	[tilespmem:s25+$0x2DC0] =	vst v5  }
0x9c: {  	v39 =	vld [tilespmem:s25+$0x2E80];
	v11 =	vmul.f32 v41, v44;
	[tilespmem:s25+$0x2E10] =	vst v9  }
0x9d: {  	v42 =	vld [tilespmem:s25+$0x2EB0];
	v51 =	vmul.f32 v46, v44;
	[tilespmem:s25+$0x2E40] =	vst v12  }
0x9e: {  	v48 =	vld [tilespmem:s25+$0x2F10];
	v8 =	vmul.f32 v36, v35;
	[tilespmem:s25+$0x2EA0] =	vst v11  }
0x9f: {  	v49 =	vld [tilespmem:s25+$0x2F20];
	[tilespmem:s25+$0x2EE0] =	vst v51;
	v2 =	vmul.f32 v2, v44  }
0xa0: {  	v50 =	vld [tilespmem:s25+$0x2F30];
	v5 =	vmul.f32 v37, v35;
	[tilespmem:s25+$0x2E50] =	vst v8  }
0xa1: {  	v1 =	vbroadcast v1, $0xE;
	v9 =	vmul.f32 v39, v44;
	[tilespmem:s25+$0x2E90] =	vst v2;
	v2 =	vld [tilespmem:s25+$0x2F00]  }
0xa2: {  	v60 =	vld [tilespmem:s25+$0x2FE0];
	v12 =	vmul.f32 v42, v44;
	[tilespmem:s25+$0x2E60] =	vst v5  }
0xa3: {  	v45 =	vld [tilespmem:s25+$0x2ED0];
	v11 =	vmul.f32 v48, v1;
	[tilespmem:s25+$0x2E80] =	vst v9  }
0xa4: {  	v47 =	vld [tilespmem:s25+$0x2EF0];
	v10 =	vmul.f32 v49, v1;
	[tilespmem:s25+$0x2EB0] =	vst v12  }
0xa5: {  	v43 =	vld [tilespmem:s25+$0x2EC0];
	v6 =	vmul.f32 v50, v1;
	[tilespmem:s25+$0x2F10] =	vst v11  }
0xa6: {  	v55 =	vld [tilespmem:s25+$0x2F80];
	[tilespmem:s25+$0x2F20] =	vst v10;
	v2 =	vmul.f32 v2, v1  }
0xa7: {  	v57 =	vld [tilespmem:s25+$0x2FA0];
	v4 =	vmul.f32 v60, v27;
	[tilespmem:s25+$0x2F30] =	vst v6  }
0xa8: {  	v5 =	vmul.f32 v45, v44;
	[tilespmem:s25+$0x2F00] =	vst v2;
	v2 =	vld [tilespmem:s25+$0x2F70]  }
0xa9: {  	v52 =	vld [tilespmem:s25+$0x2F40];
	v9 =	vmul.f32 v47, v44;
	[tilespmem:s25+$0x2FE0] =	vst v4  }
0xaa: {  	v56 =	vld [tilespmem:s25+$0x2F90];
	v8 =	vmul.f32 v43, v44;
	[tilespmem:s25+$0x2ED0] =	vst v5  }
0xab: {  	v54 =	vld [tilespmem:s25+$0x2F60];
	v11 =	vmul.f32 v55, v27;
	[tilespmem:s25+$0x2EF0] =	vst v9  }
0xac: {  	v58 =	vld [tilespmem:s25+$0x2FB0];
	v6 =	vmul.f32 v57, v27;
	[tilespmem:s25+$0x2EC0] =	vst v8  }
0xad: {  	v53 =	vld [tilespmem:s25+$0x2F50];
	[tilespmem:s25+$0x2F80] =	vst v11;
	v2 =	vmul.f32 v2, v1  }
0xae: {  	v59 =	vld [tilespmem:s25+$0x2FC0];
	v5 =	vmul.f32 v52, v1;
	[tilespmem:s25+$0x2FA0] =	vst v6  }
0xaf: {  	[tilespmem:s25+$0x2F70] =	vst v2;
	v2 =	vmul.f32 v56, v27  }
0xb0: {  	v3 =	vld [tilespmem:s25+$0x2E20];
	v9 =	vmul.f32 v54, v1;
	[tilespmem:s25+$0x2F40] =	vst v5  }
0xb1: {  	[tilespmem:s25+$0x2F90] =	vst v2;
	v2 =	vmul.f32 v58, v27  }
0xb2: {  	[tilespmem:s25+$0x2F60] =	vst v9;
	v1 =	vmul.f32 v53, v1  }
0xb3: {  	[tilespmem:s25+$0x2FB0] =	vst v2;
	v2 =	vmul.f32 v59, v27  }
0xb4: {  	[tilespmem:s25+$0x2F50] =	vst v1  }
0xb5: {  	s26 =	simm.s32 $0x1;
	[tilespmem:s25+$0x2FC0] =	vst v2;
	v2 =	vmul.f32 v3, v35  }
.LBB2_4:
0xb6: {  	s28 =	sshll.u32 s26, $0x4  }
0xb7: {  	p0 =	sne.s32 s26, $0x4;
	[tilespmem:s25+$0x2E20] =	vst v2;
	s25 =	smov.u32 s26;
	s26 =	sadd.s32 $0x1, s26  }
0xb8: {  	s28 =	sand.u32 $0x3FFFFFF0, s28  }
0xb9: {  	v1 =	vld.idx.msk [tilespmem:v0+s28+$0x0 ss:$0x1], $0xffff  }
0xba: {  	s25 =	sshll.u32 s25, $0xB  }
0xbb: {  	s25 =	sand.u32 $0x3FFFF800, s25  }
0xbc: {  	v8 =	vld [tilespmem:s25+$0x28C0]  }
0xbd: {  	v9 =	vld [tilespmem:s25+$0x28D0]  }
0xbe: {  	v10 =	vld [tilespmem:s25+$0x28B0]  }
0xbf: {  	v2 =	vbroadcast v1, $0x0;
	v7 =	vbroadcast v1, $0x4;
	v3 =	vld [tilespmem:s25+$0x2820]  }
0xc0: {  	v5 =	vld [tilespmem:s25+$0x2830]  }
0xc1: {  	v6 =	vld [tilespmem:s25+$0x2D70]  }
0xc2: {  	v11 =	vld [tilespmem:s25+$0x2860]  }
0xc3: {  	v12 =	vld [tilespmem:s25+$0x2870]  }
0xc4: {  	v4 =	vbroadcast v1, $0xA;
	v3 =	vmul.f32 v3, v2;
	v13 =	vld [tilespmem:s25+$0x2880]  }
0xc5: {  	v5 =	vmul.f32 v5, v2;
	v14 =	vld [tilespmem:s25+$0x2890]  }
0xc6: {  	[tilespmem:s25+$0x2820] =	vst v3;
	v15 =	vld [tilespmem:s25+$0x28A0];
	v3 =	vmul.f32 v6, v4  }
0xc7: {  	[tilespmem:s25+$0x2830] =	vst v5;
	v6 =	vmul.f32 v11, v2;
	v11 =	vbroadcast v1, $0x1;
	v5 =	vld [tilespmem:s25+$0x2D80]  }
0xc8: {  	v12 =	vmul.f32 v12, v2;
	[tilespmem:s25+$0x2D70] =	vst v3;
	v3 =	vld [tilespmem:s25+$0x2FD0]  }
0xc9: {  	[tilespmem:s25+$0x2860] =	vst v6;
	v13 =	vmul.f32 v13, v11;
	v6 =	vld [tilespmem:s25+$0x2D90]  }
0xca: {  	[tilespmem:s25+$0x2870] =	vst v12;
	v12 =	vmul.f32 v14, v11;
	v14 =	vld [tilespmem:s25+$0x28E0]  }
0xcb: {  	[tilespmem:s25+$0x2880] =	vst v13;
	v13 =	vmul.f32 v15, v11;
	v15 =	vld [tilespmem:s25+$0x28F0]  }
0xcc: {  	v10 =	vmul.f32 v10, v11;
	[tilespmem:s25+$0x2890] =	vst v12;
	v12 =	vld [tilespmem:s25+$0x2900]  }
0xcd: {  	v8 =	vmul.f32 v8, v11;
	[tilespmem:s25+$0x28A0] =	vst v13;
	v13 =	vld [tilespmem:s25+$0x2910]  }
0xce: {  	v9 =	vmul.f32 v9, v11;
	[tilespmem:s25+$0x28B0] =	vst v10;
	v10 =	vld [tilespmem:s25+$0x2920]  }
0xcf: {  	[tilespmem:s25+$0x28C0] =	vst v8;
	v8 =	vmul.f32 v14, v11;
	v14 =	vbroadcast v1, $0x2;
	v16 =	vld [tilespmem:s25+$0x2930]  }
0xd0: {  	[tilespmem:s25+$0x28D0] =	vst v9;
	v9 =	vmul.f32 v15, v11;
	v11 =	vld [tilespmem:s25+$0x2940]  }
0xd1: {  	[tilespmem:s25+$0x28E0] =	vst v8;
	v8 =	vmul.f32 v12, v14;
	v12 =	vld [tilespmem:s25+$0x2950]  }
0xd2: {  	[tilespmem:s25+$0x28F0] =	vst v9;
	v9 =	vmul.f32 v13, v14;
	v13 =	vld [tilespmem:s25+$0x2960]  }
0xd3: {  	[tilespmem:s25+$0x2900] =	vst v8;
	v8 =	vmul.f32 v10, v14;
	v10 =	vld [tilespmem:s25+$0x2970]  }
0xd4: {  	[tilespmem:s25+$0x2910] =	vst v9;
	v9 =	vmul.f32 v16, v14;
	v15 =	vld [tilespmem:s25+$0x2980]  }
0xd5: {  	[tilespmem:s25+$0x2920] =	vst v8;
	v8 =	vmul.f32 v11, v14;
	v11 =	vld [tilespmem:s25+$0x2990]  }
0xd6: {  	[tilespmem:s25+$0x2930] =	vst v9;
	v9 =	vmul.f32 v12, v14;
	v12 =	vld [tilespmem:s25+$0x29A0]  }
0xd7: {  	[tilespmem:s25+$0x2940] =	vst v8;
	v8 =	vmul.f32 v13, v14;
	v13 =	vbroadcast v1, $0x3;
	v16 =	vld [tilespmem:s25+$0x29B0]  }
0xd8: {  	[tilespmem:s25+$0x2950] =	vst v9;
	v9 =	vmul.f32 v10, v14;
	v10 =	vld [tilespmem:s25+$0x29C0]  }
0xd9: {  	[tilespmem:s25+$0x2960] =	vst v8;
	v8 =	vmul.f32 v15, v13;
	v14 =	vld [tilespmem:s25+$0x29D0]  }
0xda: {  	[tilespmem:s25+$0x2970] =	vst v9;
	v9 =	vmul.f32 v11, v13;
	v11 =	vld [tilespmem:s25+$0x29E0]  }
0xdb: {  	[tilespmem:s25+$0x2980] =	vst v8;
	v8 =	vmul.f32 v12, v13;
	v12 =	vld [tilespmem:s25+$0x29F0]  }
0xdc: {  	[tilespmem:s25+$0x2990] =	vst v9;
	v9 =	vmul.f32 v16, v13;
	v15 =	vld [tilespmem:s25+$0x2A00]  }
0xdd: {  	[tilespmem:s25+$0x29A0] =	vst v8;
	v8 =	vmul.f32 v10, v13;
	v10 =	vld [tilespmem:s25+$0x2A10]  }
0xde: {  	[tilespmem:s25+$0x29B0] =	vst v9;
	v9 =	vmul.f32 v14, v13;
	v14 =	vld [tilespmem:s25+$0x2A20]  }
0xdf: {  	[tilespmem:s25+$0x29C0] =	vst v8;
	v8 =	vmul.f32 v11, v13;
	v11 =	vld [tilespmem:s25+$0x2A30]  }
0xe0: {  	[tilespmem:s25+$0x29D0] =	vst v9;
	v9 =	vmul.f32 v12, v13;
	v12 =	vld [tilespmem:s25+$0x2A40]  }
0xe1: {  	[tilespmem:s25+$0x29E0] =	vst v8;
	v8 =	vmul.f32 v15, v7;
	v13 =	vld [tilespmem:s25+$0x2A50]  }
0xe2: {  	[tilespmem:s25+$0x29F0] =	vst v9;
	v9 =	vmul.f32 v10, v7;
	v10 =	vld [tilespmem:s25+$0x2A60]  }
0xe3: {  	[tilespmem:s25+$0x2A00] =	vst v8;
	v8 =	vmul.f32 v14, v7;
	v14 =	vld [tilespmem:s25+$0x2A70]  }
0xe4: {  	[tilespmem:s25+$0x2A10] =	vst v9;
	v9 =	vmul.f32 v11, v7;
	v11 =	vld [tilespmem:s25+$0x2A80]  }
0xe5: {  	[tilespmem:s25+$0x2A20] =	vst v8;
	v8 =	vmul.f32 v12, v7;
	v12 =	vld [tilespmem:s25+$0x2A90]  }
0xe6: {  	[tilespmem:s25+$0x2A30] =	vst v9;
	v9 =	vmul.f32 v13, v7;
	v13 =	vld [tilespmem:s25+$0x2AA0]  }
0xe7: {  	[tilespmem:s25+$0x2A40] =	vst v8;
	v8 =	vmul.f32 v10, v7;
	v10 =	vbroadcast v1, $0x5;
	v15 =	vld [tilespmem:s25+$0x2AB0]  }
0xe8: {  	[tilespmem:s25+$0x2A50] =	vst v9;
	v7 =	vmul.f32 v14, v7;
	v9 =	vld [tilespmem:s25+$0x2AC0]  }
0xe9: {  	[tilespmem:s25+$0x2A60] =	vst v8;
	v8 =	vmul.f32 v11, v10;
	v11 =	vld [tilespmem:s25+$0x2AD0]  }
0xea: {  	[tilespmem:s25+$0x2A70] =	vst v7;
	v7 =	vmul.f32 v12, v10;
	v12 =	vld [tilespmem:s25+$0x2AE0]  }
0xeb: {  	[tilespmem:s25+$0x2A80] =	vst v8;
	v8 =	vmul.f32 v13, v10;
	v13 =	vld [tilespmem:s25+$0x2AF0]  }
0xec: {  	[tilespmem:s25+$0x2A90] =	vst v7;
	v7 =	vmul.f32 v15, v10;
	v14 =	vld [tilespmem:s25+$0x2B00]  }
0xed: {  	[tilespmem:s25+$0x2AA0] =	vst v8;
	v8 =	vmul.f32 v9, v10;
	v9 =	vld [tilespmem:s25+$0x2B10]  }
0xee: {  	[tilespmem:s25+$0x2AB0] =	vst v7;
	v7 =	vmul.f32 v11, v10;
	v11 =	vld [tilespmem:s25+$0x2B20]  }
0xef: {  	[tilespmem:s25+$0x2AC0] =	vst v8;
	v8 =	vmul.f32 v12, v10;
	v12 =	vbroadcast v1, $0x6;
	v15 =	vld [tilespmem:s25+$0x2B30]  }
0xf0: {  	[tilespmem:s25+$0x2AD0] =	vst v7;
	v7 =	vmul.f32 v13, v10;
	v10 =	vld [tilespmem:s25+$0x2B40]  }
0xf1: {  	[tilespmem:s25+$0x2AE0] =	vst v8;
	v8 =	vmul.f32 v14, v12;
	v13 =	vld [tilespmem:s25+$0x2B50]  }
0xf2: {  	[tilespmem:s25+$0x2AF0] =	vst v7;
	v7 =	vmul.f32 v9, v12;
	v9 =	vld [tilespmem:s25+$0x2B60]  }
0xf3: {  	[tilespmem:s25+$0x2B00] =	vst v8;
	v8 =	vmul.f32 v11, v12;
	v11 =	vld [tilespmem:s25+$0x2B70]  }
0xf4: {  	[tilespmem:s25+$0x2B10] =	vst v7;
	v7 =	vmul.f32 v15, v12;
	v14 =	vld [tilespmem:s25+$0x2B80]  }
0xf5: {  	[tilespmem:s25+$0x2B20] =	vst v8;
	v8 =	vmul.f32 v10, v12;
	v10 =	vld [tilespmem:s25+$0x2B90]  }
0xf6: {  	[tilespmem:s25+$0x2B30] =	vst v7;
	v7 =	vmul.f32 v13, v12;
	v13 =	vld [tilespmem:s25+$0x2BA0]  }
0xf7: {  	[tilespmem:s25+$0x2B40] =	vst v8;
	v8 =	vmul.f32 v9, v12;
	v9 =	vbroadcast v1, $0x7;
	v15 =	vld [tilespmem:s25+$0x2BB0]  }
0xf8: {  	[tilespmem:s25+$0x2B50] =	vst v7;
	v7 =	vmul.f32 v11, v12;
	v11 =	vld [tilespmem:s25+$0x2BC0]  }
0xf9: {  	[tilespmem:s25+$0x2B60] =	vst v8;
	v8 =	vmul.f32 v14, v9;
	v12 =	vld [tilespmem:s25+$0x2BD0]  }
0xfa: {  	[tilespmem:s25+$0x2B70] =	vst v7;
	v7 =	vmul.f32 v10, v9;
	v10 =	vld [tilespmem:s25+$0x2BE0]  }
0xfb: {  	[tilespmem:s25+$0x2B80] =	vst v8;
	v8 =	vmul.f32 v13, v9;
	v13 =	vld [tilespmem:s25+$0x2BF0]  }
0xfc: {  	[tilespmem:s25+$0x2B90] =	vst v7;
	v7 =	vmul.f32 v15, v9;
	v14 =	vld [tilespmem:s25+$0x2C00]  }
0xfd: {  	[tilespmem:s25+$0x2BA0] =	vst v8;
	v8 =	vmul.f32 v11, v9;
	v11 =	vld [tilespmem:s25+$0x2C10]  }
0xfe: {  	[tilespmem:s25+$0x2BB0] =	vst v7;
	v7 =	vmul.f32 v12, v9;
	v12 =	vld [tilespmem:s25+$0x2C20]  }
0xff: {  	[tilespmem:s25+$0x2BC0] =	vst v8;
	v8 =	vmul.f32 v10, v9;
	v10 =	vbroadcast v1, $0x8;
	v15 =	vld [tilespmem:s25+$0x2C30]  }
0x100: {  	[tilespmem:s25+$0x2BD0] =	vst v7;
	v7 =	vmul.f32 v13, v9;
	v9 =	vld [tilespmem:s25+$0x2C40]  }
0x101: {  	[tilespmem:s25+$0x2BE0] =	vst v8;
	v8 =	vmul.f32 v14, v10;
	v13 =	vld [tilespmem:s25+$0x2C50]  }
0x102: {  	[tilespmem:s25+$0x2BF0] =	vst v7;
	v7 =	vmul.f32 v11, v10;
	v11 =	vld [tilespmem:s25+$0x2C60]  }
0x103: {  	[tilespmem:s25+$0x2C00] =	vst v8;
	v8 =	vmul.f32 v12, v10;
	v12 =	vld [tilespmem:s25+$0x2C70]  }
0x104: {  	[tilespmem:s25+$0x2C10] =	vst v7;
	v7 =	vmul.f32 v15, v10;
	v14 =	vld [tilespmem:s25+$0x2C80]  }
0x105: {  	[tilespmem:s25+$0x2C20] =	vst v8;
	v8 =	vmul.f32 v9, v10;
	v9 =	vld [tilespmem:s25+$0x2C90]  }
0x106: {  	[tilespmem:s25+$0x2C30] =	vst v7;
	v7 =	vmul.f32 v13, v10;
	v13 =	vld [tilespmem:s25+$0x2CA0]  }
0x107: {  	[tilespmem:s25+$0x2C40] =	vst v8;
	v8 =	vmul.f32 v11, v10;
	v11 =	vbroadcast v1, $0x9;
	v15 =	vld [tilespmem:s25+$0x2CB0]  }
0x108: {  	[tilespmem:s25+$0x2C50] =	vst v7;
	v7 =	vmul.f32 v12, v10;
	v10 =	vld [tilespmem:s25+$0x2CC0]  }
0x109: {  	[tilespmem:s25+$0x2C60] =	vst v8;
	v8 =	vmul.f32 v14, v11;
	v12 =	vld [tilespmem:s25+$0x2CD0]  }
0x10a: {  	[tilespmem:s25+$0x2C70] =	vst v7;
	v7 =	vmul.f32 v9, v11;
	v9 =	vld [tilespmem:s25+$0x2CE0]  }
0x10b: {  	[tilespmem:s25+$0x2C80] =	vst v8;
	v8 =	vmul.f32 v13, v11;
	v13 =	vld [tilespmem:s25+$0x2CF0]  }
0x10c: {  	[tilespmem:s25+$0x2C90] =	vst v7;
	v7 =	vmul.f32 v15, v11;
	v14 =	vld [tilespmem:s25+$0x2D00]  }
0x10d: {  	[tilespmem:s25+$0x2CA0] =	vst v8;
	v8 =	vmul.f32 v10, v11;
	v10 =	vld [tilespmem:s25+$0x2D10]  }
0x10e: {  	[tilespmem:s25+$0x2CB0] =	vst v7;
	v7 =	vmul.f32 v12, v11;
	v12 =	vld [tilespmem:s25+$0x2D20]  }
0x10f: {  	[tilespmem:s25+$0x2CC0] =	vst v8;
	v8 =	vmul.f32 v9, v11;
	v9 =	vld [tilespmem:s25+$0x2D30]  }
0x110: {  	[tilespmem:s25+$0x2CD0] =	vst v7;
	v7 =	vmul.f32 v13, v11;
	v11 =	vld [tilespmem:s25+$0x2D40]  }
0x111: {  	[tilespmem:s25+$0x2CE0] =	vst v8;
	v8 =	vmul.f32 v14, v4;
	v13 =	vld [tilespmem:s25+$0x2D50]  }
0x112: {  	[tilespmem:s25+$0x2CF0] =	vst v7;
	v7 =	vmul.f32 v10, v4;
	v10 =	vld [tilespmem:s25+$0x2D60]  }
0x113: {  	v14 =	vld [tilespmem:s25+$0x2800];
	[tilespmem:s25+$0x2D00] =	vst v8;
	v8 =	vmul.f32 v12, v4  }
0x114: {  	v12 =	vld [tilespmem:s25+$0x2810];
	[tilespmem:s25+$0x2D10] =	vst v7;
	v7 =	vmul.f32 v9, v4  }
0x115: {  	v9 =	vld [tilespmem:s25+$0x2840];
	[tilespmem:s25+$0x2D20] =	vst v8;
	v8 =	vmul.f32 v11, v4  }
0x116: {  	v11 =	vld [tilespmem:s25+$0x2850];
	[tilespmem:s25+$0x2D30] =	vst v7;
	v7 =	vmul.f32 v13, v4  }
0x117: {  	[tilespmem:s25+$0x2D40] =	vst v8;
	v8 =	vmul.f32 v10, v4;
	v10 =	vbroadcast v1, $0xB;
	v13 =	vld [tilespmem:s25+$0x2DA0]  }
0x118: {  	v4 =	vbroadcast v1, $0xF;
	v14 =	vmul.f32 v2, v14;
	[tilespmem:s25+$0x2D50] =	vst v7;
	v7 =	vld [tilespmem:s25+$0x2DB0]  }
0x119: {  	v12 =	vmul.f32 v12, v2;
	[tilespmem:s25+$0x2D60] =	vst v8;
	v5 =	vmul.f32 v5, v10;
	v8 =	vld [tilespmem:s25+$0x2DC0]  }
0x11a: {  	v6 =	vmul.f32 v6, v10;
	[tilespmem:s25+$0x2800] =	vst v14;
	v9 =	vmul.f32 v9, v2;
	v14 =	vld [tilespmem:s25+$0x2DD0]  }
0x11b: {  	v3 =	vmul.f32 v3, v4;
	v11 =	vmul.f32 v11, v2;
	[tilespmem:s25+$0x2D80] =	vst v5;
	v2 =	vld [tilespmem:s25+$0x2DE0]  }
0x11c: {  	[tilespmem:s25+$0x2D90] =	vst v6;
	v5 =	vmul.f32 v13, v10;
	v6 =	vld [tilespmem:s25+$0x2DF0]  }
0x11d: {  	v7 =	vmul.f32 v7, v10;
	v13 =	vld [tilespmem:s25+$0x2E00];
	[tilespmem:s25+$0x2FD0] =	vst v3  }
0x11e: {  	[tilespmem:s25+$0x2810] =	vst v12;
	v3 =	vmul.f32 v8, v10;
	v8 =	vld [tilespmem:s25+$0x2E10]  }
0x11f: {  	[tilespmem:s25+$0x2840] =	vst v9;
	v9 =	vmul.f32 v14, v10;
	v12 =	vld [tilespmem:s25+$0x2E20]  }
0x120: {  	v14 =	vbroadcast v1, $0xC;
	[tilespmem:s25+$0x2DA0] =	vst v5;
	v5 =	vmul.f32 v2, v10;
	v15 =	vld [tilespmem:s25+$0x2E30]  }
0x121: {  	[tilespmem:s25+$0x2DD0] =	vst v9;
	v6 =	vmul.f32 v6, v10;
	v9 =	vld [tilespmem:s25+$0x2E40]  }
0x122: {  	[tilespmem:s25+$0x2DB0] =	vst v7;
	v2 =	vmul.f32 v13, v14;
	v7 =	vld [tilespmem:s25+$0x2E50]  }
0x123: {  	[tilespmem:s25+$0x2DC0] =	vst v3;
	v3 =	vmul.f32 v8, v14;
	v8 =	vld [tilespmem:s25+$0x2E60]  }
0x124: {  	[tilespmem:s25+$0x2E00] =	vst v2;
	v2 =	vmul.f32 v12, v14;
	v10 =	vld [tilespmem:s25+$0x2E70]  }
0x125: {  	[tilespmem:s25+$0x2E10] =	vst v3;
	v3 =	vld [tilespmem:s25+$0x2E80]  }
0x126: {  	[tilespmem:s25+$0x2850] =	vst v11;
	v9 =	vmul.f32 v9, v14;
	v11 =	vld [tilespmem:s25+$0x2E90]  }
0x127: {  	[tilespmem:s25+$0x2DE0] =	vst v5;
	v5 =	vmul.f32 v7, v14;
	v7 =	vld [tilespmem:s25+$0x2EA0]  }
0x128: {  	[tilespmem:s25+$0x2E40] =	vst v9;
	v8 =	vmul.f32 v8, v14;
	v9 =	vbroadcast v1, $0xD;
	v12 =	vld [tilespmem:s25+$0x2EB0]  }
0x129: {  	[tilespmem:s25+$0x2E50] =	vst v5;
	v5 =	vmul.f32 v10, v14;
	v10 =	vld [tilespmem:s25+$0x2EC0]  }
0x12a: {  	[tilespmem:s25+$0x2E60] =	vst v8;
	v3 =	vmul.f32 v3, v9;
	v8 =	vld [tilespmem:s25+$0x2ED0]  }
0x12b: {  	[tilespmem:s25+$0x2E70] =	vst v5;
	v5 =	vmul.f32 v11, v9;
	v11 =	vld [tilespmem:s25+$0x2EE0]  }
0x12c: {  	[tilespmem:s25+$0x2E80] =	vst v3;
	v3 =	vmul.f32 v7, v9;
	v7 =	vld [tilespmem:s25+$0x2EF0]  }
0x12d: {  	[tilespmem:s25+$0x2E90] =	vst v5;
	v5 =	vmul.f32 v12, v9;
	v12 =	vld [tilespmem:s25+$0x2F00]  }
0x12e: {  	[tilespmem:s25+$0x2EA0] =	vst v3;
	v3 =	vmul.f32 v10, v9;
	v10 =	vld [tilespmem:s25+$0x2F10]  }
0x12f: {  	[tilespmem:s25+$0x2EB0] =	vst v5;
	v5 =	vmul.f32 v8, v9;
	v8 =	vld [tilespmem:s25+$0x2F20]  }
0x130: {  	v1 =	vbroadcast v1, $0xE;
	[tilespmem:s25+$0x2DF0] =	vst v6;
	v6 =	vmul.f32 v11, v9;
	v11 =	vld [tilespmem:s25+$0x2F30]  }
0x131: {  	[tilespmem:s25+$0x2ED0] =	vst v5;
	v5 =	vmul.f32 v7, v9;
	v7 =	vld [tilespmem:s25+$0x2F40]  }
0x132: {  	[tilespmem:s25+$0x2EE0] =	vst v6;
	v6 =	vmul.f32 v12, v1;
	v9 =	vld [tilespmem:s25+$0x2F50]  }
0x133: {  	[tilespmem:s25+$0x2EF0] =	vst v5;
	v5 =	vmul.f32 v10, v1;
	v10 =	vld [tilespmem:s25+$0x2F60]  }
0x134: {  	[tilespmem:s25+$0x2F00] =	vst v6;
	v6 =	vmul.f32 v8, v1;
	v8 =	vld [tilespmem:s25+$0x2F70]  }
0x135: {  	[tilespmem:s25+$0x2F10] =	vst v5;
	v5 =	vmul.f32 v11, v1;
	v11 =	vld [tilespmem:s25+$0x2F80]  }
0x136: {  	[tilespmem:s25+$0x2F20] =	vst v6;
	v6 =	vmul.f32 v7, v1;
	v7 =	vld [tilespmem:s25+$0x2F90]  }
0x137: {  	[tilespmem:s25+$0x2F30] =	vst v5;
	v5 =	vmul.f32 v9, v1;
	v9 =	vld [tilespmem:s25+$0x2FA0]  }
0x138: {  	[tilespmem:s25+$0x2F40] =	vst v6;
	v6 =	vmul.f32 v10, v1;
	v10 =	vld [tilespmem:s25+$0x2FB0]  }
0x139: {  	[tilespmem:s25+$0x2EC0] =	vst v3;
	v1 =	vmul.f32 v8, v1;
	v3 =	vld [tilespmem:s25+$0x2FC0]  }
0x13a: {  	[tilespmem:s25+$0x2F60] =	vst v6;
	v6 =	vmul.f32 v11, v4;
	v8 =	vld [tilespmem:s25+$0x2FE0]  }
0x13b: {  	[tilespmem:s25+$0x2F70] =	vst v1;
	v1 =	vmul.f32 v7, v4;
	v7 =	vld [tilespmem:s25+$0x2FF0]  }
0x13c: {  	[tilespmem:s25+$0x2F80] =	vst v6;
	v6 =	vmul.f32 v9, v4  }
0x13d: {  	[tilespmem:s25+$0x2F90] =	vst v1;
	v1 =	vmul.f32 v10, v4  }
0x13e: {  	v9 =	vmul.f32 v15, v14;
	[tilespmem:s25+$0x2FA0] =	vst v6  }
0x13f: {  	[tilespmem:s25+$0x2FB0] =	vst v1;
	v1 =	vmul.f32 v3, v4  }
.Ltmp0:
0x140: {  	[tilespmem:s25+$0x2E30] =	vst v9;
	v3 =	vmul.f32 v7, v4;
	(pc) =	sbr.rel @p0 .LBB2_4-.Ltmp0, $4  }
0x141: {  	[tilespmem:s25+$0x2FC0] =	vst v1  }
0x142: {  	v1 =	vmul.f32 v8, v4;
	[tilespmem:s25+$0x2FF0] =	vst v3  }
0x143: {  	[tilespmem:s25+$0x2F50] =	vst v5  }
0x144: {  	[tilespmem:s25+$0x2FE0] =	vst v1  }
0x145: {  	s23 =	sadd.s32 $0x1, s23  }
0x146: {  	p0 =	sne.s32 s23, $0x19  }
.Ltmp1:
0x147: {  	[tilespmem:s25+$0x2E20] =	vst v2;
	s24 =	sadd.s32 $0x1000, s24;
	(pc) =	sbr.rel @p0 .LBB2_3-.Ltmp1, $4  }
0x148: {  	[spmem:s2] =	stream.indirect.scatter.add.f32 [tilespmem:s20], [sflag:$0x2], $0x80, s24, s19, $0xb8;
	[tilespmem:$0x18C00] =	vst v63  }
0x149: {  	_ =	swait.ge [sflag:s14], $0x2800  }
0x14a: {  	[sflag:s14] =	ssyncset.done $0x0  }
0x14b: {  	[sflag:s14] =	ssyncadd.s32 $0xFFFFD800  }
0x14c: {  	s22 =	sadd.s32 $0x1, s22  }
0x14d: {  	p0 =	sne.s32 s22, $0x5  }
.Ltmp2:
0x14e: {  	_ = 	snop;
	(pc) =	sbr.rel @p0 .LBB2_2-.Ltmp2, $1  }
0x14f: {  	_ =	sdelay $0x3  }
0x150: {  	s4 =	sadd.s32 $0x1, s4  }
0x151: {  	p0 =	sne.s32 s4, s12  }
.Ltmp3:
0x152: {  	[bflag:$0x0] =	sbarrier.arrive $0xFFFF;
	(pc) =	sbr.rel @p0 .LBB2_1-.Ltmp3, $4  }
0x153: {  	[hbm:s11], [sflag:s8] =	dma.local [spmem:s13], $0x2780  }
0x154: {  	_ =	swait.ge [sflag:s14], $0x2780  }
0x155: {  	[sflag:s14] =	ssyncset.done $0x0  }
0x156: {  	[sflag:s14] =	ssyncadd.s32 $0xFFFFD880  }
0x157: {  	_ =	sfence.sel $0x180000  }
0x158: {  	[bflag:$0x0] =	sbarrier.arrive $0xFFFF  }
0x159: {  	p0 =	sne.s32 s3, $0x0;
	_ =	strace $0x90000047  }
0x15a: {  	s0 =	sadd.s32 @!p0 $0x100000, s0;
	[bflag:$0x2] =	sbarrier.arrive $0xFFFF  }
0x15b: {  	[sflag:s0] =	ssyncadd.tile.s32 @!p0 $0x1;
	_ =	shalt  }
.Lfunc_end2:
_tile_overlayer_lowered:
.L_overlay_start_2:
0x15c: {  	(tag) =	ssettag $0x2  }
0x15d: {  	s0 =	rddreg [dreg:$0x0];
	s2 =	stileid.u32  }
0x15e: {  	s1 =	rddreg [dreg:$0x1];
	p0 =	sne.s32 s2, $0x0  }
0x15f: {  	s3 =	rddreg [dreg:$0x2];
	[bflag:$0x3] =	sbarrier.arrive $0xFFFF;
	s2 =	simm.s32 @!p0 $0x1C02  }
0x160: {  	[timem:s3], [sflag:s2] =	dma.local @!p0 [hbm:s0], s1  }
0x161: {  	s0 =	simm.s32 @!p0 $0x2  }
0x162: {  	_ =	swait.ge @!p0 [sflag:s0], s1  }
0x163: {  	s1 =	ssub.s32 @!p0 $0x0, s1;
	[sflag:s0] =	ssyncset.done @!p0 $0x0  }
0x164: {  	[sflag:s0] =	ssyncadd.s32 @!p0 s1  }
0x165: {  	[bflag:$0x3] =	sbarrier.arrive $0xFFFF  }
0x166: {  	_ =	shalt  }

</sc_bundles>
